<compile_context>
chip_gen: v7x
topology: tpu7x:2x2x1
jax: 0.10.2.dev20260603
libtpu: 0.0.44.dev20260713+nightly
codegen_flags: <defaults>
</compile_context>

<pallas_src>
import functools

import jax
import jax.numpy as jnp
from jax import lax
from jax.experimental import pallas as pl
from jax.experimental.pallas import tpu as pltpu
from jax.experimental.pallas import tpu_sc as plsc

NUM_CORES = 2
NUM_SUBCORES = 16
NUM_WORKERS = NUM_CORES * NUM_SUBCORES
LANES = 16

BATCH = 16384
RANK = 16
ROWS_PER_GRANULE = 128 // RANK

BPW = BATCH // NUM_WORKERS
CHUNK = 128
NCHUNK = BPW // CHUNK
NGROUP = CHUNK // LANES


def _bpr_body(uid_hbm, pid_hbm, nid_hbm, utab, itab,
              pos_hbm, neg_hbm,
              uid_v, pid_v, nid_v, ugid, pgid, ngid,
              ubuf, pbuf, nbuf, pos_v, neg_v, sem):
    c = lax.axis_index("c")
    s = lax.axis_index("s")
    wid = s * NUM_CORES + c
    base = wid * BPW

    pltpu.sync_copy(uid_hbm.at[pl.ds(base, BPW)], uid_v)
    pltpu.sync_copy(pid_hbm.at[pl.ds(base, BPW)], pid_v)
    pltpu.sync_copy(nid_hbm.at[pl.ds(base, BPW)], nid_v)

    def gids(i, carry):
        sl = pl.ds(i * LANES, LANES)
        ugid[sl] = lax.shift_right_logical(uid_v[sl], 3)
        pgid[sl] = lax.shift_right_logical(pid_v[sl], 3)
        ngid[sl] = lax.shift_right_logical(nid_v[sl], 3)
        return carry

    lax.fori_loop(0, BPW // LANES, gids, 0)

    for ch in range(NCHUNK):
        csl = pl.ds(ch * CHUNK, CHUNK)
        hu = pltpu.make_async_copy(utab.at[ugid.at[csl]], ubuf, sem)
        hp = pltpu.make_async_copy(itab.at[pgid.at[csl]], pbuf, sem)
        hn = pltpu.make_async_copy(itab.at[ngid.at[csl]], nbuf, sem)
        hu.start()
        hp.start()
        hn.start()
        hu.wait()
        hp.wait()
        hn.wait()

        def group(g, carry):
            gsl = pl.ds(ch * CHUNK + g * LANES, LANES)
            rows = g * LANES + lax.iota(jnp.int32, LANES)
            ucol = (uid_v[gsl] & (ROWS_PER_GRANULE - 1)) * RANK
            pcol = (pid_v[gsl] & (ROWS_PER_GRANULE - 1)) * RANK
            ncol = (nid_v[gsl] & (ROWS_PER_GRANULE - 1)) * RANK
            accp = jnp.zeros((LANES,), jnp.float32)
            accn = jnp.zeros((LANES,), jnp.float32)
            for f in range(RANK):
                u = plsc.load_gather(ubuf, [rows, ucol + f])
                p = plsc.load_gather(pbuf, [rows, pcol + f])
                n = plsc.load_gather(nbuf, [rows, ncol + f])
                accp = accp + u * p
                accn = accn + u * n
            pos_v[gsl] = accp
            neg_v[gsl] = accn
            return carry

        lax.fori_loop(0, NGROUP, group, 0)

    pltpu.sync_copy(pos_v, pos_hbm.at[pl.ds(base, BPW)])
    pltpu.sync_copy(neg_v, neg_hbm.at[pl.ds(base, BPW)])


@functools.partial(
    pl.kernel,
    out_type=(jax.ShapeDtypeStruct((BATCH,), jnp.float32),
              jax.ShapeDtypeStruct((BATCH,), jnp.float32)),
    mesh=plsc.VectorSubcoreMesh(core_axis_name="c", subcore_axis_name="s"),
    scratch_types=[
        pltpu.VMEM((BPW,), jnp.int32),
        pltpu.VMEM((BPW,), jnp.int32),
        pltpu.VMEM((BPW,), jnp.int32),
        pltpu.VMEM((BPW,), jnp.int32),
        pltpu.VMEM((BPW,), jnp.int32),
        pltpu.VMEM((BPW,), jnp.int32),
        pltpu.VMEM((CHUNK, 128), jnp.float32),
        pltpu.VMEM((CHUNK, 128), jnp.float32),
        pltpu.VMEM((CHUNK, 128), jnp.float32),
        pltpu.VMEM((BPW,), jnp.float32),
        pltpu.VMEM((BPW,), jnp.float32),
        pltpu.SemaphoreType.DMA,
    ],
    compiler_params=pltpu.CompilerParams(needs_layout_passes=False,
                                         use_tc_tiling_on_sc=False),
)
def _bpr_sc(uid, pid, nid, utab, itab, pos_out, neg_out, *scratch):
    _bpr_body(uid, pid, nid, utab, itab, pos_out, neg_out, *scratch)


def kernel(user_ids, pos_items, neg_items, user_table, item_table):
    n_gran = user_table.shape[0] * RANK // 128
    return _bpr_sc(user_ids.astype(jnp.int32),
                   pos_items.astype(jnp.int32),
                   neg_items.astype(jnp.int32),
                   user_table.reshape(n_gran, 128),
                   item_table.reshape(n_gran, 128))

# --- scband reference (transcript-rebuilt; emitter-appended) ---
"""Pipeline reference for scband-bpr-46308337385761 (READ-ONLY COPY).

The authoritative reference and input builder live on the scoring server;
editing this copy changes nothing except your own understanding.
"""

import jax, jax.numpy as jnp
import numpy as np

NUM_USERS = 1000000
NUM_ITEMS = 1000000
RANK = 16
BATCH = 16384


def setup_inputs(seed: int = 0) -> dict:
    key = jax.random.key(seed)
    k1, k2, k3, k4, k5 = jax.random.split(key, 5)
    user_ids = jax.random.randint(k1, (BATCH,), 0, NUM_USERS, dtype=jnp.int64 if jax.config.jax_enable_x64 else jnp.int32)
    pos_items = jax.random.randint(k2, (BATCH,), 0, NUM_ITEMS, dtype=jnp.int64 if jax.config.jax_enable_x64 else jnp.int32)
    neg_items = jax.random.randint(k3, (BATCH,), 0, NUM_ITEMS, dtype=jnp.int64 if jax.config.jax_enable_x64 else jnp.int32)
    user_table = jax.random.normal(k4, (NUM_USERS, RANK), dtype=jnp.float32) * 0.01
    item_table = jax.random.normal(k5, (NUM_ITEMS, RANK), dtype=jnp.float32) * 0.01
    return {
        "user_ids": user_ids,
        "pos_items": pos_items,
        "neg_items": neg_items,
        "user_table": user_table,
        "item_table": item_table,
    }


def reference(user_ids, pos_items, neg_items, user_table, item_table):
    # NMF scoring: dot product of user and item embeddings (matrix factorization).
    u = jnp.take(user_table, user_ids, axis=0)          # [B, rank]
    p = jnp.take(item_table, pos_items, axis=0)          # [B, rank]
    n = jnp.take(item_table, neg_items, axis=0)          # [B, rank]
    pos_scores = jnp.sum(u * p, axis=-1)                 # [B]
    neg_scores = jnp.sum(u * n, axis=-1)                 # [B]
    return (pos_scores, neg_scores)

if __name__ == "__main__":
    import jax
    _d = setup_inputs()
    print(jax.jit(kernel)(*tuple(_d.values())))

</pallas_src>

<mosaic_0001>
#map = affine_map<(d0, d1) -> (0)>
#map1 = affine_map<(d0, d1) -> (0, 0)>
module attributes {stable_mosaic.version = 14 : i64} {
  func.func @_bpr_sc(%arg0: i32, %arg1: i32, %arg2: memref<16384xi32, #tpu.memory_space<hbm>>, %arg3: memref<16384xi32, #tpu.memory_space<hbm>>, %arg4: memref<16384xi32, #tpu.memory_space<hbm>>, %arg5: memref<125000x128xf32, #tpu.memory_space<hbm>>, %arg6: memref<125000x128xf32, #tpu.memory_space<hbm>>, %arg7: memref<16384xf32, #tpu.memory_space<hbm>>, %arg8: memref<16384xf32, #tpu.memory_space<hbm>>, %arg9: memref<512xi32, #tpu.memory_space<vmem>>, %arg10: memref<512xi32, #tpu.memory_space<vmem>>, %arg11: memref<512xi32, #tpu.memory_space<vmem>>, %arg12: memref<512xi32, #tpu.memory_space<vmem>>, %arg13: memref<512xi32, #tpu.memory_space<vmem>>, %arg14: memref<512xi32, #tpu.memory_space<vmem>>, %arg15: memref<128x128xf32, #tpu.memory_space<vmem>>, %arg16: memref<128x128xf32, #tpu.memory_space<vmem>>, %arg17: memref<128x128xf32, #tpu.memory_space<vmem>>, %arg18: memref<512xf32, #tpu.memory_space<vmem>>, %arg19: memref<512xf32, #tpu.memory_space<vmem>>, %arg20: memref<!tpu.dma_semaphore, #tpu.memory_space<semaphore_mem>>) attributes {dimension_semantics = [#tpu.dimension_semantics<core_parallel>, #tpu.dimension_semantics<subcore_parallel>], iteration_bounds = array<i64: 2, 16>, scalar_prefetch = 0 : i64, scratch_operands = 12 : i64, tpu.core_type = #tpu.core_type<sc_vector_subcore>, window_params = [{transform_indices = #map}, {transform_indices = #map}, {transform_indices = #map}, {transform_indices = #map1}, {transform_indices = #map1}, {transform_indices = #map}, {transform_indices = #map}]} {
    %mul3A = arith.constant 2 : i32
    %mul3A_0 = arith.muli %arg1, %mul3A : i32
    %add3A = arith.addi %mul3A_0, %arg0 : i32
    %mul3A_1 = arith.constant 512 : i32
    %mul3A_2 = arith.muli %add3A, %mul3A_1 : i32
    "tpu.region"() ({
      %run_scoped3A = tpu.sem_alloc : memref<!tpu.dma_semaphore, #tpu.memory_space<semaphore_mem>>
      %dma_start3A_150 = tpu.memref_slice %arg2[%mul3A_2] : memref<16384xi32, #tpu.memory_space<hbm>> -> memref<512xi32, #tpu.memory_space<hbm>>
      %dma_start3A_151 = tpu.memref_slice %arg2[%mul3A_2] : memref<16384xi32, #tpu.memory_space<hbm>> -> memref<512xi32, #tpu.memory_space<hbm>>
      tpu.enqueue_dma source(%dma_start3A_151 : memref<512xi32, #tpu.memory_space<hbm>>) target(%arg9 : memref<512xi32, #tpu.memory_space<vmem>>) target_semaphore(%run_scoped3A : memref<!tpu.dma_semaphore, #tpu.memory_space<semaphore_mem>>)
      %dma_wait3A_152 = tpu.memref_slice %arg2[%mul3A_2] : memref<16384xi32, #tpu.memory_space<hbm>> -> memref<512xi32, #tpu.memory_space<hbm>>
      %dma_wait3A_153 = tpu.memref_slice %arg2[%mul3A_2] : memref<16384xi32, #tpu.memory_space<hbm>> -> memref<512xi32, #tpu.memory_space<hbm>>
      tpu.wait_dma2 semaphore(%run_scoped3A : memref<!tpu.dma_semaphore, #tpu.memory_space<semaphore_mem>>) src(%dma_wait3A_153 : memref<512xi32, #tpu.memory_space<hbm>>) dst(%arg9 : memref<512xi32, #tpu.memory_space<vmem>>)
      tpu.yield
    }) : () -> ()
    "tpu.region"() ({
      %run_scoped3A = tpu.sem_alloc : memref<!tpu.dma_semaphore, #tpu.memory_space<semaphore_mem>>
      %dma_start3A_150 = tpu.memref_slice %arg3[%mul3A_2] : memref<16384xi32, #tpu.memory_space<hbm>> -> memref<512xi32, #tpu.memory_space<hbm>>
      %dma_start3A_151 = tpu.memref_slice %arg3[%mul3A_2] : memref<16384xi32, #tpu.memory_space<hbm>> -> memref<512xi32, #tpu.memory_space<hbm>>
      tpu.enqueue_dma source(%dma_start3A_151 : memref<512xi32, #tpu.memory_space<hbm>>) target(%arg10 : memref<512xi32, #tpu.memory_space<vmem>>) target_semaphore(%run_scoped3A : memref<!tpu.dma_semaphore, #tpu.memory_space<semaphore_mem>>)
      %dma_wait3A_152 = tpu.memref_slice %arg3[%mul3A_2] : memref<16384xi32, #tpu.memory_space<hbm>> -> memref<512xi32, #tpu.memory_space<hbm>>
      %dma_wait3A_153 = tpu.memref_slice %arg3[%mul3A_2] : memref<16384xi32, #tpu.memory_space<hbm>> -> memref<512xi32, #tpu.memory_space<hbm>>
      tpu.wait_dma2 semaphore(%run_scoped3A : memref<!tpu.dma_semaphore, #tpu.memory_space<semaphore_mem>>) src(%dma_wait3A_153 : memref<512xi32, #tpu.memory_space<hbm>>) dst(%arg10 : memref<512xi32, #tpu.memory_space<vmem>>)
      tpu.yield
    }) : () -> ()
    "tpu.region"() ({
      %run_scoped3A = tpu.sem_alloc : memref<!tpu.dma_semaphore, #tpu.memory_space<semaphore_mem>>
      %dma_start3A_150 = tpu.memref_slice %arg4[%mul3A_2] : memref<16384xi32, #tpu.memory_space<hbm>> -> memref<512xi32, #tpu.memory_space<hbm>>
      %dma_start3A_151 = tpu.memref_slice %arg4[%mul3A_2] : memref<16384xi32, #tpu.memory_space<hbm>> -> memref<512xi32, #tpu.memory_space<hbm>>
      tpu.enqueue_dma source(%dma_start3A_151 : memref<512xi32, #tpu.memory_space<hbm>>) target(%arg11 : memref<512xi32, #tpu.memory_space<vmem>>) target_semaphore(%run_scoped3A : memref<!tpu.dma_semaphore, #tpu.memory_space<semaphore_mem>>)
      %dma_wait3A_152 = tpu.memref_slice %arg4[%mul3A_2] : memref<16384xi32, #tpu.memory_space<hbm>> -> memref<512xi32, #tpu.memory_space<hbm>>
      %dma_wait3A_153 = tpu.memref_slice %arg4[%mul3A_2] : memref<16384xi32, #tpu.memory_space<hbm>> -> memref<512xi32, #tpu.memory_space<hbm>>
      tpu.wait_dma2 semaphore(%run_scoped3A : memref<!tpu.dma_semaphore, #tpu.memory_space<semaphore_mem>>) src(%dma_wait3A_153 : memref<512xi32, #tpu.memory_space<hbm>>) dst(%arg11 : memref<512xi32, #tpu.memory_space<vmem>>)
      tpu.yield
    }) : () -> ()
    %scan3A = arith.constant 0 : i32
    %scan3A_3 = arith.constant 0 : i32
    %scan3A_4 = arith.constant 32 : i32
    %scan3A_5 = arith.addi %scan3A_3, %scan3A_4 : i32
    %scan3A_6 = arith.constant 1 : i32
    scf.for %scan3A_150 = %scan3A_3 to %scan3A_5 step %scan3A_6  : i32 {
      %mul3A_151 = arith.constant 16 : i32
      %mul3A_152 = arith.muli %scan3A_150, %mul3A_151 : i32
      %get3A = arith.index_cast %mul3A_152 : i32 to index
      %get3A_153 = tpu.vector_load %arg9[%get3A] {strides = array<i32>} : memref<512xi32, #tpu.memory_space<vmem>>, vector<16xi32>,
      %shift_right_logical3A = arith.constant 3 : i32
      %shift_right_logical3A_154 = vector.broadcast %shift_right_logical3A : i32 to vector<16xi32>
      %shift_right_logical3A_155 = arith.shrui %get3A_153, %shift_right_logical3A_154 : vector<16xi32>
      %swap3A = arith.index_cast %mul3A_152 : i32 to index
      %swap3A_156 = tpu.vector_load %arg12[%swap3A] {strides = array<i32>} : memref<512xi32, #tpu.memory_space<vmem>>, vector<16xi32>,
      tpu.vector_store %arg12[%swap3A], %shift_right_logical3A_155 {strides = array<i32>} : memref<512xi32, #tpu.memory_space<vmem>>, vector<16xi32>,
      %get3A_157 = arith.index_cast %mul3A_152 : i32 to index
      %get3A_158 = tpu.vector_load %arg10[%get3A_157] {strides = array<i32>} : memref<512xi32, #tpu.memory_space<vmem>>, vector<16xi32>,
      %shift_right_logical3A_159 = arith.constant 3 : i32
      %shift_right_logical3A_160 = vector.broadcast %shift_right_logical3A_159 : i32 to vector<16xi32>
      %shift_right_logical3A_161 = arith.shrui %get3A_158, %shift_right_logical3A_160 : vector<16xi32>
      %swap3A_162 = arith.index_cast %mul3A_152 : i32 to index
      %swap3A_163 = tpu.vector_load %arg13[%swap3A_162] {strides = array<i32>} : memref<512xi32, #tpu.memory_space<vmem>>, vector<16xi32>,
      tpu.vector_store %arg13[%swap3A_162], %shift_right_logical3A_161 {strides = array<i32>} : memref<512xi32, #tpu.memory_space<vmem>>, vector<16xi32>,
      %get3A_164 = arith.index_cast %mul3A_152 : i32 to index
      %get3A_165 = tpu.vector_load %arg11[%get3A_164] {strides = array<i32>} : memref<512xi32, #tpu.memory_space<vmem>>, vector<16xi32>,
      %shift_right_logical3A_166 = arith.constant 3 : i32
      %shift_right_logical3A_167 = vector.broadcast %shift_right_logical3A_166 : i32 to vector<16xi32>
      %shift_right_logical3A_168 = arith.shrui %get3A_165, %shift_right_logical3A_167 : vector<16xi32>
      %swap3A_169 = arith.index_cast %mul3A_152 : i32 to index
      %swap3A_170 = tpu.vector_load %arg14[%swap3A_169] {strides = array<i32>} : memref<512xi32, #tpu.memory_space<vmem>>, vector<16xi32>,
      tpu.vector_store %arg14[%swap3A_169], %shift_right_logical3A_168 {strides = array<i32>} : memref<512xi32, #tpu.memory_space<vmem>>, vector<16xi32>,
    }
    %scan3A_7 = arith.constant 32 : i32
    %dma_start3A = arith.constant 0 : i32
    %dma_start3A_8 = tpu.memref_slice %arg12[%dma_start3A] : memref<512xi32, #tpu.memory_space<vmem>> -> memref<128xi32, #tpu.memory_space<vmem>>
    %dma_start3A_9 = arith.constant 0 : i32
    %dma_start3A_10 = arith.constant 0 : i32
    %dma_start3A_11 = tpu.memref_slice %arg5[%dma_start3A_9, %dma_start3A_10] : memref<125000x128xf32, #tpu.memory_space<hbm>> -> memref<125000x128xf32, #tpu.memory_space<hbm>>
    tpu.enqueue_indirect_dma source(%dma_start3A_11 : memref<125000x128xf32, #tpu.memory_space<hbm>>) target(%arg15 : memref<128x128xf32, #tpu.memory_space<vmem>>) offsets(%dma_start3A_8 : memref<128xi32, #tpu.memory_space<vmem>>) semaphore(%arg20 : memref<!tpu.dma_semaphore, #tpu.memory_space<semaphore_mem>>)
    %dma_start3A_12 = arith.constant 0 : i32
    %dma_start3A_13 = tpu.memref_slice %arg13[%dma_start3A_12] : memref<512xi32, #tpu.memory_space<vmem>> -> memref<128xi32, #tpu.memory_space<vmem>>
    %dma_start3A_14 = arith.constant 0 : i32
    %dma_start3A_15 = arith.constant 0 : i32
    %dma_start3A_16 = tpu.memref_slice %arg6[%dma_start3A_14, %dma_start3A_15] : memref<125000x128xf32, #tpu.memory_space<hbm>> -> memref<125000x128xf32, #tpu.memory_space<hbm>>
    tpu.enqueue_indirect_dma source(%dma_start3A_16 : memref<125000x128xf32, #tpu.memory_space<hbm>>) target(%arg16 : memref<128x128xf32, #tpu.memory_space<vmem>>) offsets(%dma_start3A_13 : memref<128xi32, #tpu.memory_space<vmem>>) semaphore(%arg20 : memref<!tpu.dma_semaphore, #tpu.memory_space<semaphore_mem>>)
    %dma_start3A_17 = arith.constant 0 : i32
    %dma_start3A_18 = tpu.memref_slice %arg14[%dma_start3A_17] : memref<512xi32, #tpu.memory_space<vmem>> -> memref<128xi32, #tpu.memory_space<vmem>>
    %dma_start3A_19 = arith.constant 0 : i32
    %dma_start3A_20 = arith.constant 0 : i32
    %dma_start3A_21 = tpu.memref_slice %arg6[%dma_start3A_19, %dma_start3A_20] : memref<125000x128xf32, #tpu.memory_space<hbm>> -> memref<125000x128xf32, #tpu.memory_space<hbm>>
    tpu.enqueue_indirect_dma source(%dma_start3A_21 : memref<125000x128xf32, #tpu.memory_space<hbm>>) target(%arg17 : memref<128x128xf32, #tpu.memory_space<vmem>>) offsets(%dma_start3A_18 : memref<128xi32, #tpu.memory_space<vmem>>) semaphore(%arg20 : memref<!tpu.dma_semaphore, #tpu.memory_space<semaphore_mem>>)
    %dma_wait3A = arith.constant 0 : i32
    %dma_wait3A_22 = tpu.memref_slice %arg12[%dma_wait3A] : memref<512xi32, #tpu.memory_space<vmem>> -> memref<128xi32, #tpu.memory_space<vmem>>
    %dma_wait3A_23 = arith.constant 0 : i32
    %dma_wait3A_24 = arith.constant 0 : i32
    %dma_wait3A_25 = tpu.memref_slice %arg5[%dma_wait3A_23, %dma_wait3A_24] : memref<125000x128xf32, #tpu.memory_space<hbm>> -> memref<125000x128xf32, #tpu.memory_space<hbm>>
    tpu.wait_indirect_dma semaphore(%arg20 : memref<!tpu.dma_semaphore, #tpu.memory_space<semaphore_mem>>) src(%dma_wait3A_25 : memref<125000x128xf32, #tpu.memory_space<hbm>>) dst(%arg15 : memref<128x128xf32, #tpu.memory_space<vmem>>)
    %dma_wait3A_26 = arith.constant 0 : i32
    %dma_wait3A_27 = tpu.memref_slice %arg13[%dma_wait3A_26] : memref<512xi32, #tpu.memory_space<vmem>> -> memref<128xi32, #tpu.memory_space<vmem>>
    %dma_wait3A_28 = arith.constant 0 : i32
    %dma_wait3A_29 = arith.constant 0 : i32
    %dma_wait3A_30 = tpu.memref_slice %arg6[%dma_wait3A_28, %dma_wait3A_29] : memref<125000x128xf32, #tpu.memory_space<hbm>> -> memref<125000x128xf32, #tpu.memory_space<hbm>>
    tpu.wait_indirect_dma semaphore(%arg20 : memref<!tpu.dma_semaphore, #tpu.memory_space<semaphore_mem>>) src(%dma_wait3A_30 : memref<125000x128xf32, #tpu.memory_space<hbm>>) dst(%arg16 : memref<128x128xf32, #tpu.memory_space<vmem>>)
    %dma_wait3A_31 = arith.constant 0 : i32
    %dma_wait3A_32 = tpu.memref_slice %arg14[%dma_wait3A_31] : memref<512xi32, #tpu.memory_space<vmem>> -> memref<128xi32, #tpu.memory_space<vmem>>
    %dma_wait3A_33 = arith.constant 0 : i32
    %dma_wait3A_34 = arith.constant 0 : i32
    %dma_wait3A_35 = tpu.memref_slice %arg6[%dma_wait3A_33, %dma_wait3A_34] : memref<125000x128xf32, #tpu.memory_space<hbm>> -> memref<125000x128xf32, #tpu.memory_space<hbm>>
    tpu.wait_indirect_dma semaphore(%arg20 : memref<!tpu.dma_semaphore, #tpu.memory_space<semaphore_mem>>) src(%dma_wait3A_35 : memref<125000x128xf32, #tpu.memory_space<hbm>>) dst(%arg17 : memref<128x128xf32, #tpu.memory_space<vmem>>)
    %scan3A_36 = arith.constant 0 : i32
    %scan3A_37 = arith.constant 0 : i32
    %scan3A_38 = arith.constant 8 : i32
    %scan3A_39 = arith.addi %scan3A_37, %scan3A_38 : i32
    %scan3A_40 = arith.constant 1 : i32
    scf.for %scan3A_150 = %scan3A_37 to %scan3A_39 step %scan3A_40  : i32 {
      %mul3A_151 = arith.constant 16 : i32
      %mul3A_152 = arith.muli %scan3A_150, %mul3A_151 : i32
      %add3A_153 = arith.constant 0 : i32
      %add3A_154 = arith.addi %add3A_153, %mul3A_152 : i32
      %mul3A_155 = arith.constant 16 : i32
      %mul3A_156 = arith.muli %scan3A_150, %mul3A_155 : i32
      %iota3A = tpu.iota {dimensions = array<i32: 0>} : vector<16xi32>
      %add3A_157 = vector.broadcast %mul3A_156 : i32 to vector<16xi32>
      %add3A_158 = arith.addi %add3A_157, %iota3A : vector<16xi32>
      %get3A = arith.index_cast %add3A_154 : i32 to index
      %get3A_159 = tpu.vector_load %arg9[%get3A] {strides = array<i32>} : memref<512xi32, #tpu.memory_space<vmem>>, vector<16xi32>,
      %and3A = arith.constant 7 : i32
      %and3A_160 = vector.broadcast %and3A : i32 to vector<16xi32>
      %and3A_161 = arith.andi %get3A_159, %and3A_160 : vector<16xi32>
      %mul3A_162 = arith.constant 16 : i32
      %mul3A_163 = vector.broadcast %mul3A_162 : i32 to vector<16xi32>
      %mul3A_164 = arith.muli %and3A_161, %mul3A_163 : vector<16xi32>
      %get3A_165 = arith.index_cast %add3A_154 : i32 to index
      %get3A_166 = tpu.vector_load %arg10[%get3A_165] {strides = array<i32>} : memref<512xi32, #tpu.memory_space<vmem>>, vector<16xi32>,
      %and3A_167 = arith.constant 7 : i32
      %and3A_168 = vector.broadcast %and3A_167 : i32 to vector<16xi32>
      %and3A_169 = arith.andi %get3A_166, %and3A_168 : vector<16xi32>
      %mul3A_170 = arith.constant 16 : i32
      %mul3A_171 = vector.broadcast %mul3A_170 : i32 to vector<16xi32>
      %mul3A_172 = arith.muli %and3A_169, %mul3A_171 : vector<16xi32>
      %get3A_173 = arith.index_cast %add3A_154 : i32 to index
      %get3A_174 = tpu.vector_load %arg11[%get3A_173] {strides = array<i32>} : memref<512xi32, #tpu.memory_space<vmem>>, vector<16xi32>,
      %and3A_175 = arith.constant 7 : i32
      %and3A_176 = vector.broadcast %and3A_175 : i32 to vector<16xi32>
      %and3A_177 = arith.andi %get3A_174, %and3A_176 : vector<16xi32>
      %mul3A_178 = arith.constant 16 : i32
      %mul3A_179 = vector.broadcast %mul3A_178 : i32 to vector<16xi32>
      %mul3A_180 = arith.muli %and3A_177, %mul3A_179 : vector<16xi32>
      %broadcast_in_dim3A = arith.constant 0.000000e+00 : f32
      %broadcast_in_dim3A_181 = vector.broadcast %broadcast_in_dim3A : f32 to vector<16xf32>
      %broadcast_in_dim3A_182 = arith.constant 0.000000e+00 : f32
      %broadcast_in_dim3A_183 = vector.broadcast %broadcast_in_dim3A_182 : f32 to vector<16xf32>
      %add3A_184 = arith.constant 0 : i32
      %add3A_185 = vector.broadcast %add3A_184 : i32 to vector<16xi32>
      %add3A_186 = arith.addi %mul3A_164, %add3A_185 : vector<16xi32>
      %gather3A = tpu.vector_load_idx %arg15[%add3A_158, %add3A_186] : memref<128x128xf32, #tpu.memory_space<vmem>>[vector<16xi32>, vector<16xi32>], vector<16xf32>,
      %add3A_187 = arith.constant 0 : i32
      %add3A_188 = vector.broadcast %add3A_187 : i32 to vector<16xi32>
      %add3A_189 = arith.addi %mul3A_172, %add3A_188 : vector<16xi32>
      %gather3A_190 = tpu.vector_load_idx %arg16[%add3A_158, %add3A_189] : memref<128x128xf32, #tpu.memory_space<vmem>>[vector<16xi32>, vector<16xi32>], vector<16xf32>,
      %add3A_191 = arith.constant 0 : i32
      %add3A_192 = vector.broadcast %add3A_191 : i32 to vector<16xi32>
      %add3A_193 = arith.addi %mul3A_180, %add3A_192 : vector<16xi32>
      %gather3A_194 = tpu.vector_load_idx %arg17[%add3A_158, %add3A_193] : memref<128x128xf32, #tpu.memory_space<vmem>>[vector<16xi32>, vector<16xi32>], vector<16xf32>,
      %mul3A_195 = arith.mulf %gather3A, %gather3A_190 : vector<16xf32>
      %add3A_196 = arith.addf %broadcast_in_dim3A_181, %mul3A_195 : vector<16xf32>
      %mul3A_197 = arith.mulf %gather3A, %gather3A_194 : vector<16xf32>
      %add3A_198 = arith.addf %broadcast_in_dim3A_183, %mul3A_197 : vector<16xf32>
      %add3A_199 = arith.constant 1 : i32
      %add3A_200 = vector.broadcast %add3A_199 : i32 to vector<16xi32>
      %add3A_201 = arith.addi %mul3A_164, %add3A_200 : vector<16xi32>
      %gather3A_202 = tpu.vector_load_idx %arg15[%add3A_158, %add3A_201] : memref<128x128xf32, #tpu.memory_space<vmem>>[vector<16xi32>, vector<16xi32>], vector<16xf32>,
      %add3A_203 = arith.constant 1 : i32
      %add3A_204 = vector.broadcast %add3A_203 : i32 to vector<16xi32>
      %add3A_205 = arith.addi %mul3A_172, %add3A_204 : vector<16xi32>
      %gather3A_206 = tpu.vector_load_idx %arg16[%add3A_158, %add3A_205] : memref<128x128xf32, #tpu.memory_space<vmem>>[vector<16xi32>, vector<16xi32>], vector<16xf32>,
      %add3A_207 = arith.constant 1 : i32
      %add3A_208 = vector.broadcast %add3A_207 : i32 to vector<16xi32>
      %add3A_209 = arith.addi %mul3A_180, %add3A_208 : vector<16xi32>
      %gather3A_210 = tpu.vector_load_idx %arg17[%add3A_158, %add3A_209] : memref<128x128xf32, #tpu.memory_space<vmem>>[vector<16xi32>, vector<16xi32>], vector<16xf32>,
      %mul3A_211 = arith.mulf %gather3A_202, %gather3A_206 : vector<16xf32>
      %add3A_212 = arith.addf %add3A_196, %mul3A_211 : vector<16xf32>
      %mul3A_213 = arith.mulf %gather3A_202, %gather3A_210 : vector<16xf32>
      %add3A_214 = arith.addf %add3A_198, %mul3A_213 : vector<16xf32>
      %add3A_215 = arith.constant 2 : i32
      %add3A_216 = vector.broadcast %add3A_215 : i32 to vector<16xi32>
      %add3A_217 = arith.addi %mul3A_164, %add3A_216 : vector<16xi32>
      %gather3A_218 = tpu.vector_load_idx %arg15[%add3A_158, %add3A_217] : memref<128x128xf32, #tpu.memory_space<vmem>>[vector<16xi32>, vector<16xi32>], vector<16xf32>,
      %add3A_219 = arith.constant 2 : i32
      %add3A_220 = vector.broadcast %add3A_219 : i32 to vector<16xi32>
      %add3A_221 = arith.addi %mul3A_172, %add3A_220 : vector<16xi32>
      %gather3A_222 = tpu.vector_load_idx %arg16[%add3A_158, %add3A_221] : memref<128x128xf32, #tpu.memory_space<vmem>>[vector<16xi32>, vector<16xi32>], vector<16xf32>,
      %add3A_223 = arith.constant 2 : i32
      %add3A_224 = vector.broadcast %add3A_223 : i32 to vector<16xi32>
      %add3A_225 = arith.addi %mul3A_180, %add3A_224 : vector<16xi32>
      %gather3A_226 = tpu.vector_load_idx %arg17[%add3A_158, %add3A_225] : memref<128x128xf32, #tpu.memory_space<vmem>>[vector<16xi32>, vector<16xi32>], vector<16xf32>,
      %mul3A_227 = arith.mulf %gather3A_218, %gather3A_222 : vector<16xf32>
      %add3A_228 = arith.addf %add3A_212, %mul3A_227 : vector<16xf32>
      %mul3A_229 = arith.mulf %gather3A_218, %gather3A_226 : vector<16xf32>
      %add3A_230 = arith.addf %add3A_214, %mul3A_229 : vector<16xf32>
      %add3A_231 = arith.constant 3 : i32
      %add3A_232 = vector.broadcast %add3A_231 : i32 to vector<16xi32>
      %add3A_233 = arith.addi %mul3A_164, %add3A_232 : vector<16xi32>
      %gather3A_234 = tpu.vector_load_idx %arg15[%add3A_158, %add3A_233] : memref<128x128xf32, #tpu.memory_space<vmem>>[vector<16xi32>, vector<16xi32>], vector<16xf32>,
      %add3A_235 = arith.constant 3 : i32
      %add3A_236 = vector.broadcast %add3A_235 : i32 to vector<16xi32>
      %add3A_237 = arith.addi %mul3A_172, %add3A_236 : vector<16xi32>
      %gather3A_238 = tpu.vector_load_idx %arg16[%add3A_158, %add3A_237] : memref<128x128xf32, #tpu.memory_space<vmem>>[vector<16xi32>, vector<16xi32>], vector<16xf32>,
      %add3A_239 = arith.constant 3 : i32
      %add3A_240 = vector.broadcast %add3A_239 : i32 to vector<16xi32>
      %add3A_241 = arith.addi %mul3A_180, %add3A_240 : vector<16xi32>
      %gather3A_242 = tpu.vector_load_idx %arg17[%add3A_158, %add3A_241] : memref<128x128xf32, #tpu.memory_space<vmem>>[vector<16xi32>, vector<16xi32>], vector<16xf32>,
      %mul3A_243 = arith.mulf %gather3A_234, %gather3A_238 : vector<16xf32>
      %add3A_244 = arith.addf %add3A_228, %mul3A_243 : vector<16xf32>
      %mul3A_245 = arith.mulf %gather3A_234, %gather3A_242 : vector<16xf32>
      %add3A_246 = arith.addf %add3A_230, %mul3A_245 : vector<16xf32>
      %add3A_247 = arith.constant 4 : i32
      %add3A_248 = vector.broadcast %add3A_247 : i32 to vector<16xi32>
      %add3A_249 = arith.addi %mul3A_164, %add3A_248 : vector<16xi32>
      %gather3A_250 = tpu.vector_load_idx %arg15[%add3A_158, %add3A_249] : memref<128x128xf32, #tpu.memory_space<vmem>>[vector<16xi32>, vector<16xi32>], vector<16xf32>,
      %add3A_251 = arith.constant 4 : i32
      %add3A_252 = vector.broadcast %add3A_251 : i32 to vector<16xi32>
      %add3A_253 = arith.addi %mul3A_172, %add3A_252 : vector<16xi32>
      %gather3A_254 = tpu.vector_load_idx %arg16[%add3A_158, %add3A_253] : memref<128x128xf32, #tpu.memory_space<vmem>>[vector<16xi32>, vector<16xi32>], vector<16xf32>,
      %add3A_255 = arith.constant 4 : i32
      %add3A_256 = vector.broadcast %add3A_255 : i32 to vector<16xi32>
      %add3A_257 = arith.addi %mul3A_180, %add3A_256 : vector<16xi32>
      %gather3A_258 = tpu.vector_load_idx %arg17[%add3A_158, %add3A_257] : memref<128x128xf32, #tpu.memory_space<vmem>>[vector<16xi32>, vector<16xi32>], vector<16xf32>,
      %mul3A_259 = arith.mulf %gather3A_250, %gather3A_254 : vector<16xf32>
      %add3A_260 = arith.addf %add3A_244, %mul3A_259 : vector<16xf32>
      %mul3A_261 = arith.mulf %gather3A_250, %gather3A_258 : vector<16xf32>
      %add3A_262 = arith.addf %add3A_246, %mul3A_261 : vector<16xf32>
      %add3A_263 = arith.constant 5 : i32
      %add3A_264 = vector.broadcast %add3A_263 : i32 to vector<16xi32>
      %add3A_265 = arith.addi %mul3A_164, %add3A_264 : vector<16xi32>
      %gather3A_266 = tpu.vector_load_idx %arg15[%add3A_158, %add3A_265] : memref<128x128xf32, #tpu.memory_space<vmem>>[vector<16xi32>, vector<16xi32>], vector<16xf32>,
      %add3A_267 = arith.constant 5 : i32
      %add3A_268 = vector.broadcast %add3A_267 : i32 to vector<16xi32>
      %add3A_269 = arith.addi %mul3A_172, %add3A_268 : vector<16xi32>
      %gather3A_270 = tpu.vector_load_idx %arg16[%add3A_158, %add3A_269] : memref<128x128xf32, #tpu.memory_space<vmem>>[vector<16xi32>, vector<16xi32>], vector<16xf32>,
      %add3A_271 = arith.constant 5 : i32
      %add3A_272 = vector.broadcast %add3A_271 : i32 to vector<16xi32>
      %add3A_273 = arith.addi %mul3A_180, %add3A_272 : vector<16xi32>
      %gather3A_274 = tpu.vector_load_idx %arg17[%add3A_158, %add3A_273] : memref<128x128xf32, #tpu.memory_space<vmem>>[vector<16xi32>, vector<16xi32>], vector<16xf32>,
      %mul3A_275 = arith.mulf %gather3A_266, %gather3A_270 : vector<16xf32>
      %add3A_276 = arith.addf %add3A_260, %mul3A_275 : vector<16xf32>
      %mul3A_277 = arith.mulf %gather3A_266, %gather3A_274 : vector<16xf32>
      %add3A_278 = arith.addf %add3A_262, %mul3A_277 : vector<16xf32>
      %add3A_279 = arith.constant 6 : i32
      %add3A_280 = vector.broadcast %add3A_279 : i32 to vector<16xi32>
      %add3A_281 = arith.addi %mul3A_164, %add3A_280 : vector<16xi32>
      %gather3A_282 = tpu.vector_load_idx %arg15[%add3A_158, %add3A_281] : memref<128x128xf32, #tpu.memory_space<vmem>>[vector<16xi32>, vector<16xi32>], vector<16xf32>,
      %add3A_283 = arith.constant 6 : i32
      %add3A_284 = vector.broadcast %add3A_283 : i32 to vector<16xi32>
      %add3A_285 = arith.addi %mul3A_172, %add3A_284 : vector<16xi32>
      %gather3A_286 = tpu.vector_load_idx %arg16[%add3A_158, %add3A_285] : memref<128x128xf32, #tpu.memory_space<vmem>>[vector<16xi32>, vector<16xi32>], vector<16xf32>,
      %add3A_287 = arith.constant 6 : i32
      %add3A_288 = vector.broadcast %add3A_287 : i32 to vector<16xi32>
      %add3A_289 = arith.addi %mul3A_180, %add3A_288 : vector<16xi32>
      %gather3A_290 = tpu.vector_load_idx %arg17[%add3A_158, %add3A_289] : memref<128x128xf32, #tpu.memory_space<vmem>>[vector<16xi32>, vector<16xi32>], vector<16xf32>,
      %mul3A_291 = arith.mulf %gather3A_282, %gather3A_286 : vector<16xf32>
      %add3A_292 = arith.addf %add3A_276, %mul3A_291 : vector<16xf32>
      %mul3A_293 = arith.mulf %gather3A_282, %gather3A_290 : vector<16xf32>
      %add3A_294 = arith.addf %add3A_278, %mul3A_293 : vector<16xf32>
      %add3A_295 = arith.constant 7 : i32
      %add3A_296 = vector.broadcast %add3A_295 : i32 to vector<16xi32>
      %add3A_297 = arith.addi %mul3A_164, %add3A_296 : vector<16xi32>
      %gather3A_298 = tpu.vector_load_idx %arg15[%add3A_158, %add3A_297] : memref<128x128xf32, #tpu.memory_space<vmem>>[vector<16xi32>, vector<16xi32>], vector<16xf32>,
      %add3A_299 = arith.constant 7 : i32
      %add3A_300 = vector.broadcast %add3A_299 : i32 to vector<16xi32>
      %add3A_301 = arith.addi %mul3A_172, %add3A_300 : vector<16xi32>
      %gather3A_302 = tpu.vector_load_idx %arg16[%add3A_158, %add3A_301] : memref<128x128xf32, #tpu.memory_space<vmem>>[vector<16xi32>, vector<16xi32>], vector<16xf32>,
      %add3A_303 = arith.constant 7 : i32
      %add3A_304 = vector.broadcast %add3A_303 : i32 to vector<16xi32>
      %add3A_305 = arith.addi %mul3A_180, %add3A_304 : vector<16xi32>
      %gather3A_306 = tpu.vector_load_idx %arg17[%add3A_158, %add3A_305] : memref<128x128xf32, #tpu.memory_space<vmem>>[vector<16xi32>, vector<16xi32>], vector<16xf32>,
      %mul3A_307 = arith.mulf %gather3A_298, %gather3A_302 : vector<16xf32>
      %add3A_308 = arith.addf %add3A_292, %mul3A_307 : vector<16xf32>
      %mul3A_309 = arith.mulf %gather3A_298, %gather3A_306 : vector<16xf32>
      %add3A_310 = arith.addf %add3A_294, %mul3A_309 : vector<16xf32>
      %add3A_311 = arith.constant 8 : i32
      %add3A_312 = vector.broadcast %add3A_311 : i32 to vector<16xi32>
      %add3A_313 = arith.addi %mul3A_164, %add3A_312 : vector<16xi32>
      %gather3A_314 = tpu.vector_load_idx %arg15[%add3A_158, %add3A_313] : memref<128x128xf32, #tpu.memory_space<vmem>>[vector<16xi32>, vector<16xi32>], vector<16xf32>,
      %add3A_315 = arith.constant 8 : i32
      %add3A_316 = vector.broadcast %add3A_315 : i32 to vector<16xi32>
      %add3A_317 = arith.addi %mul3A_172, %add3A_316 : vector<16xi32>
      %gather3A_318 = tpu.vector_load_idx %arg16[%add3A_158, %add3A_317] : memref<128x128xf32, #tpu.memory_space<vmem>>[vector<16xi32>, vector<16xi32>], vector<16xf32>,
      %add3A_319 = arith.constant 8 : i32
      %add3A_320 = vector.broadcast %add3A_319 : i32 to vector<16xi32>
      %add3A_321 = arith.addi %mul3A_180, %add3A_320 : vector<16xi32>
      %gather3A_322 = tpu.vector_load_idx %arg17[%add3A_158, %add3A_321] : memref<128x128xf32, #tpu.memory_space<vmem>>[vector<16xi32>, vector<16xi32>], vector<16xf32>,
      %mul3A_323 = arith.mulf %gather3A_314, %gather3A_318 : vector<16xf32>
      %add3A_324 = arith.addf %add3A_308, %mul3A_323 : vector<16xf32>
      %mul3A_325 = arith.mulf %gather3A_314, %gather3A_322 : vector<16xf32>
      %add3A_326 = arith.addf %add3A_310, %mul3A_325 : vector<16xf32>
      %add3A_327 = arith.constant 9 : i32
      %add3A_328 = vector.broadcast %add3A_327 : i32 to vector<16xi32>
      %add3A_329 = arith.addi %mul3A_164, %add3A_328 : vector<16xi32>
      %gather3A_330 = tpu.vector_load_idx %arg15[%add3A_158, %add3A_329] : memref<128x128xf32, #tpu.memory_space<vmem>>[vector<16xi32>, vector<16xi32>], vector<16xf32>,
      %add3A_331 = arith.constant 9 : i32
      %add3A_332 = vector.broadcast %add3A_331 : i32 to vector<16xi32>
      %add3A_333 = arith.addi %mul3A_172, %add3A_332 : vector<16xi32>
      %gather3A_334 = tpu.vector_load_idx %arg16[%add3A_158, %add3A_333] : memref<128x128xf32, #tpu.memory_space<vmem>>[vector<16xi32>, vector<16xi32>], vector<16xf32>,
      %add3A_335 = arith.constant 9 : i32
      %add3A_336 = vector.broadcast %add3A_335 : i32 to vector<16xi32>
      %add3A_337 = arith.addi %mul3A_180, %add3A_336 : vector<16xi32>
      %gather3A_338 = tpu.vector_load_idx %arg17[%add3A_158, %add3A_337] : memref<128x128xf32, #tpu.memory_space<vmem>>[vector<16xi32>, vector<16xi32>], vector<16xf32>,
      %mul3A_339 = arith.mulf %gather3A_330, %gather3A_334 : vector<16xf32>
      %add3A_340 = arith.addf %add3A_324, %mul3A_339 : vector<16xf32>
      %mul3A_341 = arith.mulf %gather3A_330, %gather3A_338 : vector<16xf32>
      %add3A_342 = arith.addf %add3A_326, %mul3A_341 : vector<16xf32>
      %add3A_343 = arith.constant 10 : i32
      %add3A_344 = vector.broadcast %add3A_343 : i32 to vector<16xi32>
      %add3A_345 = arith.addi %mul3A_164, %add3A_344 : vector<16xi32>
      %gather3A_346 = tpu.vector_load_idx %arg15[%add3A_158, %add3A_345] : memref<128x128xf32, #tpu.memory_space<vmem>>[vector<16xi32>, vector<16xi32>], vector<16xf32>,
      %add3A_347 = arith.constant 10 : i32
      %add3A_348 = vector.broadcast %add3A_347 : i32 to vector<16xi32>
      %add3A_349 = arith.addi %mul3A_172, %add3A_348 : vector<16xi32>
      %gather3A_350 = tpu.vector_load_idx %arg16[%add3A_158, %add3A_349] : memref<128x128xf32, #tpu.memory_space<vmem>>[vector<16xi32>, vector<16xi32>], vector<16xf32>,
      %add3A_351 = arith.constant 10 : i32
      %add3A_352 = vector.broadcast %add3A_351 : i32 to vector<16xi32>
      %add3A_353 = arith.addi %mul3A_180, %add3A_352 : vector<16xi32>
      %gather3A_354 = tpu.vector_load_idx %arg17[%add3A_158, %add3A_353] : memref<128x128xf32, #tpu.memory_space<vmem>>[vector<16xi32>, vector<16xi32>], vector<16xf32>,
      %mul3A_355 = arith.mulf %gather3A_346, %gather3A_350 : vector<16xf32>
      %add3A_356 = arith.addf %add3A_340, %mul3A_355 : vector<16xf32>
      %mul3A_357 = arith.mulf %gather3A_346, %gather3A_354 : vector<16xf32>
      %add3A_358 = arith.addf %add3A_342, %mul3A_357 : vector<16xf32>
      %add3A_359 = arith.constant 11 : i32
      %add3A_360 = vector.broadcast %add3A_359 : i32 to vector<16xi32>
      %add3A_361 = arith.addi %mul3A_164, %add3A_360 : vector<16xi32>
      %gather3A_362 = tpu.vector_load_idx %arg15[%add3A_158, %add3A_361] : memref<128x128xf32, #tpu.memory_space<vmem>>[vector<16xi32>, vector<16xi32>], vector<16xf32>,
      %add3A_363 = arith.constant 11 : i32
      %add3A_364 = vector.broadcast %add3A_363 : i32 to vector<16xi32>
      %add3A_365 = arith.addi %mul3A_172, %add3A_364 : vector<16xi32>
      %gather3A_366 = tpu.vector_load_idx %arg16[%add3A_158, %add3A_365] : memref<128x128xf32, #tpu.memory_space<vmem>>[vector<16xi32>, vector<16xi32>], vector<16xf32>,
      %add3A_367 = arith.constant 11 : i32
      %add3A_368 = vector.broadcast %add3A_367 : i32 to vector<16xi32>
      %add3A_369 = arith.addi %mul3A_180, %add3A_368 : vector<16xi32>
      %gather3A_370 = tpu.vector_load_idx %arg17[%add3A_158, %add3A_369] : memref<128x128xf32, #tpu.memory_space<vmem>>[vector<16xi32>, vector<16xi32>], vector<16xf32>,
      %mul3A_371 = arith.mulf %gather3A_362, %gather3A_366 : vector<16xf32>
      %add3A_372 = arith.addf %add3A_356, %mul3A_371 : vector<16xf32>
      %mul3A_373 = arith.mulf %gather3A_362, %gather3A_370 : vector<16xf32>
      %add3A_374 = arith.addf %add3A_358, %mul3A_373 : vector<16xf32>
      %add3A_375 = arith.constant 12 : i32
      %add3A_376 = vector.broadcast %add3A_375 : i32 to vector<16xi32>
      %add3A_377 = arith.addi %mul3A_164, %add3A_376 : vector<16xi32>
      %gather3A_378 = tpu.vector_load_idx %arg15[%add3A_158, %add3A_377] : memref<128x128xf32, #tpu.memory_space<vmem>>[vector<16xi32>, vector<16xi32>], vector<16xf32>,
      %add3A_379 = arith.constant 12 : i32
      %add3A_380 = vector.broadcast %add3A_379 : i32 to vector<16xi32>
      %add3A_381 = arith.addi %mul3A_172, %add3A_380 : vector<16xi32>
      %gather3A_382 = tpu.vector_load_idx %arg16[%add3A_158, %add3A_381] : memref<128x128xf32, #tpu.memory_space<vmem>>[vector<16xi32>, vector<16xi32>], vector<16xf32>,
      %add3A_383 = arith.constant 12 : i32
      %add3A_384 = vector.broadcast %add3A_383 : i32 to vector<16xi32>
      %add3A_385 = arith.addi %mul3A_180, %add3A_384 : vector<16xi32>
      %gather3A_386 = tpu.vector_load_idx %arg17[%add3A_158, %add3A_385] : memref<128x128xf32, #tpu.memory_space<vmem>>[vector<16xi32>, vector<16xi32>], vector<16xf32>,
      %mul3A_387 = arith.mulf %gather3A_378, %gather3A_382 : vector<16xf32>
      %add3A_388 = arith.addf %add3A_372, %mul3A_387 : vector<16xf32>
      %mul3A_389 = arith.mulf %gather3A_378, %gather3A_386 : vector<16xf32>
      %add3A_390 = arith.addf %add3A_374, %mul3A_389 : vector<16xf32>
      %add3A_391 = arith.constant 13 : i32
      %add3A_392 = vector.broadcast %add3A_391 : i32 to vector<16xi32>
      %add3A_393 = arith.addi %mul3A_164, %add3A_392 : vector<16xi32>
      %gather3A_394 = tpu.vector_load_idx %arg15[%add3A_158, %add3A_393] : memref<128x128xf32, #tpu.memory_space<vmem>>[vector<16xi32>, vector<16xi32>], vector<16xf32>,
      %add3A_395 = arith.constant 13 : i32
      %add3A_396 = vector.broadcast %add3A_395 : i32 to vector<16xi32>
      %add3A_397 = arith.addi %mul3A_172, %add3A_396 : vector<16xi32>
      %gather3A_398 = tpu.vector_load_idx %arg16[%add3A_158, %add3A_397] : memref<128x128xf32, #tpu.memory_space<vmem>>[vector<16xi32>, vector<16xi32>], vector<16xf32>,
      %add3A_399 = arith.constant 13 : i32
      %add3A_400 = vector.broadcast %add3A_399 : i32 to vector<16xi32>
      %add3A_401 = arith.addi %mul3A_180, %add3A_400 : vector<16xi32>
      %gather3A_402 = tpu.vector_load_idx %arg17[%add3A_158, %add3A_401] : memref<128x128xf32, #tpu.memory_space<vmem>>[vector<16xi32>, vector<16xi32>], vector<16xf32>,
      %mul3A_403 = arith.mulf %gather3A_394, %gather3A_398 : vector<16xf32>
      %add3A_404 = arith.addf %add3A_388, %mul3A_403 : vector<16xf32>
      %mul3A_405 = arith.mulf %gather3A_394, %gather3A_402 : vector<16xf32>
      %add3A_406 = arith.addf %add3A_390, %mul3A_405 : vector<16xf32>
      %add3A_407 = arith.constant 14 : i32
      %add3A_408 = vector.broadcast %add3A_407 : i32 to vector<16xi32>
      %add3A_409 = arith.addi %mul3A_164, %add3A_408 : vector<16xi32>
      %gather3A_410 = tpu.vector_load_idx %arg15[%add3A_158, %add3A_409] : memref<128x128xf32, #tpu.memory_space<vmem>>[vector<16xi32>, vector<16xi32>], vector<16xf32>,
      %add3A_411 = arith.constant 14 : i32
      %add3A_412 = vector.broadcast %add3A_411 : i32 to vector<16xi32>
      %add3A_413 = arith.addi %mul3A_172, %add3A_412 : vector<16xi32>
      %gather3A_414 = tpu.vector_load_idx %arg16[%add3A_158, %add3A_413] : memref<128x128xf32, #tpu.memory_space<vmem>>[vector<16xi32>, vector<16xi32>], vector<16xf32>,
      %add3A_415 = arith.constant 14 : i32
      %add3A_416 = vector.broadcast %add3A_415 : i32 to vector<16xi32>
      %add3A_417 = arith.addi %mul3A_180, %add3A_416 : vector<16xi32>
      %gather3A_418 = tpu.vector_load_idx %arg17[%add3A_158, %add3A_417] : memref<128x128xf32, #tpu.memory_space<vmem>>[vector<16xi32>, vector<16xi32>], vector<16xf32>,
      %mul3A_419 = arith.mulf %gather3A_410, %gather3A_414 : vector<16xf32>
      %add3A_420 = arith.addf %add3A_404, %mul3A_419 : vector<16xf32>
      %mul3A_421 = arith.mulf %gather3A_410, %gather3A_418 : vector<16xf32>
      %add3A_422 = arith.addf %add3A_406, %mul3A_421 : vector<16xf32>
      %add3A_423 = arith.constant 15 : i32
      %add3A_424 = vector.broadcast %add3A_423 : i32 to vector<16xi32>
      %add3A_425 = arith.addi %mul3A_164, %add3A_424 : vector<16xi32>
      %gather3A_426 = tpu.vector_load_idx %arg15[%add3A_158, %add3A_425] : memref<128x128xf32, #tpu.memory_space<vmem>>[vector<16xi32>, vector<16xi32>], vector<16xf32>,
      %add3A_427 = arith.constant 15 : i32
      %add3A_428 = vector.broadcast %add3A_427 : i32 to vector<16xi32>
      %add3A_429 = arith.addi %mul3A_172, %add3A_428 : vector<16xi32>
      %gather3A_430 = tpu.vector_load_idx %arg16[%add3A_158, %add3A_429] : memref<128x128xf32, #tpu.memory_space<vmem>>[vector<16xi32>, vector<16xi32>], vector<16xf32>,
      %add3A_431 = arith.constant 15 : i32
      %add3A_432 = vector.broadcast %add3A_431 : i32 to vector<16xi32>
      %add3A_433 = arith.addi %mul3A_180, %add3A_432 : vector<16xi32>
      %gather3A_434 = tpu.vector_load_idx %arg17[%add3A_158, %add3A_433] : memref<128x128xf32, #tpu.memory_space<vmem>>[vector<16xi32>, vector<16xi32>], vector<16xf32>,
      %mul3A_435 = arith.mulf %gather3A_426, %gather3A_430 : vector<16xf32>
      %add3A_436 = arith.addf %add3A_420, %mul3A_435 : vector<16xf32>
      %mul3A_437 = arith.mulf %gather3A_426, %gather3A_434 : vector<16xf32>
      %add3A_438 = arith.addf %add3A_422, %mul3A_437 : vector<16xf32>
      %swap3A = arith.index_cast %add3A_154 : i32 to index
      %swap3A_439 = tpu.vector_load %arg18[%swap3A] {strides = array<i32>} : memref<512xf32, #tpu.memory_space<vmem>>, vector<16xf32>,
      tpu.vector_store %arg18[%swap3A], %add3A_436 {strides = array<i32>} : memref<512xf32, #tpu.memory_space<vmem>>, vector<16xf32>,
      %swap3A_440 = arith.index_cast %add3A_154 : i32 to index
      %swap3A_441 = tpu.vector_load %arg19[%swap3A_440] {strides = array<i32>} : memref<512xf32, #tpu.memory_space<vmem>>, vector<16xf32>,
      tpu.vector_store %arg19[%swap3A_440], %add3A_438 {strides = array<i32>} : memref<512xf32, #tpu.memory_space<vmem>>, vector<16xf32>,
    }
    %scan3A_41 = arith.constant 8 : i32
    %dma_start3A_42 = arith.constant 128 : i32
    %dma_start3A_43 = tpu.memref_slice %arg12[%dma_start3A_42] : memref<512xi32, #tpu.memory_space<vmem>> -> memref<128xi32, #tpu.memory_space<vmem>>
    %dma_start3A_44 = arith.constant 0 : i32
    %dma_start3A_45 = arith.constant 0 : i32
    %dma_start3A_46 = tpu.memref_slice %arg5[%dma_start3A_44, %dma_start3A_45] : memref<125000x128xf32, #tpu.memory_space<hbm>> -> memref<125000x128xf32, #tpu.memory_space<hbm>>
    tpu.enqueue_indirect_dma source(%dma_start3A_46 : memref<125000x128xf32, #tpu.memory_space<hbm>>) target(%arg15 : memref<128x128xf32, #tpu.memory_space<vmem>>) offsets(%dma_start3A_43 : memref<128xi32, #tpu.memory_space<vmem>>) semaphore(%arg20 : memref<!tpu.dma_semaphore, #tpu.memory_space<semaphore_mem>>)
    %dma_start3A_47 = arith.constant 128 : i32
    %dma_start3A_48 = tpu.memref_slice %arg13[%dma_start3A_47] : memref<512xi32, #tpu.memory_space<vmem>> -> memref<128xi32, #tpu.memory_space<vmem>>
    %dma_start3A_49 = arith.constant 0 : i32
    %dma_start3A_50 = arith.constant 0 : i32
    %dma_start3A_51 = tpu.memref_slice %arg6[%dma_start3A_49, %dma_start3A_50] : memref<125000x128xf32, #tpu.memory_space<hbm>> -> memref<125000x128xf32, #tpu.memory_space<hbm>>
    tpu.enqueue_indirect_dma source(%dma_start3A_51 : memref<125000x128xf32, #tpu.memory_space<hbm>>) target(%arg16 : memref<128x128xf32, #tpu.memory_space<vmem>>) offsets(%dma_start3A_48 : memref<128xi32, #tpu.memory_space<vmem>>) semaphore(%arg20 : memref<!tpu.dma_semaphore, #tpu.memory_space<semaphore_mem>>)
    %dma_start3A_52 = arith.constant 128 : i32
    %dma_start3A_53 = tpu.memref_slice %arg14[%dma_start3A_52] : memref<512xi32, #tpu.memory_space<vmem>> -> memref<128xi32, #tpu.memory_space<vmem>>
    %dma_start3A_54 = arith.constant 0 : i32
    %dma_start3A_55 = arith.constant 0 : i32
    %dma_start3A_56 = tpu.memref_slice %arg6[%dma_start3A_54, %dma_start3A_55] : memref<125000x128xf32, #tpu.memory_space<hbm>> -> memref<125000x128xf32, #tpu.memory_space<hbm>>
    tpu.enqueue_indirect_dma source(%dma_start3A_56 : memref<125000x128xf32, #tpu.memory_space<hbm>>) target(%arg17 : memref<128x128xf32, #tpu.memory_space<vmem>>) offsets(%dma_start3A_53 : memref<128xi32, #tpu.memory_space<vmem>>) semaphore(%arg20 : memref<!tpu.dma_semaphore, #tpu.memory_space<semaphore_mem>>)
    %dma_wait3A_57 = arith.constant 128 : i32
    %dma_wait3A_58 = tpu.memref_slice %arg12[%dma_wait3A_57] : memref<512xi32, #tpu.memory_space<vmem>> -> memref<128xi32, #tpu.memory_space<vmem>>
    %dma_wait3A_59 = arith.constant 0 : i32
    %dma_wait3A_60 = arith.constant 0 : i32
    %dma_wait3A_61 = tpu.memref_slice %arg5[%dma_wait3A_59, %dma_wait3A_60] : memref<125000x128xf32, #tpu.memory_space<hbm>> -> memref<125000x128xf32, #tpu.memory_space<hbm>>
    tpu.wait_indirect_dma semaphore(%arg20 : memref<!tpu.dma_semaphore, #tpu.memory_space<semaphore_mem>>) src(%dma_wait3A_61 : memref<125000x128xf32, #tpu.memory_space<hbm>>) dst(%arg15 : memref<128x128xf32, #tpu.memory_space<vmem>>)
    %dma_wait3A_62 = arith.constant 128 : i32
    %dma_wait3A_63 = tpu.memref_slice %arg13[%dma_wait3A_62] : memref<512xi32, #tpu.memory_space<vmem>> -> memref<128xi32, #tpu.memory_space<vmem>>
    %dma_wait3A_64 = arith.constant 0 : i32
    %dma_wait3A_65 = arith.constant 0 : i32
    %dma_wait3A_66 = tpu.memref_slice %arg6[%dma_wait3A_64, %dma_wait3A_65] : memref<125000x128xf32, #tpu.memory_space<hbm>> -> memref<125000x128xf32, #tpu.memory_space<hbm>>
    tpu.wait_indirect_dma semaphore(%arg20 : memref<!tpu.dma_semaphore, #tpu.memory_space<semaphore_mem>>) src(%dma_wait3A_66 : memref<125000x128xf32, #tpu.memory_space<hbm>>) dst(%arg16 : memref<128x128xf32, #tpu.memory_space<vmem>>)
    %dma_wait3A_67 = arith.constant 128 : i32
    %dma_wait3A_68 = tpu.memref_slice %arg14[%dma_wait3A_67] : memref<512xi32, #tpu.memory_space<vmem>> -> memref<128xi32, #tpu.memory_space<vmem>>
    %dma_wait3A_69 = arith.constant 0 : i32
    %dma_wait3A_70 = arith.constant 0 : i32
    %dma_wait3A_71 = tpu.memref_slice %arg6[%dma_wait3A_69, %dma_wait3A_70] : memref<125000x128xf32, #tpu.memory_space<hbm>> -> memref<125000x128xf32, #tpu.memory_space<hbm>>
    tpu.wait_indirect_dma semaphore(%arg20 : memref<!tpu.dma_semaphore, #tpu.memory_space<semaphore_mem>>) src(%dma_wait3A_71 : memref<125000x128xf32, #tpu.memory_space<hbm>>) dst(%arg17 : memref<128x128xf32, #tpu.memory_space<vmem>>)
    %scan3A_72 = arith.constant 0 : i32
    %scan3A_73 = arith.constant 0 : i32
    %scan3A_74 = arith.constant 8 : i32
    %scan3A_75 = arith.addi %scan3A_73, %scan3A_74 : i32
    %scan3A_76 = arith.constant 1 : i32
    scf.for %scan3A_150 = %scan3A_73 to %scan3A_75 step %scan3A_76  : i32 {
      %mul3A_151 = arith.constant 16 : i32
      %mul3A_152 = arith.muli %scan3A_150, %mul3A_151 : i32
      %add3A_153 = arith.constant 128 : i32
      %add3A_154 = arith.addi %add3A_153, %mul3A_152 : i32
      %mul3A_155 = arith.constant 16 : i32
      %mul3A_156 = arith.muli %scan3A_150, %mul3A_155 : i32
      %iota3A = tpu.iota {dimensions = array<i32: 0>} : vector<16xi32>
      %add3A_157 = vector.broadcast %mul3A_156 : i32 to vector<16xi32>
      %add3A_158 = arith.addi %add3A_157, %iota3A : vector<16xi32>
      %get3A = arith.index_cast %add3A_154 : i32 to index
      %get3A_159 = tpu.vector_load %arg9[%get3A] {strides = array<i32>} : memref<512xi32, #tpu.memory_space<vmem>>, vector<16xi32>,
      %and3A = arith.constant 7 : i32
      %and3A_160 = vector.broadcast %and3A : i32 to vector<16xi32>
      %and3A_161 = arith.andi %get3A_159, %and3A_160 : vector<16xi32>
      %mul3A_162 = arith.constant 16 : i32
      %mul3A_163 = vector.broadcast %mul3A_162 : i32 to vector<16xi32>
      %mul3A_164 = arith.muli %and3A_161, %mul3A_163 : vector<16xi32>
      %get3A_165 = arith.index_cast %add3A_154 : i32 to index
      %get3A_166 = tpu.vector_load %arg10[%get3A_165] {strides = array<i32>} : memref<512xi32, #tpu.memory_space<vmem>>, vector<16xi32>,
      %and3A_167 = arith.constant 7 : i32
      %and3A_168 = vector.broadcast %and3A_167 : i32 to vector<16xi32>
      %and3A_169 = arith.andi %get3A_166, %and3A_168 : vector<16xi32>
      %mul3A_170 = arith.constant 16 : i32
      %mul3A_171 = vector.broadcast %mul3A_170 : i32 to vector<16xi32>
      %mul3A_172 = arith.muli %and3A_169, %mul3A_171 : vector<16xi32>
      %get3A_173 = arith.index_cast %add3A_154 : i32 to index
      %get3A_174 = tpu.vector_load %arg11[%get3A_173] {strides = array<i32>} : memref<512xi32, #tpu.memory_space<vmem>>, vector<16xi32>,
      %and3A_175 = arith.constant 7 : i32
      %and3A_176 = vector.broadcast %and3A_175 : i32 to vector<16xi32>
      %and3A_177 = arith.andi %get3A_174, %and3A_176 : vector<16xi32>
      %mul3A_178 = arith.constant 16 : i32
      %mul3A_179 = vector.broadcast %mul3A_178 : i32 to vector<16xi32>
      %mul3A_180 = arith.muli %and3A_177, %mul3A_179 : vector<16xi32>
      %broadcast_in_dim3A = arith.constant 0.000000e+00 : f32
      %broadcast_in_dim3A_181 = vector.broadcast %broadcast_in_dim3A : f32 to vector<16xf32>
      %broadcast_in_dim3A_182 = arith.constant 0.000000e+00 : f32
      %broadcast_in_dim3A_183 = vector.broadcast %broadcast_in_dim3A_182 : f32 to vector<16xf32>
      %add3A_184 = arith.constant 0 : i32
      %add3A_185 = vector.broadcast %add3A_184 : i32 to vector<16xi32>
      %add3A_186 = arith.addi %mul3A_164, %add3A_185 : vector<16xi32>
      %gather3A = tpu.vector_load_idx %arg15[%add3A_158, %add3A_186] : memref<128x128xf32, #tpu.memory_space<vmem>>[vector<16xi32>, vector<16xi32>], vector<16xf32>,
      %add3A_187 = arith.constant 0 : i32
      %add3A_188 = vector.broadcast %add3A_187 : i32 to vector<16xi32>
      %add3A_189 = arith.addi %mul3A_172, %add3A_188 : vector<16xi32>
      %gather3A_190 = tpu.vector_load_idx %arg16[%add3A_158, %add3A_189] : memref<128x128xf32, #tpu.memory_space<vmem>>[vector<16xi32>, vector<16xi32>], vector<16xf32>,
      %add3A_191 = arith.constant 0 : i32
      %add3A_192 = vector.broadcast %add3A_191 : i32 to vector<16xi32>
      %add3A_193 = arith.addi %mul3A_180, %add3A_192 : vector<16xi32>
      %gather3A_194 = tpu.vector_load_idx %arg17[%add3A_158, %add3A_193] : memref<128x128xf32, #tpu.memory_space<vmem>>[vector<16xi32>, vector<16xi32>], vector<16xf32>,
      %mul3A_195 = arith.mulf %gather3A, %gather3A_190 : vector<16xf32>
      %add3A_196 = arith.addf %broadcast_in_dim3A_181, %mul3A_195 : vector<16xf32>
      %mul3A_197 = arith.mulf %gather3A, %gather3A_194 : vector<16xf32>
      %add3A_198 = arith.addf %broadcast_in_dim3A_183, %mul3A_197 : vector<16xf32>
      %add3A_199 = arith.constant 1 : i32
      %add3A_200 = vector.broadcast %add3A_199 : i32 to vector<16xi32>
      %add3A_201 = arith.addi %mul3A_164, %add3A_200 : vector<16xi32>
      %gather3A_202 = tpu.vector_load_idx %arg15[%add3A_158, %add3A_201] : memref<128x128xf32, #tpu.memory_space<vmem>>[vector<16xi32>, vector<16xi32>], vector<16xf32>,
      %add3A_203 = arith.constant 1 : i32
      %add3A_204 = vector.broadcast %add3A_203 : i32 to vector<16xi32>
      %add3A_205 = arith.addi %mul3A_172, %add3A_204 : vector<16xi32>
      %gather3A_206 = tpu.vector_load_idx %arg16[%add3A_158, %add3A_205] : memref<128x128xf32, #tpu.memory_space<vmem>>[vector<16xi32>, vector<16xi32>], vector<16xf32>,
      %add3A_207 = arith.constant 1 : i32
      %add3A_208 = vector.broadcast %add3A_207 : i32 to vector<16xi32>
      %add3A_209 = arith.addi %mul3A_180, %add3A_208 : vector<16xi32>
      %gather3A_210 = tpu.vector_load_idx %arg17[%add3A_158, %add3A_209] : memref<128x128xf32, #tpu.memory_space<vmem>>[vector<16xi32>, vector<16xi32>], vector<16xf32>,
      %mul3A_211 = arith.mulf %gather3A_202, %gather3A_206 : vector<16xf32>
      %add3A_212 = arith.addf %add3A_196, %mul3A_211 : vector<16xf32>
      %mul3A_213 = arith.mulf %gather3A_202, %gather3A_210 : vector<16xf32>
      %add3A_214 = arith.addf %add3A_198, %mul3A_213 : vector<16xf32>
      %add3A_215 = arith.constant 2 : i32
      %add3A_216 = vector.broadcast %add3A_215 : i32 to vector<16xi32>
      %add3A_217 = arith.addi %mul3A_164, %add3A_216 : vector<16xi32>
      %gather3A_218 = tpu.vector_load_idx %arg15[%add3A_158, %add3A_217] : memref<128x128xf32, #tpu.memory_space<vmem>>[vector<16xi32>, vector<16xi32>], vector<16xf32>,
      %add3A_219 = arith.constant 2 : i32
      %add3A_220 = vector.broadcast %add3A_219 : i32 to vector<16xi32>
      %add3A_221 = arith.addi %mul3A_172, %add3A_220 : vector<16xi32>
      %gather3A_222 = tpu.vector_load_idx %arg16[%add3A_158, %add3A_221] : memref<128x128xf32, #tpu.memory_space<vmem>>[vector<16xi32>, vector<16xi32>], vector<16xf32>,
      %add3A_223 = arith.constant 2 : i32
      %add3A_224 = vector.broadcast %add3A_223 : i32 to vector<16xi32>
      %add3A_225 = arith.addi %mul3A_180, %add3A_224 : vector<16xi32>
      %gather3A_226 = tpu.vector_load_idx %arg17[%add3A_158, %add3A_225] : memref<128x128xf32, #tpu.memory_space<vmem>>[vector<16xi32>, vector<16xi32>], vector<16xf32>,
      %mul3A_227 = arith.mulf %gather3A_218, %gather3A_222 : vector<16xf32>
      %add3A_228 = arith.addf %add3A_212, %mul3A_227 : vector<16xf32>
      %mul3A_229 = arith.mulf %gather3A_218, %gather3A_226 : vector<16xf32>
      %add3A_230 = arith.addf %add3A_214, %mul3A_229 : vector<16xf32>
      %add3A_231 = arith.constant 3 : i32
      %add3A_232 = vector.broadcast %add3A_231 : i32 to vector<16xi32>
      %add3A_233 = arith.addi %mul3A_164, %add3A_232 : vector<16xi32>
      %gather3A_234 = tpu.vector_load_idx %arg15[%add3A_158, %add3A_233] : memref<128x128xf32, #tpu.memory_space<vmem>>[vector<16xi32>, vector<16xi32>], vector<16xf32>,
      %add3A_235 = arith.constant 3 : i32
      %add3A_236 = vector.broadcast %add3A_235 : i32 to vector<16xi32>
      %add3A_237 = arith.addi %mul3A_172, %add3A_236 : vector<16xi32>
      %gather3A_238 = tpu.vector_load_idx %arg16[%add3A_158, %add3A_237] : memref<128x128xf32, #tpu.memory_space<vmem>>[vector<16xi32>, vector<16xi32>], vector<16xf32>,
      %add3A_239 = arith.constant 3 : i32
      %add3A_240 = vector.broadcast %add3A_239 : i32 to vector<16xi32>
      %add3A_241 = arith.addi %mul3A_180, %add3A_240 : vector<16xi32>
      %gather3A_242 = tpu.vector_load_idx %arg17[%add3A_158, %add3A_241] : memref<128x128xf32, #tpu.memory_space<vmem>>[vector<16xi32>, vector<16xi32>], vector<16xf32>,
      %mul3A_243 = arith.mulf %gather3A_234, %gather3A_238 : vector<16xf32>
      %add3A_244 = arith.addf %add3A_228, %mul3A_243 : vector<16xf32>
      %mul3A_245 = arith.mulf %gather3A_234, %gather3A_242 : vector<16xf32>
      %add3A_246 = arith.addf %add3A_230, %mul3A_245 : vector<16xf32>
      %add3A_247 = arith.constant 4 : i32
      %add3A_248 = vector.broadcast %add3A_247 : i32 to vector<16xi32>
      %add3A_249 = arith.addi %mul3A_164, %add3A_248 : vector<16xi32>
      %gather3A_250 = tpu.vector_load_idx %arg15[%add3A_158, %add3A_249] : memref<128x128xf32, #tpu.memory_space<vmem>>[vector<16xi32>, vector<16xi32>], vector<16xf32>,
      %add3A_251 = arith.constant 4 : i32
      %add3A_252 = vector.broadcast %add3A_251 : i32 to vector<16xi32>
      %add3A_253 = arith.addi %mul3A_172, %add3A_252 : vector<16xi32>
      %gather3A_254 = tpu.vector_load_idx %arg16[%add3A_158, %add3A_253] : memref<128x128xf32, #tpu.memory_space<vmem>>[vector<16xi32>, vector<16xi32>], vector<16xf32>,
      %add3A_255 = arith.constant 4 : i32
      %add3A_256 = vector.broadcast %add3A_255 : i32 to vector<16xi32>
      %add3A_257 = arith.addi %mul3A_180, %add3A_256 : vector<16xi32>
      %gather3A_258 = tpu.vector_load_idx %arg17[%add3A_158, %add3A_257] : memref<128x128xf32, #tpu.memory_space<vmem>>[vector<16xi32>, vector<16xi32>], vector<16xf32>,
      %mul3A_259 = arith.mulf %gather3A_250, %gather3A_254 : vector<16xf32>
      %add3A_260 = arith.addf %add3A_244, %mul3A_259 : vector<16xf32>
      %mul3A_261 = arith.mulf %gather3A_250, %gather3A_258 : vector<16xf32>
      %add3A_262 = arith.addf %add3A_246, %mul3A_261 : vector<16xf32>
      %add3A_263 = arith.constant 5 : i32
      %add3A_264 = vector.broadcast %add3A_263 : i32 to vector<16xi32>
      %add3A_265 = arith.addi %mul3A_164, %add3A_264 : vector<16xi32>
      %gather3A_266 = tpu.vector_load_idx %arg15[%add3A_158, %add3A_265] : memref<128x128xf32, #tpu.memory_space<vmem>>[vector<16xi32>, vector<16xi32>], vector<16xf32>,
      %add3A_267 = arith.constant 5 : i32
      %add3A_268 = vector.broadcast %add3A_267 : i32 to vector<16xi32>
      %add3A_269 = arith.addi %mul3A_172, %add3A_268 : vector<16xi32>
      %gather3A_270 = tpu.vector_load_idx %arg16[%add3A_158, %add3A_269] : memref<128x128xf32, #tpu.memory_space<vmem>>[vector<16xi32>, vector<16xi32>], vector<16xf32>,
      %add3A_271 = arith.constant 5 : i32
      %add3A_272 = vector.broadcast %add3A_271 : i32 to vector<16xi32>
      %add3A_273 = arith.addi %mul3A_180, %add3A_272 : vector<16xi32>
      %gather3A_274 = tpu.vector_load_idx %arg17[%add3A_158, %add3A_273] : memref<128x128xf32, #tpu.memory_space<vmem>>[vector<16xi32>, vector<16xi32>], vector<16xf32>,
      %mul3A_275 = arith.mulf %gather3A_266, %gather3A_270 : vector<16xf32>
      %add3A_276 = arith.addf %add3A_260, %mul3A_275 : vector<16xf32>
      %mul3A_277 = arith.mulf %gather3A_266, %gather3A_274 : vector<16xf32>
      %add3A_278 = arith.addf %add3A_262, %mul3A_277 : vector<16xf32>
      %add3A_279 = arith.constant 6 : i32
      %add3A_280 = vector.broadcast %add3A_279 : i32 to vector<16xi32>
      %add3A_281 = arith.addi %mul3A_164, %add3A_280 : vector<16xi32>
      %gather3A_282 = tpu.vector_load_idx %arg15[%add3A_158, %add3A_281] : memref<128x128xf32, #tpu.memory_space<vmem>>[vector<16xi32>, vector<16xi32>], vector<16xf32>,
      %add3A_283 = arith.constant 6 : i32
      %add3A_284 = vector.broadcast %add3A_283 : i32 to vector<16xi32>
      %add3A_285 = arith.addi %mul3A_172, %add3A_284 : vector<16xi32>
      %gather3A_286 = tpu.vector_load_idx %arg16[%add3A_158, %add3A_285] : memref<128x128xf32, #tpu.memory_space<vmem>>[vector<16xi32>, vector<16xi32>], vector<16xf32>,
      %add3A_287 = arith.constant 6 : i32
      %add3A_288 = vector.broadcast %add3A_287 : i32 to vector<16xi32>
      %add3A_289 = arith.addi %mul3A_180, %add3A_288 : vector<16xi32>
      %gather3A_290 = tpu.vector_load_idx %arg17[%add3A_158, %add3A_289] : memref<128x128xf32, #tpu.memory_space<vmem>>[vector<16xi32>, vector<16xi32>], vector<16xf32>,
      %mul3A_291 = arith.mulf %gather3A_282, %gather3A_286 : vector<16xf32>
      %add3A_292 = arith.addf %add3A_276, %mul3A_291 : vector<16xf32>
      %mul3A_293 = arith.mulf %gather3A_282, %gather3A_290 : vector<16xf32>
      %add3A_294 = arith.addf %add3A_278, %mul3A_293 : vector<16xf32>
      %add3A_295 = arith.constant 7 : i32
      %add3A_296 = vector.broadcast %add3A_295 : i32 to vector<16xi32>
      %add3A_297 = arith.addi %mul3A_164, %add3A_296 : vector<16xi32>
      %gather3A_298 = tpu.vector_load_idx %arg15[%add3A_158, %add3A_297] : memref<128x128xf32, #tpu.memory_space<vmem>>[vector<16xi32>, vector<16xi32>], vector<16xf32>,
      %add3A_299 = arith.constant 7 : i32
      %add3A_300 = vector.broadcast %add3A_299 : i32 to vector<16xi32>
      %add3A_301 = arith.addi %mul3A_172, %add3A_300 : vector<16xi32>
      %gather3A_302 = tpu.vector_load_idx %arg16[%add3A_158, %add3A_301] : memref<128x128xf32, #tpu.memory_space<vmem>>[vector<16xi32>, vector<16xi32>], vector<16xf32>,
      %add3A_303 = arith.constant 7 : i32
      %add3A_304 = vector.broadcast %add3A_303 : i32 to vector<16xi32>
      %add3A_305 = arith.addi %mul3A_180, %add3A_304 : vector<16xi32>
      %gather3A_306 = tpu.vector_load_idx %arg17[%add3A_158, %add3A_305] : memref<128x128xf32, #tpu.memory_space<vmem>>[vector<16xi32>, vector<16xi32>], vector<16xf32>,
      %mul3A_307 = arith.mulf %gather3A_298, %gather3A_302 : vector<16xf32>
      %add3A_308 = arith.addf %add3A_292, %mul3A_307 : vector<16xf32>
      %mul3A_309 = arith.mulf %gather3A_298, %gather3A_306 : vector<16xf32>
      %add3A_310 = arith.addf %add3A_294, %mul3A_309 : vector<16xf32>
      %add3A_311 = arith.constant 8 : i32
      %add3A_312 = vector.broadcast %add3A_311 : i32 to vector<16xi32>
      %add3A_313 = arith.addi %mul3A_164, %add3A_312 : vector<16xi32>
      %gather3A_314 = tpu.vector_load_idx %arg15[%add3A_158, %add3A_313] : memref<128x128xf32, #tpu.memory_space<vmem>>[vector<16xi32>, vector<16xi32>], vector<16xf32>,
      %add3A_315 = arith.constant 8 : i32
      %add3A_316 = vector.broadcast %add3A_315 : i32 to vector<16xi32>
      %add3A_317 = arith.addi %mul3A_172, %add3A_316 : vector<16xi32>
      %gather3A_318 = tpu.vector_load_idx %arg16[%add3A_158, %add3A_317] : memref<128x128xf32, #tpu.memory_space<vmem>>[vector<16xi32>, vector<16xi32>], vector<16xf32>,
      %add3A_319 = arith.constant 8 : i32
      %add3A_320 = vector.broadcast %add3A_319 : i32 to vector<16xi32>
      %add3A_321 = arith.addi %mul3A_180, %add3A_320 : vector<16xi32>
      %gather3A_322 = tpu.vector_load_idx %arg17[%add3A_158, %add3A_321] : memref<128x128xf32, #tpu.memory_space<vmem>>[vector<16xi32>, vector<16xi32>], vector<16xf32>,
      %mul3A_323 = arith.mulf %gather3A_314, %gather3A_318 : vector<16xf32>
      %add3A_324 = arith.addf %add3A_308, %mul3A_323 : vector<16xf32>
      %mul3A_325 = arith.mulf %gather3A_314, %gather3A_322 : vector<16xf32>
      %add3A_326 = arith.addf %add3A_310, %mul3A_325 : vector<16xf32>
      %add3A_327 = arith.constant 9 : i32
      %add3A_328 = vector.broadcast %add3A_327 : i32 to vector<16xi32>
      %add3A_329 = arith.addi %mul3A_164, %add3A_328 : vector<16xi32>
      %gather3A_330 = tpu.vector_load_idx %arg15[%add3A_158, %add3A_329] : memref<128x128xf32, #tpu.memory_space<vmem>>[vector<16xi32>, vector<16xi32>], vector<16xf32>,
      %add3A_331 = arith.constant 9 : i32
      %add3A_332 = vector.broadcast %add3A_331 : i32 to vector<16xi32>
      %add3A_333 = arith.addi %mul3A_172, %add3A_332 : vector<16xi32>
      %gather3A_334 = tpu.vector_load_idx %arg16[%add3A_158, %add3A_333] : memref<128x128xf32, #tpu.memory_space<vmem>>[vector<16xi32>, vector<16xi32>], vector<16xf32>,
      %add3A_335 = arith.constant 9 : i32
      %add3A_336 = vector.broadcast %add3A_335 : i32 to vector<16xi32>
      %add3A_337 = arith.addi %mul3A_180, %add3A_336 : vector<16xi32>
      %gather3A_338 = tpu.vector_load_idx %arg17[%add3A_158, %add3A_337] : memref<128x128xf32, #tpu.memory_space<vmem>>[vector<16xi32>, vector<16xi32>], vector<16xf32>,
      %mul3A_339 = arith.mulf %gather3A_330, %gather3A_334 : vector<16xf32>
      %add3A_340 = arith.addf %add3A_324, %mul3A_339 : vector<16xf32>
      %mul3A_341 = arith.mulf %gather3A_330, %gather3A_338 : vector<16xf32>
      %add3A_342 = arith.addf %add3A_326, %mul3A_341 : vector<16xf32>
      %add3A_343 = arith.constant 10 : i32
      %add3A_344 = vector.broadcast %add3A_343 : i32 to vector<16xi32>
      %add3A_345 = arith.addi %mul3A_164, %add3A_344 : vector<16xi32>
      %gather3A_346 = tpu.vector_load_idx %arg15[%add3A_158, %add3A_345] : memref<128x128xf32, #tpu.memory_space<vmem>>[vector<16xi32>, vector<16xi32>], vector<16xf32>,
      %add3A_347 = arith.constant 10 : i32
      %add3A_348 = vector.broadcast %add3A_347 : i32 to vector<16xi32>
      %add3A_349 = arith.addi %mul3A_172, %add3A_348 : vector<16xi32>
      %gather3A_350 = tpu.vector_load_idx %arg16[%add3A_158, %add3A_349] : memref<128x128xf32, #tpu.memory_space<vmem>>[vector<16xi32>, vector<16xi32>], vector<16xf32>,
      %add3A_351 = arith.constant 10 : i32
      %add3A_352 = vector.broadcast %add3A_351 : i32 to vector<16xi32>
      %add3A_353 = arith.addi %mul3A_180, %add3A_352 : vector<16xi32>
      %gather3A_354 = tpu.vector_load_idx %arg17[%add3A_158, %add3A_353] : memref<128x128xf32, #tpu.memory_space<vmem>>[vector<16xi32>, vector<16xi32>], vector<16xf32>,
      %mul3A_355 = arith.mulf %gather3A_346, %gather3A_350 : vector<16xf32>
      %add3A_356 = arith.addf %add3A_340, %mul3A_355 : vector<16xf32>
      %mul3A_357 = arith.mulf %gather3A_346, %gather3A_354 : vector<16xf32>
      %add3A_358 = arith.addf %add3A_342, %mul3A_357 : vector<16xf32>
      %add3A_359 = arith.constant 11 : i32
      %add3A_360 = vector.broadcast %add3A_359 : i32 to vector<16xi32>
      %add3A_361 = arith.addi %mul3A_164, %add3A_360 : vector<16xi32>
      %gather3A_362 = tpu.vector_load_idx %arg15[%add3A_158, %add3A_361] : memref<128x128xf32, #tpu.memory_space<vmem>>[vector<16xi32>, vector<16xi32>], vector<16xf32>,
      %add3A_363 = arith.constant 11 : i32
      %add3A_364 = vector.broadcast %add3A_363 : i32 to vector<16xi32>
      %add3A_365 = arith.addi %mul3A_172, %add3A_364 : vector<16xi32>
      %gather3A_366 = tpu.vector_load_idx %arg16[%add3A_158, %add3A_365] : memref<128x128xf32, #tpu.memory_space<vmem>>[vector<16xi32>, vector<16xi32>], vector<16xf32>,
      %add3A_367 = arith.constant 11 : i32
      %add3A_368 = vector.broadcast %add3A_367 : i32 to vector<16xi32>
      %add3A_369 = arith.addi %mul3A_180, %add3A_368 : vector<16xi32>
      %gather3A_370 = tpu.vector_load_idx %arg17[%add3A_158, %add3A_369] : memref<128x128xf32, #tpu.memory_space<vmem>>[vector<16xi32>, vector<16xi32>], vector<16xf32>,
      %mul3A_371 = arith.mulf %gather3A_362, %gather3A_366 : vector<16xf32>
      %add3A_372 = arith.addf %add3A_356, %mul3A_371 : vector<16xf32>
      %mul3A_373 = arith.mulf %gather3A_362, %gather3A_370 : vector<16xf32>
      %add3A_374 = arith.addf %add3A_358, %mul3A_373 : vector<16xf32>
      %add3A_375 = arith.constant 12 : i32
      %add3A_376 = vector.broadcast %add3A_375 : i32 to vector<16xi32>
      %add3A_377 = arith.addi %mul3A_164, %add3A_376 : vector<16xi32>
      %gather3A_378 = tpu.vector_load_idx %arg15[%add3A_158, %add3A_377] : memref<128x128xf32, #tpu.memory_space<vmem>>[vector<16xi32>, vector<16xi32>], vector<16xf32>,
      %add3A_379 = arith.constant 12 : i32
      %add3A_380 = vector.broadcast %add3A_379 : i32 to vector<16xi32>
      %add3A_381 = arith.addi %mul3A_172, %add3A_380 : vector<16xi32>
      %gather3A_382 = tpu.vector_load_idx %arg16[%add3A_158, %add3A_381] : memref<128x128xf32, #tpu.memory_space<vmem>>[vector<16xi32>, vector<16xi32>], vector<16xf32>,
      %add3A_383 = arith.constant 12 : i32
      %add3A_384 = vector.broadcast %add3A_383 : i32 to vector<16xi32>
      %add3A_385 = arith.addi %mul3A_180, %add3A_384 : vector<16xi32>
      %gather3A_386 = tpu.vector_load_idx %arg17[%add3A_158, %add3A_385] : memref<128x128xf32, #tpu.memory_space<vmem>>[vector<16xi32>, vector<16xi32>], vector<16xf32>,
      %mul3A_387 = arith.mulf %gather3A_378, %gather3A_382 : vector<16xf32>
      %add3A_388 = arith.addf %add3A_372, %mul3A_387 : vector<16xf32>
      %mul3A_389 = arith.mulf %gather3A_378, %gather3A_386 : vector<16xf32>
      %add3A_390 = arith.addf %add3A_374, %mul3A_389 : vector<16xf32>
      %add3A_391 = arith.constant 13 : i32
      %add3A_392 = vector.broadcast %add3A_391 : i32 to vector<16xi32>
      %add3A_393 = arith.addi %mul3A_164, %add3A_392 : vector<16xi32>
      %gather3A_394 = tpu.vector_load_idx %arg15[%add3A_158, %add3A_393] : memref<128x128xf32, #tpu.memory_space<vmem>>[vector<16xi32>, vector<16xi32>], vector<16xf32>,
      %add3A_395 = arith.constant 13 : i32
      %add3A_396 = vector.broadcast %add3A_395 : i32 to vector<16xi32>
      %add3A_397 = arith.addi %mul3A_172, %add3A_396 : vector<16xi32>
      %gather3A_398 = tpu.vector_load_idx %arg16[%add3A_158, %add3A_397] : memref<128x128xf32, #tpu.memory_space<vmem>>[vector<16xi32>, vector<16xi32>], vector<16xf32>,
      %add3A_399 = arith.constant 13 : i32
      %add3A_400 = vector.broadcast %add3A_399 : i32 to vector<16xi32>
      %add3A_401 = arith.addi %mul3A_180, %add3A_400 : vector<16xi32>
      %gather3A_402 = tpu.vector_load_idx %arg17[%add3A_158, %add3A_401] : memref<128x128xf32, #tpu.memory_space<vmem>>[vector<16xi32>, vector<16xi32>], vector<16xf32>,
      %mul3A_403 = arith.mulf %gather3A_394, %gather3A_398 : vector<16xf32>
      %add3A_404 = arith.addf %add3A_388, %mul3A_403 : vector<16xf32>
      %mul3A_405 = arith.mulf %gather3A_394, %gather3A_402 : vector<16xf32>
      %add3A_406 = arith.addf %add3A_390, %mul3A_405 : vector<16xf32>
      %add3A_407 = arith.constant 14 : i32
      %add3A_408 = vector.broadcast %add3A_407 : i32 to vector<16xi32>
      %add3A_409 = arith.addi %mul3A_164, %add3A_408 : vector<16xi32>
      %gather3A_410 = tpu.vector_load_idx %arg15[%add3A_158, %add3A_409] : memref<128x128xf32, #tpu.memory_space<vmem>>[vector<16xi32>, vector<16xi32>], vector<16xf32>,
      %add3A_411 = arith.constant 14 : i32
      %add3A_412 = vector.broadcast %add3A_411 : i32 to vector<16xi32>
      %add3A_413 = arith.addi %mul3A_172, %add3A_412 : vector<16xi32>
      %gather3A_414 = tpu.vector_load_idx %arg16[%add3A_158, %add3A_413] : memref<128x128xf32, #tpu.memory_space<vmem>>[vector<16xi32>, vector<16xi32>], vector<16xf32>,
      %add3A_415 = arith.constant 14 : i32
      %add3A_416 = vector.broadcast %add3A_415 : i32 to vector<16xi32>
      %add3A_417 = arith.addi %mul3A_180, %add3A_416 : vector<16xi32>
      %gather3A_418 = tpu.vector_load_idx %arg17[%add3A_158, %add3A_417] : memref<128x128xf32, #tpu.memory_space<vmem>>[vector<16xi32>, vector<16xi32>], vector<16xf32>,
      %mul3A_419 = arith.mulf %gather3A_410, %gather3A_414 : vector<16xf32>
      %add3A_420 = arith.addf %add3A_404, %mul3A_419 : vector<16xf32>
      %mul3A_421 = arith.mulf %gather3A_410, %gather3A_418 : vector<16xf32>
      %add3A_422 = arith.addf %add3A_406, %mul3A_421 : vector<16xf32>
      %add3A_423 = arith.constant 15 : i32
      %add3A_424 = vector.broadcast %add3A_423 : i32 to vector<16xi32>
      %add3A_425 = arith.addi %mul3A_164, %add3A_424 : vector<16xi32>
      %gather3A_426 = tpu.vector_load_idx %arg15[%add3A_158, %add3A_425] : memref<128x128xf32, #tpu.memory_space<vmem>>[vector<16xi32>, vector<16xi32>], vector<16xf32>,
      %add3A_427 = arith.constant 15 : i32
      %add3A_428 = vector.broadcast %add3A_427 : i32 to vector<16xi32>
      %add3A_429 = arith.addi %mul3A_172, %add3A_428 : vector<16xi32>
      %gather3A_430 = tpu.vector_load_idx %arg16[%add3A_158, %add3A_429] : memref<128x128xf32, #tpu.memory_space<vmem>>[vector<16xi32>, vector<16xi32>], vector<16xf32>,
      %add3A_431 = arith.constant 15 : i32
      %add3A_432 = vector.broadcast %add3A_431 : i32 to vector<16xi32>
      %add3A_433 = arith.addi %mul3A_180, %add3A_432 : vector<16xi32>
      %gather3A_434 = tpu.vector_load_idx %arg17[%add3A_158, %add3A_433] : memref<128x128xf32, #tpu.memory_space<vmem>>[vector<16xi32>, vector<16xi32>], vector<16xf32>,
      %mul3A_435 = arith.mulf %gather3A_426, %gather3A_430 : vector<16xf32>
      %add3A_436 = arith.addf %add3A_420, %mul3A_435 : vector<16xf32>
      %mul3A_437 = arith.mulf %gather3A_426, %gather3A_434 : vector<16xf32>
      %add3A_438 = arith.addf %add3A_422, %mul3A_437 : vector<16xf32>
      %swap3A = arith.index_cast %add3A_154 : i32 to index
      %swap3A_439 = tpu.vector_load %arg18[%swap3A] {strides = array<i32>} : memref<512xf32, #tpu.memory_space<vmem>>, vector<16xf32>,
      tpu.vector_store %arg18[%swap3A], %add3A_436 {strides = array<i32>} : memref<512xf32, #tpu.memory_space<vmem>>, vector<16xf32>,
      %swap3A_440 = arith.index_cast %add3A_154 : i32 to index
      %swap3A_441 = tpu.vector_load %arg19[%swap3A_440] {strides = array<i32>} : memref<512xf32, #tpu.memory_space<vmem>>, vector<16xf32>,
      tpu.vector_store %arg19[%swap3A_440], %add3A_438 {strides = array<i32>} : memref<512xf32, #tpu.memory_space<vmem>>, vector<16xf32>,
    }
    %scan3A_77 = arith.constant 8 : i32
    %dma_start3A_78 = arith.constant 256 : i32
    %dma_start3A_79 = tpu.memref_slice %arg12[%dma_start3A_78] : memref<512xi32, #tpu.memory_space<vmem>> -> memref<128xi32, #tpu.memory_space<vmem>>
    %dma_start3A_80 = arith.constant 0 : i32
    %dma_start3A_81 = arith.constant 0 : i32
    %dma_start3A_82 = tpu.memref_slice %arg5[%dma_start3A_80, %dma_start3A_81] : memref<125000x128xf32, #tpu.memory_space<hbm>> -> memref<125000x128xf32, #tpu.memory_space<hbm>>
    tpu.enqueue_indirect_dma source(%dma_start3A_82 : memref<125000x128xf32, #tpu.memory_space<hbm>>) target(%arg15 : memref<128x128xf32, #tpu.memory_space<vmem>>) offsets(%dma_start3A_79 : memref<128xi32, #tpu.memory_space<vmem>>) semaphore(%arg20 : memref<!tpu.dma_semaphore, #tpu.memory_space<semaphore_mem>>)
    %dma_start3A_83 = arith.constant 256 : i32
    %dma_start3A_84 = tpu.memref_slice %arg13[%dma_start3A_83] : memref<512xi32, #tpu.memory_space<vmem>> -> memref<128xi32, #tpu.memory_space<vmem>>
    %dma_start3A_85 = arith.constant 0 : i32
    %dma_start3A_86 = arith.constant 0 : i32
    %dma_start3A_87 = tpu.memref_slice %arg6[%dma_start3A_85, %dma_start3A_86] : memref<125000x128xf32, #tpu.memory_space<hbm>> -> memref<125000x128xf32, #tpu.memory_space<hbm>>
    tpu.enqueue_indirect_dma source(%dma_start3A_87 : memref<125000x128xf32, #tpu.memory_space<hbm>>) target(%arg16 : memref<128x128xf32, #tpu.memory_space<vmem>>) offsets(%dma_start3A_84 : memref<128xi32, #tpu.memory_space<vmem>>) semaphore(%arg20 : memref<!tpu.dma_semaphore, #tpu.memory_space<semaphore_mem>>)
    %dma_start3A_88 = arith.constant 256 : i32
    %dma_start3A_89 = tpu.memref_slice %arg14[%dma_start3A_88] : memref<512xi32, #tpu.memory_space<vmem>> -> memref<128xi32, #tpu.memory_space<vmem>>
    %dma_start3A_90 = arith.constant 0 : i32
    %dma_start3A_91 = arith.constant 0 : i32
    %dma_start3A_92 = tpu.memref_slice %arg6[%dma_start3A_90, %dma_start3A_91] : memref<125000x128xf32, #tpu.memory_space<hbm>> -> memref<125000x128xf32, #tpu.memory_space<hbm>>
    tpu.enqueue_indirect_dma source(%dma_start3A_92 : memref<125000x128xf32, #tpu.memory_space<hbm>>) target(%arg17 : memref<128x128xf32, #tpu.memory_space<vmem>>) offsets(%dma_start3A_89 : memref<128xi32, #tpu.memory_space<vmem>>) semaphore(%arg20 : memref<!tpu.dma_semaphore, #tpu.memory_space<semaphore_mem>>)
    %dma_wait3A_93 = arith.constant 256 : i32
    %dma_wait3A_94 = tpu.memref_slice %arg12[%dma_wait3A_93] : memref<512xi32, #tpu.memory_space<vmem>> -> memref<128xi32, #tpu.memory_space<vmem>>
    %dma_wait3A_95 = arith.constant 0 : i32
    %dma_wait3A_96 = arith.constant 0 : i32
    %dma_wait3A_97 = tpu.memref_slice %arg5[%dma_wait3A_95, %dma_wait3A_96] : memref<125000x128xf32, #tpu.memory_space<hbm>> -> memref<125000x128xf32, #tpu.memory_space<hbm>>
    tpu.wait_indirect_dma semaphore(%arg20 : memref<!tpu.dma_semaphore, #tpu.memory_space<semaphore_mem>>) src(%dma_wait3A_97 : memref<125000x128xf32, #tpu.memory_space<hbm>>) dst(%arg15 : memref<128x128xf32, #tpu.memory_space<vmem>>)
    %dma_wait3A_98 = arith.constant 256 : i32
    %dma_wait3A_99 = tpu.memref_slice %arg13[%dma_wait3A_98] : memref<512xi32, #tpu.memory_space<vmem>> -> memref<128xi32, #tpu.memory_space<vmem>>
    %dma_wait3A_100 = arith.constant 0 : i32
    %dma_wait3A_101 = arith.constant 0 : i32
    %dma_wait3A_102 = tpu.memref_slice %arg6[%dma_wait3A_100, %dma_wait3A_101] : memref<125000x128xf32, #tpu.memory_space<hbm>> -> memref<125000x128xf32, #tpu.memory_space<hbm>>
    tpu.wait_indirect_dma semaphore(%arg20 : memref<!tpu.dma_semaphore, #tpu.memory_space<semaphore_mem>>) src(%dma_wait3A_102 : memref<125000x128xf32, #tpu.memory_space<hbm>>) dst(%arg16 : memref<128x128xf32, #tpu.memory_space<vmem>>)
    %dma_wait3A_103 = arith.constant 256 : i32
    %dma_wait3A_104 = tpu.memref_slice %arg14[%dma_wait3A_103] : memref<512xi32, #tpu.memory_space<vmem>> -> memref<128xi32, #tpu.memory_space<vmem>>
    %dma_wait3A_105 = arith.constant 0 : i32
    %dma_wait3A_106 = arith.constant 0 : i32
    %dma_wait3A_107 = tpu.memref_slice %arg6[%dma_wait3A_105, %dma_wait3A_106] : memref<125000x128xf32, #tpu.memory_space<hbm>> -> memref<125000x128xf32, #tpu.memory_space<hbm>>
    tpu.wait_indirect_dma semaphore(%arg20 : memref<!tpu.dma_semaphore, #tpu.memory_space<semaphore_mem>>) src(%dma_wait3A_107 : memref<125000x128xf32, #tpu.memory_space<hbm>>) dst(%arg17 : memref<128x128xf32, #tpu.memory_space<vmem>>)
    %scan3A_108 = arith.constant 0 : i32
    %scan3A_109 = arith.constant 0 : i32
    %scan3A_110 = arith.constant 8 : i32
    %scan3A_111 = arith.addi %scan3A_109, %scan3A_110 : i32
    %scan3A_112 = arith.constant 1 : i32
    scf.for %scan3A_150 = %scan3A_109 to %scan3A_111 step %scan3A_112  : i32 {
      %mul3A_151 = arith.constant 16 : i32
      %mul3A_152 = arith.muli %scan3A_150, %mul3A_151 : i32
      %add3A_153 = arith.constant 256 : i32
      %add3A_154 = arith.addi %add3A_153, %mul3A_152 : i32
      %mul3A_155 = arith.constant 16 : i32
      %mul3A_156 = arith.muli %scan3A_150, %mul3A_155 : i32
      %iota3A = tpu.iota {dimensions = array<i32: 0>} : vector<16xi32>
      %add3A_157 = vector.broadcast %mul3A_156 : i32 to vector<16xi32>
      %add3A_158 = arith.addi %add3A_157, %iota3A : vector<16xi32>
      %get3A = arith.index_cast %add3A_154 : i32 to index
      %get3A_159 = tpu.vector_load %arg9[%get3A] {strides = array<i32>} : memref<512xi32, #tpu.memory_space<vmem>>, vector<16xi32>,
      %and3A = arith.constant 7 : i32
      %and3A_160 = vector.broadcast %and3A : i32 to vector<16xi32>
      %and3A_161 = arith.andi %get3A_159, %and3A_160 : vector<16xi32>
      %mul3A_162 = arith.constant 16 : i32
      %mul3A_163 = vector.broadcast %mul3A_162 : i32 to vector<16xi32>
      %mul3A_164 = arith.muli %and3A_161, %mul3A_163 : vector<16xi32>
      %get3A_165 = arith.index_cast %add3A_154 : i32 to index
      %get3A_166 = tpu.vector_load %arg10[%get3A_165] {strides = array<i32>} : memref<512xi32, #tpu.memory_space<vmem>>, vector<16xi32>,
      %and3A_167 = arith.constant 7 : i32
      %and3A_168 = vector.broadcast %and3A_167 : i32 to vector<16xi32>
      %and3A_169 = arith.andi %get3A_166, %and3A_168 : vector<16xi32>
      %mul3A_170 = arith.constant 16 : i32
      %mul3A_171 = vector.broadcast %mul3A_170 : i32 to vector<16xi32>
      %mul3A_172 = arith.muli %and3A_169, %mul3A_171 : vector<16xi32>
      %get3A_173 = arith.index_cast %add3A_154 : i32 to index
      %get3A_174 = tpu.vector_load %arg11[%get3A_173] {strides = array<i32>} : memref<512xi32, #tpu.memory_space<vmem>>, vector<16xi32>,
      %and3A_175 = arith.constant 7 : i32
      %and3A_176 = vector.broadcast %and3A_175 : i32 to vector<16xi32>
      %and3A_177 = arith.andi %get3A_174, %and3A_176 : vector<16xi32>
      %mul3A_178 = arith.constant 16 : i32
      %mul3A_179 = vector.broadcast %mul3A_178 : i32 to vector<16xi32>
      %mul3A_180 = arith.muli %and3A_177, %mul3A_179 : vector<16xi32>
      %broadcast_in_dim3A = arith.constant 0.000000e+00 : f32
      %broadcast_in_dim3A_181 = vector.broadcast %broadcast_in_dim3A : f32 to vector<16xf32>
      %broadcast_in_dim3A_182 = arith.constant 0.000000e+00 : f32
      %broadcast_in_dim3A_183 = vector.broadcast %broadcast_in_dim3A_182 : f32 to vector<16xf32>
      %add3A_184 = arith.constant 0 : i32
      %add3A_185 = vector.broadcast %add3A_184 : i32 to vector<16xi32>
      %add3A_186 = arith.addi %mul3A_164, %add3A_185 : vector<16xi32>
      %gather3A = tpu.vector_load_idx %arg15[%add3A_158, %add3A_186] : memref<128x128xf32, #tpu.memory_space<vmem>>[vector<16xi32>, vector<16xi32>], vector<16xf32>,
      %add3A_187 = arith.constant 0 : i32
      %add3A_188 = vector.broadcast %add3A_187 : i32 to vector<16xi32>
      %add3A_189 = arith.addi %mul3A_172, %add3A_188 : vector<16xi32>
      %gather3A_190 = tpu.vector_load_idx %arg16[%add3A_158, %add3A_189] : memref<128x128xf32, #tpu.memory_space<vmem>>[vector<16xi32>, vector<16xi32>], vector<16xf32>,
      %add3A_191 = arith.constant 0 : i32
      %add3A_192 = vector.broadcast %add3A_191 : i32 to vector<16xi32>
      %add3A_193 = arith.addi %mul3A_180, %add3A_192 : vector<16xi32>
      %gather3A_194 = tpu.vector_load_idx %arg17[%add3A_158, %add3A_193] : memref<128x128xf32, #tpu.memory_space<vmem>>[vector<16xi32>, vector<16xi32>], vector<16xf32>,
      %mul3A_195 = arith.mulf %gather3A, %gather3A_190 : vector<16xf32>
      %add3A_196 = arith.addf %broadcast_in_dim3A_181, %mul3A_195 : vector<16xf32>
      %mul3A_197 = arith.mulf %gather3A, %gather3A_194 : vector<16xf32>
      %add3A_198 = arith.addf %broadcast_in_dim3A_183, %mul3A_197 : vector<16xf32>
      %add3A_199 = arith.constant 1 : i32
      %add3A_200 = vector.broadcast %add3A_199 : i32 to vector<16xi32>
      %add3A_201 = arith.addi %mul3A_164, %add3A_200 : vector<16xi32>
      %gather3A_202 = tpu.vector_load_idx %arg15[%add3A_158, %add3A_201] : memref<128x128xf32, #tpu.memory_space<vmem>>[vector<16xi32>, vector<16xi32>], vector<16xf32>,
      %add3A_203 = arith.constant 1 : i32
      %add3A_204 = vector.broadcast %add3A_203 : i32 to vector<16xi32>
      %add3A_205 = arith.addi %mul3A_172, %add3A_204 : vector<16xi32>
      %gather3A_206 = tpu.vector_load_idx %arg16[%add3A_158, %add3A_205] : memref<128x128xf32, #tpu.memory_space<vmem>>[vector<16xi32>, vector<16xi32>], vector<16xf32>,
      %add3A_207 = arith.constant 1 : i32
      %add3A_208 = vector.broadcast %add3A_207 : i32 to vector<16xi32>
      %add3A_209 = arith.addi %mul3A_180, %add3A_208 : vector<16xi32>
      %gather3A_210 = tpu.vector_load_idx %arg17[%add3A_158, %add3A_209] : memref<128x128xf32, #tpu.memory_space<vmem>>[vector<16xi32>, vector<16xi32>], vector<16xf32>,
      %mul3A_211 = arith.mulf %gather3A_202, %gather3A_206 : vector<16xf32>
      %add3A_212 = arith.addf %add3A_196, %mul3A_211 : vector<16xf32>
      %mul3A_213 = arith.mulf %gather3A_202, %gather3A_210 : vector<16xf32>
      %add3A_214 = arith.addf %add3A_198, %mul3A_213 : vector<16xf32>
      %add3A_215 = arith.constant 2 : i32
      %add3A_216 = vector.broadcast %add3A_215 : i32 to vector<16xi32>
      %add3A_217 = arith.addi %mul3A_164, %add3A_216 : vector<16xi32>
      %gather3A_218 = tpu.vector_load_idx %arg15[%add3A_158, %add3A_217] : memref<128x128xf32, #tpu.memory_space<vmem>>[vector<16xi32>, vector<16xi32>], vector<16xf32>,
      %add3A_219 = arith.constant 2 : i32
      %add3A_220 = vector.broadcast %add3A_219 : i32 to vector<16xi32>
      %add3A_221 = arith.addi %mul3A_172, %add3A_220 : vector<16xi32>
      %gather3A_222 = tpu.vector_load_idx %arg16[%add3A_158, %add3A_221] : memref<128x128xf32, #tpu.memory_space<vmem>>[vector<16xi32>, vector<16xi32>], vector<16xf32>,
      %add3A_223 = arith.constant 2 : i32
      %add3A_224 = vector.broadcast %add3A_223 : i32 to vector<16xi32>
      %add3A_225 = arith.addi %mul3A_180, %add3A_224 : vector<16xi32>
      %gather3A_226 = tpu.vector_load_idx %arg17[%add3A_158, %add3A_225] : memref<128x128xf32, #tpu.memory_space<vmem>>[vector<16xi32>, vector<16xi32>], vector<16xf32>,
      %mul3A_227 = arith.mulf %gather3A_218, %gather3A_222 : vector<16xf32>
      %add3A_228 = arith.addf %add3A_212, %mul3A_227 : vector<16xf32>
      %mul3A_229 = arith.mulf %gather3A_218, %gather3A_226 : vector<16xf32>
      %add3A_230 = arith.addf %add3A_214, %mul3A_229 : vector<16xf32>
      %add3A_231 = arith.constant 3 : i32
      %add3A_232 = vector.broadcast %add3A_231 : i32 to vector<16xi32>
      %add3A_233 = arith.addi %mul3A_164, %add3A_232 : vector<16xi32>
      %gather3A_234 = tpu.vector_load_idx %arg15[%add3A_158, %add3A_233] : memref<128x128xf32, #tpu.memory_space<vmem>>[vector<16xi32>, vector<16xi32>], vector<16xf32>,
      %add3A_235 = arith.constant 3 : i32
      %add3A_236 = vector.broadcast %add3A_235 : i32 to vector<16xi32>
      %add3A_237 = arith.addi %mul3A_172, %add3A_236 : vector<16xi32>
      %gather3A_238 = tpu.vector_load_idx %arg16[%add3A_158, %add3A_237] : memref<128x128xf32, #tpu.memory_space<vmem>>[vector<16xi32>, vector<16xi32>], vector<16xf32>,
      %add3A_239 = arith.constant 3 : i32
      %add3A_240 = vector.broadcast %add3A_239 : i32 to vector<16xi32>
      %add3A_241 = arith.addi %mul3A_180, %add3A_240 : vector<16xi32>
      %gather3A_242 = tpu.vector_load_idx %arg17[%add3A_158, %add3A_241] : memref<128x128xf32, #tpu.memory_space<vmem>>[vector<16xi32>, vector<16xi32>], vector<16xf32>,
      %mul3A_243 = arith.mulf %gather3A_234, %gather3A_238 : vector<16xf32>
      %add3A_244 = arith.addf %add3A_228, %mul3A_243 : vector<16xf32>
      %mul3A_245 = arith.mulf %gather3A_234, %gather3A_242 : vector<16xf32>
      %add3A_246 = arith.addf %add3A_230, %mul3A_245 : vector<16xf32>
      %add3A_247 = arith.constant 4 : i32
      %add3A_248 = vector.broadcast %add3A_247 : i32 to vector<16xi32>
      %add3A_249 = arith.addi %mul3A_164, %add3A_248 : vector<16xi32>
      %gather3A_250 = tpu.vector_load_idx %arg15[%add3A_158, %add3A_249] : memref<128x128xf32, #tpu.memory_space<vmem>>[vector<16xi32>, vector<16xi32>], vector<16xf32>,
      %add3A_251 = arith.constant 4 : i32
      %add3A_252 = vector.broadcast %add3A_251 : i32 to vector<16xi32>
      %add3A_253 = arith.addi %mul3A_172, %add3A_252 : vector<16xi32>
      %gather3A_254 = tpu.vector_load_idx %arg16[%add3A_158, %add3A_253] : memref<128x128xf32, #tpu.memory_space<vmem>>[vector<16xi32>, vector<16xi32>], vector<16xf32>,
      %add3A_255 = arith.constant 4 : i32
      %add3A_256 = vector.broadcast %add3A_255 : i32 to vector<16xi32>
      %add3A_257 = arith.addi %mul3A_180, %add3A_256 : vector<16xi32>
      %gather3A_258 = tpu.vector_load_idx %arg17[%add3A_158, %add3A_257] : memref<128x128xf32, #tpu.memory_space<vmem>>[vector<16xi32>, vector<16xi32>], vector<16xf32>,
      %mul3A_259 = arith.mulf %gather3A_250, %gather3A_254 : vector<16xf32>
      %add3A_260 = arith.addf %add3A_244, %mul3A_259 : vector<16xf32>
      %mul3A_261 = arith.mulf %gather3A_250, %gather3A_258 : vector<16xf32>
      %add3A_262 = arith.addf %add3A_246, %mul3A_261 : vector<16xf32>
      %add3A_263 = arith.constant 5 : i32
      %add3A_264 = vector.broadcast %add3A_263 : i32 to vector<16xi32>
      %add3A_265 = arith.addi %mul3A_164, %add3A_264 : vector<16xi32>
      %gather3A_266 = tpu.vector_load_idx %arg15[%add3A_158, %add3A_265] : memref<128x128xf32, #tpu.memory_space<vmem>>[vector<16xi32>, vector<16xi32>], vector<16xf32>,
      %add3A_267 = arith.constant 5 : i32
      %add3A_268 = vector.broadcast %add3A_267 : i32 to vector<16xi32>
      %add3A_269 = arith.addi %mul3A_172, %add3A_268 : vector<16xi32>
      %gather3A_270 = tpu.vector_load_idx %arg16[%add3A_158, %add3A_269] : memref<128x128xf32, #tpu.memory_space<vmem>>[vector<16xi32>, vector<16xi32>], vector<16xf32>,
      %add3A_271 = arith.constant 5 : i32
      %add3A_272 = vector.broadcast %add3A_271 : i32 to vector<16xi32>
      %add3A_273 = arith.addi %mul3A_180, %add3A_272 : vector<16xi32>
      %gather3A_274 = tpu.vector_load_idx %arg17[%add3A_158, %add3A_273] : memref<128x128xf32, #tpu.memory_space<vmem>>[vector<16xi32>, vector<16xi32>], vector<16xf32>,
      %mul3A_275 = arith.mulf %gather3A_266, %gather3A_270 : vector<16xf32>
      %add3A_276 = arith.addf %add3A_260, %mul3A_275 : vector<16xf32>
      %mul3A_277 = arith.mulf %gather3A_266, %gather3A_274 : vector<16xf32>
      %add3A_278 = arith.addf %add3A_262, %mul3A_277 : vector<16xf32>
      %add3A_279 = arith.constant 6 : i32
      %add3A_280 = vector.broadcast %add3A_279 : i32 to vector<16xi32>
      %add3A_281 = arith.addi %mul3A_164, %add3A_280 : vector<16xi32>
      %gather3A_282 = tpu.vector_load_idx %arg15[%add3A_158, %add3A_281] : memref<128x128xf32, #tpu.memory_space<vmem>>[vector<16xi32>, vector<16xi32>], vector<16xf32>,
      %add3A_283 = arith.constant 6 : i32
      %add3A_284 = vector.broadcast %add3A_283 : i32 to vector<16xi32>
      %add3A_285 = arith.addi %mul3A_172, %add3A_284 : vector<16xi32>
      %gather3A_286 = tpu.vector_load_idx %arg16[%add3A_158, %add3A_285] : memref<128x128xf32, #tpu.memory_space<vmem>>[vector<16xi32>, vector<16xi32>], vector<16xf32>,
      %add3A_287 = arith.constant 6 : i32
      %add3A_288 = vector.broadcast %add3A_287 : i32 to vector<16xi32>
      %add3A_289 = arith.addi %mul3A_180, %add3A_288 : vector<16xi32>
      %gather3A_290 = tpu.vector_load_idx %arg17[%add3A_158, %add3A_289] : memref<128x128xf32, #tpu.memory_space<vmem>>[vector<16xi32>, vector<16xi32>], vector<16xf32>,
      %mul3A_291 = arith.mulf %gather3A_282, %gather3A_286 : vector<16xf32>
      %add3A_292 = arith.addf %add3A_276, %mul3A_291 : vector<16xf32>
      %mul3A_293 = arith.mulf %gather3A_282, %gather3A_290 : vector<16xf32>
      %add3A_294 = arith.addf %add3A_278, %mul3A_293 : vector<16xf32>
      %add3A_295 = arith.constant 7 : i32
      %add3A_296 = vector.broadcast %add3A_295 : i32 to vector<16xi32>
      %add3A_297 = arith.addi %mul3A_164, %add3A_296 : vector<16xi32>
      %gather3A_298 = tpu.vector_load_idx %arg15[%add3A_158, %add3A_297] : memref<128x128xf32, #tpu.memory_space<vmem>>[vector<16xi32>, vector<16xi32>], vector<16xf32>,
      %add3A_299 = arith.constant 7 : i32
      %add3A_300 = vector.broadcast %add3A_299 : i32 to vector<16xi32>
      %add3A_301 = arith.addi %mul3A_172, %add3A_300 : vector<16xi32>
      %gather3A_302 = tpu.vector_load_idx %arg16[%add3A_158, %add3A_301] : memref<128x128xf32, #tpu.memory_space<vmem>>[vector<16xi32>, vector<16xi32>], vector<16xf32>,
      %add3A_303 = arith.constant 7 : i32
      %add3A_304 = vector.broadcast %add3A_303 : i32 to vector<16xi32>
      %add3A_305 = arith.addi %mul3A_180, %add3A_304 : vector<16xi32>
      %gather3A_306 = tpu.vector_load_idx %arg17[%add3A_158, %add3A_305] : memref<128x128xf32, #tpu.memory_space<vmem>>[vector<16xi32>, vector<16xi32>], vector<16xf32>,
      %mul3A_307 = arith.mulf %gather3A_298, %gather3A_302 : vector<16xf32>
      %add3A_308 = arith.addf %add3A_292, %mul3A_307 : vector<16xf32>
      %mul3A_309 = arith.mulf %gather3A_298, %gather3A_306 : vector<16xf32>
      %add3A_310 = arith.addf %add3A_294, %mul3A_309 : vector<16xf32>
      %add3A_311 = arith.constant 8 : i32
      %add3A_312 = vector.broadcast %add3A_311 : i32 to vector<16xi32>
      %add3A_313 = arith.addi %mul3A_164, %add3A_312 : vector<16xi32>
      %gather3A_314 = tpu.vector_load_idx %arg15[%add3A_158, %add3A_313] : memref<128x128xf32, #tpu.memory_space<vmem>>[vector<16xi32>, vector<16xi32>], vector<16xf32>,
      %add3A_315 = arith.constant 8 : i32
      %add3A_316 = vector.broadcast %add3A_315 : i32 to vector<16xi32>
      %add3A_317 = arith.addi %mul3A_172, %add3A_316 : vector<16xi32>
      %gather3A_318 = tpu.vector_load_idx %arg16[%add3A_158, %add3A_317] : memref<128x128xf32, #tpu.memory_space<vmem>>[vector<16xi32>, vector<16xi32>], vector<16xf32>,
      %add3A_319 = arith.constant 8 : i32
      %add3A_320 = vector.broadcast %add3A_319 : i32 to vector<16xi32>
      %add3A_321 = arith.addi %mul3A_180, %add3A_320 : vector<16xi32>
      %gather3A_322 = tpu.vector_load_idx %arg17[%add3A_158, %add3A_321] : memref<128x128xf32, #tpu.memory_space<vmem>>[vector<16xi32>, vector<16xi32>], vector<16xf32>,
      %mul3A_323 = arith.mulf %gather3A_314, %gather3A_318 : vector<16xf32>
      %add3A_324 = arith.addf %add3A_308, %mul3A_323 : vector<16xf32>
      %mul3A_325 = arith.mulf %gather3A_314, %gather3A_322 : vector<16xf32>
      %add3A_326 = arith.addf %add3A_310, %mul3A_325 : vector<16xf32>
      %add3A_327 = arith.constant 9 : i32
      %add3A_328 = vector.broadcast %add3A_327 : i32 to vector<16xi32>
      %add3A_329 = arith.addi %mul3A_164, %add3A_328 : vector<16xi32>
      %gather3A_330 = tpu.vector_load_idx %arg15[%add3A_158, %add3A_329] : memref<128x128xf32, #tpu.memory_space<vmem>>[vector<16xi32>, vector<16xi32>], vector<16xf32>,
      %add3A_331 = arith.constant 9 : i32
      %add3A_332 = vector.broadcast %add3A_331 : i32 to vector<16xi32>
      %add3A_333 = arith.addi %mul3A_172, %add3A_332 : vector<16xi32>
      %gather3A_334 = tpu.vector_load_idx %arg16[%add3A_158, %add3A_333] : memref<128x128xf32, #tpu.memory_space<vmem>>[vector<16xi32>, vector<16xi32>], vector<16xf32>,
      %add3A_335 = arith.constant 9 : i32
      %add3A_336 = vector.broadcast %add3A_335 : i32 to vector<16xi32>
      %add3A_337 = arith.addi %mul3A_180, %add3A_336 : vector<16xi32>
      %gather3A_338 = tpu.vector_load_idx %arg17[%add3A_158, %add3A_337] : memref<128x128xf32, #tpu.memory_space<vmem>>[vector<16xi32>, vector<16xi32>], vector<16xf32>,
      %mul3A_339 = arith.mulf %gather3A_330, %gather3A_334 : vector<16xf32>
      %add3A_340 = arith.addf %add3A_324, %mul3A_339 : vector<16xf32>
      %mul3A_341 = arith.mulf %gather3A_330, %gather3A_338 : vector<16xf32>
      %add3A_342 = arith.addf %add3A_326, %mul3A_341 : vector<16xf32>
      %add3A_343 = arith.constant 10 : i32
      %add3A_344 = vector.broadcast %add3A_343 : i32 to vector<16xi32>
      %add3A_345 = arith.addi %mul3A_164, %add3A_344 : vector<16xi32>
      %gather3A_346 = tpu.vector_load_idx %arg15[%add3A_158, %add3A_345] : memref<128x128xf32, #tpu.memory_space<vmem>>[vector<16xi32>, vector<16xi32>], vector<16xf32>,
      %add3A_347 = arith.constant 10 : i32
      %add3A_348 = vector.broadcast %add3A_347 : i32 to vector<16xi32>
      %add3A_349 = arith.addi %mul3A_172, %add3A_348 : vector<16xi32>
      %gather3A_350 = tpu.vector_load_idx %arg16[%add3A_158, %add3A_349] : memref<128x128xf32, #tpu.memory_space<vmem>>[vector<16xi32>, vector<16xi32>], vector<16xf32>,
      %add3A_351 = arith.constant 10 : i32
      %add3A_352 = vector.broadcast %add3A_351 : i32 to vector<16xi32>
      %add3A_353 = arith.addi %mul3A_180, %add3A_352 : vector<16xi32>
      %gather3A_354 = tpu.vector_load_idx %arg17[%add3A_158, %add3A_353] : memref<128x128xf32, #tpu.memory_space<vmem>>[vector<16xi32>, vector<16xi32>], vector<16xf32>,
      %mul3A_355 = arith.mulf %gather3A_346, %gather3A_350 : vector<16xf32>
      %add3A_356 = arith.addf %add3A_340, %mul3A_355 : vector<16xf32>
      %mul3A_357 = arith.mulf %gather3A_346, %gather3A_354 : vector<16xf32>
      %add3A_358 = arith.addf %add3A_342, %mul3A_357 : vector<16xf32>
      %add3A_359 = arith.constant 11 : i32
      %add3A_360 = vector.broadcast %add3A_359 : i32 to vector<16xi32>
      %add3A_361 = arith.addi %mul3A_164, %add3A_360 : vector<16xi32>
      %gather3A_362 = tpu.vector_load_idx %arg15[%add3A_158, %add3A_361] : memref<128x128xf32, #tpu.memory_space<vmem>>[vector<16xi32>, vector<16xi32>], vector<16xf32>,
      %add3A_363 = arith.constant 11 : i32
      %add3A_364 = vector.broadcast %add3A_363 : i32 to vector<16xi32>
      %add3A_365 = arith.addi %mul3A_172, %add3A_364 : vector<16xi32>
      %gather3A_366 = tpu.vector_load_idx %arg16[%add3A_158, %add3A_365] : memref<128x128xf32, #tpu.memory_space<vmem>>[vector<16xi32>, vector<16xi32>], vector<16xf32>,
      %add3A_367 = arith.constant 11 : i32
      %add3A_368 = vector.broadcast %add3A_367 : i32 to vector<16xi32>
      %add3A_369 = arith.addi %mul3A_180, %add3A_368 : vector<16xi32>
      %gather3A_370 = tpu.vector_load_idx %arg17[%add3A_158, %add3A_369] : memref<128x128xf32, #tpu.memory_space<vmem>>[vector<16xi32>, vector<16xi32>], vector<16xf32>,
      %mul3A_371 = arith.mulf %gather3A_362, %gather3A_366 : vector<16xf32>
      %add3A_372 = arith.addf %add3A_356, %mul3A_371 : vector<16xf32>
      %mul3A_373 = arith.mulf %gather3A_362, %gather3A_370 : vector<16xf32>
      %add3A_374 = arith.addf %add3A_358, %mul3A_373 : vector<16xf32>
      %add3A_375 = arith.constant 12 : i32
      %add3A_376 = vector.broadcast %add3A_375 : i32 to vector<16xi32>
      %add3A_377 = arith.addi %mul3A_164, %add3A_376 : vector<16xi32>
      %gather3A_378 = tpu.vector_load_idx %arg15[%add3A_158, %add3A_377] : memref<128x128xf32, #tpu.memory_space<vmem>>[vector<16xi32>, vector<16xi32>], vector<16xf32>,
      %add3A_379 = arith.constant 12 : i32
      %add3A_380 = vector.broadcast %add3A_379 : i32 to vector<16xi32>
      %add3A_381 = arith.addi %mul3A_172, %add3A_380 : vector<16xi32>
      %gather3A_382 = tpu.vector_load_idx %arg16[%add3A_158, %add3A_381] : memref<128x128xf32, #tpu.memory_space<vmem>>[vector<16xi32>, vector<16xi32>], vector<16xf32>,
      %add3A_383 = arith.constant 12 : i32
      %add3A_384 = vector.broadcast %add3A_383 : i32 to vector<16xi32>
      %add3A_385 = arith.addi %mul3A_180, %add3A_384 : vector<16xi32>
      %gather3A_386 = tpu.vector_load_idx %arg17[%add3A_158, %add3A_385] : memref<128x128xf32, #tpu.memory_space<vmem>>[vector<16xi32>, vector<16xi32>], vector<16xf32>,
      %mul3A_387 = arith.mulf %gather3A_378, %gather3A_382 : vector<16xf32>
      %add3A_388 = arith.addf %add3A_372, %mul3A_387 : vector<16xf32>
      %mul3A_389 = arith.mulf %gather3A_378, %gather3A_386 : vector<16xf32>
      %add3A_390 = arith.addf %add3A_374, %mul3A_389 : vector<16xf32>
      %add3A_391 = arith.constant 13 : i32
      %add3A_392 = vector.broadcast %add3A_391 : i32 to vector<16xi32>
      %add3A_393 = arith.addi %mul3A_164, %add3A_392 : vector<16xi32>
      %gather3A_394 = tpu.vector_load_idx %arg15[%add3A_158, %add3A_393] : memref<128x128xf32, #tpu.memory_space<vmem>>[vector<16xi32>, vector<16xi32>], vector<16xf32>,
      %add3A_395 = arith.constant 13 : i32
      %add3A_396 = vector.broadcast %add3A_395 : i32 to vector<16xi32>
      %add3A_397 = arith.addi %mul3A_172, %add3A_396 : vector<16xi32>
      %gather3A_398 = tpu.vector_load_idx %arg16[%add3A_158, %add3A_397] : memref<128x128xf32, #tpu.memory_space<vmem>>[vector<16xi32>, vector<16xi32>], vector<16xf32>,
      %add3A_399 = arith.constant 13 : i32
      %add3A_400 = vector.broadcast %add3A_399 : i32 to vector<16xi32>
      %add3A_401 = arith.addi %mul3A_180, %add3A_400 : vector<16xi32>
      %gather3A_402 = tpu.vector_load_idx %arg17[%add3A_158, %add3A_401] : memref<128x128xf32, #tpu.memory_space<vmem>>[vector<16xi32>, vector<16xi32>], vector<16xf32>,
      %mul3A_403 = arith.mulf %gather3A_394, %gather3A_398 : vector<16xf32>
      %add3A_404 = arith.addf %add3A_388, %mul3A_403 : vector<16xf32>
      %mul3A_405 = arith.mulf %gather3A_394, %gather3A_402 : vector<16xf32>
      %add3A_406 = arith.addf %add3A_390, %mul3A_405 : vector<16xf32>
      %add3A_407 = arith.constant 14 : i32
      %add3A_408 = vector.broadcast %add3A_407 : i32 to vector<16xi32>
      %add3A_409 = arith.addi %mul3A_164, %add3A_408 : vector<16xi32>
      %gather3A_410 = tpu.vector_load_idx %arg15[%add3A_158, %add3A_409] : memref<128x128xf32, #tpu.memory_space<vmem>>[vector<16xi32>, vector<16xi32>], vector<16xf32>,
      %add3A_411 = arith.constant 14 : i32
      %add3A_412 = vector.broadcast %add3A_411 : i32 to vector<16xi32>
      %add3A_413 = arith.addi %mul3A_172, %add3A_412 : vector<16xi32>
      %gather3A_414 = tpu.vector_load_idx %arg16[%add3A_158, %add3A_413] : memref<128x128xf32, #tpu.memory_space<vmem>>[vector<16xi32>, vector<16xi32>], vector<16xf32>,
      %add3A_415 = arith.constant 14 : i32
      %add3A_416 = vector.broadcast %add3A_415 : i32 to vector<16xi32>
      %add3A_417 = arith.addi %mul3A_180, %add3A_416 : vector<16xi32>
      %gather3A_418 = tpu.vector_load_idx %arg17[%add3A_158, %add3A_417] : memref<128x128xf32, #tpu.memory_space<vmem>>[vector<16xi32>, vector<16xi32>], vector<16xf32>,
      %mul3A_419 = arith.mulf %gather3A_410, %gather3A_414 : vector<16xf32>
      %add3A_420 = arith.addf %add3A_404, %mul3A_419 : vector<16xf32>
      %mul3A_421 = arith.mulf %gather3A_410, %gather3A_418 : vector<16xf32>
      %add3A_422 = arith.addf %add3A_406, %mul3A_421 : vector<16xf32>
      %add3A_423 = arith.constant 15 : i32
      %add3A_424 = vector.broadcast %add3A_423 : i32 to vector<16xi32>
      %add3A_425 = arith.addi %mul3A_164, %add3A_424 : vector<16xi32>
      %gather3A_426 = tpu.vector_load_idx %arg15[%add3A_158, %add3A_425] : memref<128x128xf32, #tpu.memory_space<vmem>>[vector<16xi32>, vector<16xi32>], vector<16xf32>,
      %add3A_427 = arith.constant 15 : i32
      %add3A_428 = vector.broadcast %add3A_427 : i32 to vector<16xi32>
      %add3A_429 = arith.addi %mul3A_172, %add3A_428 : vector<16xi32>
      %gather3A_430 = tpu.vector_load_idx %arg16[%add3A_158, %add3A_429] : memref<128x128xf32, #tpu.memory_space<vmem>>[vector<16xi32>, vector<16xi32>], vector<16xf32>,
      %add3A_431 = arith.constant 15 : i32
      %add3A_432 = vector.broadcast %add3A_431 : i32 to vector<16xi32>
      %add3A_433 = arith.addi %mul3A_180, %add3A_432 : vector<16xi32>
      %gather3A_434 = tpu.vector_load_idx %arg17[%add3A_158, %add3A_433] : memref<128x128xf32, #tpu.memory_space<vmem>>[vector<16xi32>, vector<16xi32>], vector<16xf32>,
      %mul3A_435 = arith.mulf %gather3A_426, %gather3A_430 : vector<16xf32>
      %add3A_436 = arith.addf %add3A_420, %mul3A_435 : vector<16xf32>
      %mul3A_437 = arith.mulf %gather3A_426, %gather3A_434 : vector<16xf32>
      %add3A_438 = arith.addf %add3A_422, %mul3A_437 : vector<16xf32>
      %swap3A = arith.index_cast %add3A_154 : i32 to index
      %swap3A_439 = tpu.vector_load %arg18[%swap3A] {strides = array<i32>} : memref<512xf32, #tpu.memory_space<vmem>>, vector<16xf32>,
      tpu.vector_store %arg18[%swap3A], %add3A_436 {strides = array<i32>} : memref<512xf32, #tpu.memory_space<vmem>>, vector<16xf32>,
      %swap3A_440 = arith.index_cast %add3A_154 : i32 to index
      %swap3A_441 = tpu.vector_load %arg19[%swap3A_440] {strides = array<i32>} : memref<512xf32, #tpu.memory_space<vmem>>, vector<16xf32>,
      tpu.vector_store %arg19[%swap3A_440], %add3A_438 {strides = array<i32>} : memref<512xf32, #tpu.memory_space<vmem>>, vector<16xf32>,
    }
    %scan3A_113 = arith.constant 8 : i32
    %dma_start3A_114 = arith.constant 384 : i32
    %dma_start3A_115 = tpu.memref_slice %arg12[%dma_start3A_114] : memref<512xi32, #tpu.memory_space<vmem>> -> memref<128xi32, #tpu.memory_space<vmem>>
    %dma_start3A_116 = arith.constant 0 : i32
    %dma_start3A_117 = arith.constant 0 : i32
    %dma_start3A_118 = tpu.memref_slice %arg5[%dma_start3A_116, %dma_start3A_117] : memref<125000x128xf32, #tpu.memory_space<hbm>> -> memref<125000x128xf32, #tpu.memory_space<hbm>>
    tpu.enqueue_indirect_dma source(%dma_start3A_118 : memref<125000x128xf32, #tpu.memory_space<hbm>>) target(%arg15 : memref<128x128xf32, #tpu.memory_space<vmem>>) offsets(%dma_start3A_115 : memref<128xi32, #tpu.memory_space<vmem>>) semaphore(%arg20 : memref<!tpu.dma_semaphore, #tpu.memory_space<semaphore_mem>>)
    %dma_start3A_119 = arith.constant 384 : i32
    %dma_start3A_120 = tpu.memref_slice %arg13[%dma_start3A_119] : memref<512xi32, #tpu.memory_space<vmem>> -> memref<128xi32, #tpu.memory_space<vmem>>
    %dma_start3A_121 = arith.constant 0 : i32
    %dma_start3A_122 = arith.constant 0 : i32
    %dma_start3A_123 = tpu.memref_slice %arg6[%dma_start3A_121, %dma_start3A_122] : memref<125000x128xf32, #tpu.memory_space<hbm>> -> memref<125000x128xf32, #tpu.memory_space<hbm>>
    tpu.enqueue_indirect_dma source(%dma_start3A_123 : memref<125000x128xf32, #tpu.memory_space<hbm>>) target(%arg16 : memref<128x128xf32, #tpu.memory_space<vmem>>) offsets(%dma_start3A_120 : memref<128xi32, #tpu.memory_space<vmem>>) semaphore(%arg20 : memref<!tpu.dma_semaphore, #tpu.memory_space<semaphore_mem>>)
    %dma_start3A_124 = arith.constant 384 : i32
    %dma_start3A_125 = tpu.memref_slice %arg14[%dma_start3A_124] : memref<512xi32, #tpu.memory_space<vmem>> -> memref<128xi32, #tpu.memory_space<vmem>>
    %dma_start3A_126 = arith.constant 0 : i32
    %dma_start3A_127 = arith.constant 0 : i32
    %dma_start3A_128 = tpu.memref_slice %arg6[%dma_start3A_126, %dma_start3A_127] : memref<125000x128xf32, #tpu.memory_space<hbm>> -> memref<125000x128xf32, #tpu.memory_space<hbm>>
    tpu.enqueue_indirect_dma source(%dma_start3A_128 : memref<125000x128xf32, #tpu.memory_space<hbm>>) target(%arg17 : memref<128x128xf32, #tpu.memory_space<vmem>>) offsets(%dma_start3A_125 : memref<128xi32, #tpu.memory_space<vmem>>) semaphore(%arg20 : memref<!tpu.dma_semaphore, #tpu.memory_space<semaphore_mem>>)
    %dma_wait3A_129 = arith.constant 384 : i32
    %dma_wait3A_130 = tpu.memref_slice %arg12[%dma_wait3A_129] : memref<512xi32, #tpu.memory_space<vmem>> -> memref<128xi32, #tpu.memory_space<vmem>>
    %dma_wait3A_131 = arith.constant 0 : i32
    %dma_wait3A_132 = arith.constant 0 : i32
    %dma_wait3A_133 = tpu.memref_slice %arg5[%dma_wait3A_131, %dma_wait3A_132] : memref<125000x128xf32, #tpu.memory_space<hbm>> -> memref<125000x128xf32, #tpu.memory_space<hbm>>
    tpu.wait_indirect_dma semaphore(%arg20 : memref<!tpu.dma_semaphore, #tpu.memory_space<semaphore_mem>>) src(%dma_wait3A_133 : memref<125000x128xf32, #tpu.memory_space<hbm>>) dst(%arg15 : memref<128x128xf32, #tpu.memory_space<vmem>>)
    %dma_wait3A_134 = arith.constant 384 : i32
    %dma_wait3A_135 = tpu.memref_slice %arg13[%dma_wait3A_134] : memref<512xi32, #tpu.memory_space<vmem>> -> memref<128xi32, #tpu.memory_space<vmem>>
    %dma_wait3A_136 = arith.constant 0 : i32
    %dma_wait3A_137 = arith.constant 0 : i32
    %dma_wait3A_138 = tpu.memref_slice %arg6[%dma_wait3A_136, %dma_wait3A_137] : memref<125000x128xf32, #tpu.memory_space<hbm>> -> memref<125000x128xf32, #tpu.memory_space<hbm>>
    tpu.wait_indirect_dma semaphore(%arg20 : memref<!tpu.dma_semaphore, #tpu.memory_space<semaphore_mem>>) src(%dma_wait3A_138 : memref<125000x128xf32, #tpu.memory_space<hbm>>) dst(%arg16 : memref<128x128xf32, #tpu.memory_space<vmem>>)
    %dma_wait3A_139 = arith.constant 384 : i32
    %dma_wait3A_140 = tpu.memref_slice %arg14[%dma_wait3A_139] : memref<512xi32, #tpu.memory_space<vmem>> -> memref<128xi32, #tpu.memory_space<vmem>>
    %dma_wait3A_141 = arith.constant 0 : i32
    %dma_wait3A_142 = arith.constant 0 : i32
    %dma_wait3A_143 = tpu.memref_slice %arg6[%dma_wait3A_141, %dma_wait3A_142] : memref<125000x128xf32, #tpu.memory_space<hbm>> -> memref<125000x128xf32, #tpu.memory_space<hbm>>
    tpu.wait_indirect_dma semaphore(%arg20 : memref<!tpu.dma_semaphore, #tpu.memory_space<semaphore_mem>>) src(%dma_wait3A_143 : memref<125000x128xf32, #tpu.memory_space<hbm>>) dst(%arg17 : memref<128x128xf32, #tpu.memory_space<vmem>>)
    %scan3A_144 = arith.constant 0 : i32
    %scan3A_145 = arith.constant 0 : i32
    %scan3A_146 = arith.constant 8 : i32
    %scan3A_147 = arith.addi %scan3A_145, %scan3A_146 : i32
    %scan3A_148 = arith.constant 1 : i32
    scf.for %scan3A_150 = %scan3A_145 to %scan3A_147 step %scan3A_148  : i32 {
      %mul3A_151 = arith.constant 16 : i32
      %mul3A_152 = arith.muli %scan3A_150, %mul3A_151 : i32
      %add3A_153 = arith.constant 384 : i32
      %add3A_154 = arith.addi %add3A_153, %mul3A_152 : i32
      %mul3A_155 = arith.constant 16 : i32
      %mul3A_156 = arith.muli %scan3A_150, %mul3A_155 : i32
      %iota3A = tpu.iota {dimensions = array<i32: 0>} : vector<16xi32>
      %add3A_157 = vector.broadcast %mul3A_156 : i32 to vector<16xi32>
      %add3A_158 = arith.addi %add3A_157, %iota3A : vector<16xi32>
      %get3A = arith.index_cast %add3A_154 : i32 to index
      %get3A_159 = tpu.vector_load %arg9[%get3A] {strides = array<i32>} : memref<512xi32, #tpu.memory_space<vmem>>, vector<16xi32>,
      %and3A = arith.constant 7 : i32
      %and3A_160 = vector.broadcast %and3A : i32 to vector<16xi32>
      %and3A_161 = arith.andi %get3A_159, %and3A_160 : vector<16xi32>
      %mul3A_162 = arith.constant 16 : i32
      %mul3A_163 = vector.broadcast %mul3A_162 : i32 to vector<16xi32>
      %mul3A_164 = arith.muli %and3A_161, %mul3A_163 : vector<16xi32>
      %get3A_165 = arith.index_cast %add3A_154 : i32 to index
      %get3A_166 = tpu.vector_load %arg10[%get3A_165] {strides = array<i32>} : memref<512xi32, #tpu.memory_space<vmem>>, vector<16xi32>,
      %and3A_167 = arith.constant 7 : i32
      %and3A_168 = vector.broadcast %and3A_167 : i32 to vector<16xi32>
      %and3A_169 = arith.andi %get3A_166, %and3A_168 : vector<16xi32>
      %mul3A_170 = arith.constant 16 : i32
      %mul3A_171 = vector.broadcast %mul3A_170 : i32 to vector<16xi32>
      %mul3A_172 = arith.muli %and3A_169, %mul3A_171 : vector<16xi32>
      %get3A_173 = arith.index_cast %add3A_154 : i32 to index
      %get3A_174 = tpu.vector_load %arg11[%get3A_173] {strides = array<i32>} : memref<512xi32, #tpu.memory_space<vmem>>, vector<16xi32>,
      %and3A_175 = arith.constant 7 : i32
      %and3A_176 = vector.broadcast %and3A_175 : i32 to vector<16xi32>
      %and3A_177 = arith.andi %get3A_174, %and3A_176 : vector<16xi32>
      %mul3A_178 = arith.constant 16 : i32
      %mul3A_179 = vector.broadcast %mul3A_178 : i32 to vector<16xi32>
      %mul3A_180 = arith.muli %and3A_177, %mul3A_179 : vector<16xi32>
      %broadcast_in_dim3A = arith.constant 0.000000e+00 : f32
      %broadcast_in_dim3A_181 = vector.broadcast %broadcast_in_dim3A : f32 to vector<16xf32>
      %broadcast_in_dim3A_182 = arith.constant 0.000000e+00 : f32
      %broadcast_in_dim3A_183 = vector.broadcast %broadcast_in_dim3A_182 : f32 to vector<16xf32>
      %add3A_184 = arith.constant 0 : i32
      %add3A_185 = vector.broadcast %add3A_184 : i32 to vector<16xi32>
      %add3A_186 = arith.addi %mul3A_164, %add3A_185 : vector<16xi32>
      %gather3A = tpu.vector_load_idx %arg15[%add3A_158, %add3A_186] : memref<128x128xf32, #tpu.memory_space<vmem>>[vector<16xi32>, vector<16xi32>], vector<16xf32>,
      %add3A_187 = arith.constant 0 : i32
      %add3A_188 = vector.broadcast %add3A_187 : i32 to vector<16xi32>
      %add3A_189 = arith.addi %mul3A_172, %add3A_188 : vector<16xi32>
      %gather3A_190 = tpu.vector_load_idx %arg16[%add3A_158, %add3A_189] : memref<128x128xf32, #tpu.memory_space<vmem>>[vector<16xi32>, vector<16xi32>], vector<16xf32>,
      %add3A_191 = arith.constant 0 : i32
      %add3A_192 = vector.broadcast %add3A_191 : i32 to vector<16xi32>
      %add3A_193 = arith.addi %mul3A_180, %add3A_192 : vector<16xi32>
      %gather3A_194 = tpu.vector_load_idx %arg17[%add3A_158, %add3A_193] : memref<128x128xf32, #tpu.memory_space<vmem>>[vector<16xi32>, vector<16xi32>], vector<16xf32>,
      %mul3A_195 = arith.mulf %gather3A, %gather3A_190 : vector<16xf32>
      %add3A_196 = arith.addf %broadcast_in_dim3A_181, %mul3A_195 : vector<16xf32>
      %mul3A_197 = arith.mulf %gather3A, %gather3A_194 : vector<16xf32>
      %add3A_198 = arith.addf %broadcast_in_dim3A_183, %mul3A_197 : vector<16xf32>
      %add3A_199 = arith.constant 1 : i32
      %add3A_200 = vector.broadcast %add3A_199 : i32 to vector<16xi32>
      %add3A_201 = arith.addi %mul3A_164, %add3A_200 : vector<16xi32>
      %gather3A_202 = tpu.vector_load_idx %arg15[%add3A_158, %add3A_201] : memref<128x128xf32, #tpu.memory_space<vmem>>[vector<16xi32>, vector<16xi32>], vector<16xf32>,
      %add3A_203 = arith.constant 1 : i32
      %add3A_204 = vector.broadcast %add3A_203 : i32 to vector<16xi32>
      %add3A_205 = arith.addi %mul3A_172, %add3A_204 : vector<16xi32>
      %gather3A_206 = tpu.vector_load_idx %arg16[%add3A_158, %add3A_205] : memref<128x128xf32, #tpu.memory_space<vmem>>[vector<16xi32>, vector<16xi32>], vector<16xf32>,
      %add3A_207 = arith.constant 1 : i32
      %add3A_208 = vector.broadcast %add3A_207 : i32 to vector<16xi32>
      %add3A_209 = arith.addi %mul3A_180, %add3A_208 : vector<16xi32>
      %gather3A_210 = tpu.vector_load_idx %arg17[%add3A_158, %add3A_209] : memref<128x128xf32, #tpu.memory_space<vmem>>[vector<16xi32>, vector<16xi32>], vector<16xf32>,
      %mul3A_211 = arith.mulf %gather3A_202, %gather3A_206 : vector<16xf32>
      %add3A_212 = arith.addf %add3A_196, %mul3A_211 : vector<16xf32>
      %mul3A_213 = arith.mulf %gather3A_202, %gather3A_210 : vector<16xf32>
      %add3A_214 = arith.addf %add3A_198, %mul3A_213 : vector<16xf32>
      %add3A_215 = arith.constant 2 : i32
      %add3A_216 = vector.broadcast %add3A_215 : i32 to vector<16xi32>
      %add3A_217 = arith.addi %mul3A_164, %add3A_216 : vector<16xi32>
      %gather3A_218 = tpu.vector_load_idx %arg15[%add3A_158, %add3A_217] : memref<128x128xf32, #tpu.memory_space<vmem>>[vector<16xi32>, vector<16xi32>], vector<16xf32>,
      %add3A_219 = arith.constant 2 : i32
      %add3A_220 = vector.broadcast %add3A_219 : i32 to vector<16xi32>
      %add3A_221 = arith.addi %mul3A_172, %add3A_220 : vector<16xi32>
      %gather3A_222 = tpu.vector_load_idx %arg16[%add3A_158, %add3A_221] : memref<128x128xf32, #tpu.memory_space<vmem>>[vector<16xi32>, vector<16xi32>], vector<16xf32>,
      %add3A_223 = arith.constant 2 : i32
      %add3A_224 = vector.broadcast %add3A_223 : i32 to vector<16xi32>
      %add3A_225 = arith.addi %mul3A_180, %add3A_224 : vector<16xi32>
      %gather3A_226 = tpu.vector_load_idx %arg17[%add3A_158, %add3A_225] : memref<128x128xf32, #tpu.memory_space<vmem>>[vector<16xi32>, vector<16xi32>], vector<16xf32>,
      %mul3A_227 = arith.mulf %gather3A_218, %gather3A_222 : vector<16xf32>
      %add3A_228 = arith.addf %add3A_212, %mul3A_227 : vector<16xf32>
      %mul3A_229 = arith.mulf %gather3A_218, %gather3A_226 : vector<16xf32>
      %add3A_230 = arith.addf %add3A_214, %mul3A_229 : vector<16xf32>
      %add3A_231 = arith.constant 3 : i32
      %add3A_232 = vector.broadcast %add3A_231 : i32 to vector<16xi32>
      %add3A_233 = arith.addi %mul3A_164, %add3A_232 : vector<16xi32>
      %gather3A_234 = tpu.vector_load_idx %arg15[%add3A_158, %add3A_233] : memref<128x128xf32, #tpu.memory_space<vmem>>[vector<16xi32>, vector<16xi32>], vector<16xf32>,
      %add3A_235 = arith.constant 3 : i32
      %add3A_236 = vector.broadcast %add3A_235 : i32 to vector<16xi32>
      %add3A_237 = arith.addi %mul3A_172, %add3A_236 : vector<16xi32>
      %gather3A_238 = tpu.vector_load_idx %arg16[%add3A_158, %add3A_237] : memref<128x128xf32, #tpu.memory_space<vmem>>[vector<16xi32>, vector<16xi32>], vector<16xf32>,
      %add3A_239 = arith.constant 3 : i32
      %add3A_240 = vector.broadcast %add3A_239 : i32 to vector<16xi32>
      %add3A_241 = arith.addi %mul3A_180, %add3A_240 : vector<16xi32>
      %gather3A_242 = tpu.vector_load_idx %arg17[%add3A_158, %add3A_241] : memref<128x128xf32, #tpu.memory_space<vmem>>[vector<16xi32>, vector<16xi32>], vector<16xf32>,
      %mul3A_243 = arith.mulf %gather3A_234, %gather3A_238 : vector<16xf32>
      %add3A_244 = arith.addf %add3A_228, %mul3A_243 : vector<16xf32>
      %mul3A_245 = arith.mulf %gather3A_234, %gather3A_242 : vector<16xf32>
      %add3A_246 = arith.addf %add3A_230, %mul3A_245 : vector<16xf32>
      %add3A_247 = arith.constant 4 : i32
      %add3A_248 = vector.broadcast %add3A_247 : i32 to vector<16xi32>
      %add3A_249 = arith.addi %mul3A_164, %add3A_248 : vector<16xi32>
      %gather3A_250 = tpu.vector_load_idx %arg15[%add3A_158, %add3A_249] : memref<128x128xf32, #tpu.memory_space<vmem>>[vector<16xi32>, vector<16xi32>], vector<16xf32>,
      %add3A_251 = arith.constant 4 : i32
      %add3A_252 = vector.broadcast %add3A_251 : i32 to vector<16xi32>
      %add3A_253 = arith.addi %mul3A_172, %add3A_252 : vector<16xi32>
      %gather3A_254 = tpu.vector_load_idx %arg16[%add3A_158, %add3A_253] : memref<128x128xf32, #tpu.memory_space<vmem>>[vector<16xi32>, vector<16xi32>], vector<16xf32>,
      %add3A_255 = arith.constant 4 : i32
      %add3A_256 = vector.broadcast %add3A_255 : i32 to vector<16xi32>
      %add3A_257 = arith.addi %mul3A_180, %add3A_256 : vector<16xi32>
      %gather3A_258 = tpu.vector_load_idx %arg17[%add3A_158, %add3A_257] : memref<128x128xf32, #tpu.memory_space<vmem>>[vector<16xi32>, vector<16xi32>], vector<16xf32>,
      %mul3A_259 = arith.mulf %gather3A_250, %gather3A_254 : vector<16xf32>
      %add3A_260 = arith.addf %add3A_244, %mul3A_259 : vector<16xf32>
      %mul3A_261 = arith.mulf %gather3A_250, %gather3A_258 : vector<16xf32>
      %add3A_262 = arith.addf %add3A_246, %mul3A_261 : vector<16xf32>
      %add3A_263 = arith.constant 5 : i32
      %add3A_264 = vector.broadcast %add3A_263 : i32 to vector<16xi32>
      %add3A_265 = arith.addi %mul3A_164, %add3A_264 : vector<16xi32>
      %gather3A_266 = tpu.vector_load_idx %arg15[%add3A_158, %add3A_265] : memref<128x128xf32, #tpu.memory_space<vmem>>[vector<16xi32>, vector<16xi32>], vector<16xf32>,
      %add3A_267 = arith.constant 5 : i32
      %add3A_268 = vector.broadcast %add3A_267 : i32 to vector<16xi32>
      %add3A_269 = arith.addi %mul3A_172, %add3A_268 : vector<16xi32>
      %gather3A_270 = tpu.vector_load_idx %arg16[%add3A_158, %add3A_269] : memref<128x128xf32, #tpu.memory_space<vmem>>[vector<16xi32>, vector<16xi32>], vector<16xf32>,
      %add3A_271 = arith.constant 5 : i32
      %add3A_272 = vector.broadcast %add3A_271 : i32 to vector<16xi32>
      %add3A_273 = arith.addi %mul3A_180, %add3A_272 : vector<16xi32>
      %gather3A_274 = tpu.vector_load_idx %arg17[%add3A_158, %add3A_273] : memref<128x128xf32, #tpu.memory_space<vmem>>[vector<16xi32>, vector<16xi32>], vector<16xf32>,
      %mul3A_275 = arith.mulf %gather3A_266, %gather3A_270 : vector<16xf32>
      %add3A_276 = arith.addf %add3A_260, %mul3A_275 : vector<16xf32>
      %mul3A_277 = arith.mulf %gather3A_266, %gather3A_274 : vector<16xf32>
      %add3A_278 = arith.addf %add3A_262, %mul3A_277 : vector<16xf32>
      %add3A_279 = arith.constant 6 : i32
      %add3A_280 = vector.broadcast %add3A_279 : i32 to vector<16xi32>
      %add3A_281 = arith.addi %mul3A_164, %add3A_280 : vector<16xi32>
      %gather3A_282 = tpu.vector_load_idx %arg15[%add3A_158, %add3A_281] : memref<128x128xf32, #tpu.memory_space<vmem>>[vector<16xi32>, vector<16xi32>], vector<16xf32>,
      %add3A_283 = arith.constant 6 : i32
      %add3A_284 = vector.broadcast %add3A_283 : i32 to vector<16xi32>
      %add3A_285 = arith.addi %mul3A_172, %add3A_284 : vector<16xi32>
      %gather3A_286 = tpu.vector_load_idx %arg16[%add3A_158, %add3A_285] : memref<128x128xf32, #tpu.memory_space<vmem>>[vector<16xi32>, vector<16xi32>], vector<16xf32>,
      %add3A_287 = arith.constant 6 : i32
      %add3A_288 = vector.broadcast %add3A_287 : i32 to vector<16xi32>
      %add3A_289 = arith.addi %mul3A_180, %add3A_288 : vector<16xi32>
      %gather3A_290 = tpu.vector_load_idx %arg17[%add3A_158, %add3A_289] : memref<128x128xf32, #tpu.memory_space<vmem>>[vector<16xi32>, vector<16xi32>], vector<16xf32>,
      %mul3A_291 = arith.mulf %gather3A_282, %gather3A_286 : vector<16xf32>
      %add3A_292 = arith.addf %add3A_276, %mul3A_291 : vector<16xf32>
      %mul3A_293 = arith.mulf %gather3A_282, %gather3A_290 : vector<16xf32>
      %add3A_294 = arith.addf %add3A_278, %mul3A_293 : vector<16xf32>
      %add3A_295 = arith.constant 7 : i32
      %add3A_296 = vector.broadcast %add3A_295 : i32 to vector<16xi32>
      %add3A_297 = arith.addi %mul3A_164, %add3A_296 : vector<16xi32>
      %gather3A_298 = tpu.vector_load_idx %arg15[%add3A_158, %add3A_297] : memref<128x128xf32, #tpu.memory_space<vmem>>[vector<16xi32>, vector<16xi32>], vector<16xf32>,
      %add3A_299 = arith.constant 7 : i32
      %add3A_300 = vector.broadcast %add3A_299 : i32 to vector<16xi32>
      %add3A_301 = arith.addi %mul3A_172, %add3A_300 : vector<16xi32>
      %gather3A_302 = tpu.vector_load_idx %arg16[%add3A_158, %add3A_301] : memref<128x128xf32, #tpu.memory_space<vmem>>[vector<16xi32>, vector<16xi32>], vector<16xf32>,
      %add3A_303 = arith.constant 7 : i32
      %add3A_304 = vector.broadcast %add3A_303 : i32 to vector<16xi32>
      %add3A_305 = arith.addi %mul3A_180, %add3A_304 : vector<16xi32>
      %gather3A_306 = tpu.vector_load_idx %arg17[%add3A_158, %add3A_305] : memref<128x128xf32, #tpu.memory_space<vmem>>[vector<16xi32>, vector<16xi32>], vector<16xf32>,
      %mul3A_307 = arith.mulf %gather3A_298, %gather3A_302 : vector<16xf32>
      %add3A_308 = arith.addf %add3A_292, %mul3A_307 : vector<16xf32>
      %mul3A_309 = arith.mulf %gather3A_298, %gather3A_306 : vector<16xf32>
      %add3A_310 = arith.addf %add3A_294, %mul3A_309 : vector<16xf32>
      %add3A_311 = arith.constant 8 : i32
      %add3A_312 = vector.broadcast %add3A_311 : i32 to vector<16xi32>
      %add3A_313 = arith.addi %mul3A_164, %add3A_312 : vector<16xi32>
      %gather3A_314 = tpu.vector_load_idx %arg15[%add3A_158, %add3A_313] : memref<128x128xf32, #tpu.memory_space<vmem>>[vector<16xi32>, vector<16xi32>], vector<16xf32>,
      %add3A_315 = arith.constant 8 : i32
      %add3A_316 = vector.broadcast %add3A_315 : i32 to vector<16xi32>
      %add3A_317 = arith.addi %mul3A_172, %add3A_316 : vector<16xi32>
      %gather3A_318 = tpu.vector_load_idx %arg16[%add3A_158, %add3A_317] : memref<128x128xf32, #tpu.memory_space<vmem>>[vector<16xi32>, vector<16xi32>], vector<16xf32>,
      %add3A_319 = arith.constant 8 : i32
      %add3A_320 = vector.broadcast %add3A_319 : i32 to vector<16xi32>
      %add3A_321 = arith.addi %mul3A_180, %add3A_320 : vector<16xi32>
      %gather3A_322 = tpu.vector_load_idx %arg17[%add3A_158, %add3A_321] : memref<128x128xf32, #tpu.memory_space<vmem>>[vector<16xi32>, vector<16xi32>], vector<16xf32>,
      %mul3A_323 = arith.mulf %gather3A_314, %gather3A_318 : vector<16xf32>
      %add3A_324 = arith.addf %add3A_308, %mul3A_323 : vector<16xf32>
      %mul3A_325 = arith.mulf %gather3A_314, %gather3A_322 : vector<16xf32>
      %add3A_326 = arith.addf %add3A_310, %mul3A_325 : vector<16xf32>
      %add3A_327 = arith.constant 9 : i32
      %add3A_328 = vector.broadcast %add3A_327 : i32 to vector<16xi32>
      %add3A_329 = arith.addi %mul3A_164, %add3A_328 : vector<16xi32>
      %gather3A_330 = tpu.vector_load_idx %arg15[%add3A_158, %add3A_329] : memref<128x128xf32, #tpu.memory_space<vmem>>[vector<16xi32>, vector<16xi32>], vector<16xf32>,
      %add3A_331 = arith.constant 9 : i32
      %add3A_332 = vector.broadcast %add3A_331 : i32 to vector<16xi32>
      %add3A_333 = arith.addi %mul3A_172, %add3A_332 : vector<16xi32>
      %gather3A_334 = tpu.vector_load_idx %arg16[%add3A_158, %add3A_333] : memref<128x128xf32, #tpu.memory_space<vmem>>[vector<16xi32>, vector<16xi32>], vector<16xf32>,
      %add3A_335 = arith.constant 9 : i32
      %add3A_336 = vector.broadcast %add3A_335 : i32 to vector<16xi32>
      %add3A_337 = arith.addi %mul3A_180, %add3A_336 : vector<16xi32>
      %gather3A_338 = tpu.vector_load_idx %arg17[%add3A_158, %add3A_337] : memref<128x128xf32, #tpu.memory_space<vmem>>[vector<16xi32>, vector<16xi32>], vector<16xf32>,
      %mul3A_339 = arith.mulf %gather3A_330, %gather3A_334 : vector<16xf32>
      %add3A_340 = arith.addf %add3A_324, %mul3A_339 : vector<16xf32>
      %mul3A_341 = arith.mulf %gather3A_330, %gather3A_338 : vector<16xf32>
      %add3A_342 = arith.addf %add3A_326, %mul3A_341 : vector<16xf32>
      %add3A_343 = arith.constant 10 : i32
      %add3A_344 = vector.broadcast %add3A_343 : i32 to vector<16xi32>
      %add3A_345 = arith.addi %mul3A_164, %add3A_344 : vector<16xi32>
      %gather3A_346 = tpu.vector_load_idx %arg15[%add3A_158, %add3A_345] : memref<128x128xf32, #tpu.memory_space<vmem>>[vector<16xi32>, vector<16xi32>], vector<16xf32>,
      %add3A_347 = arith.constant 10 : i32
      %add3A_348 = vector.broadcast %add3A_347 : i32 to vector<16xi32>
      %add3A_349 = arith.addi %mul3A_172, %add3A_348 : vector<16xi32>
      %gather3A_350 = tpu.vector_load_idx %arg16[%add3A_158, %add3A_349] : memref<128x128xf32, #tpu.memory_space<vmem>>[vector<16xi32>, vector<16xi32>], vector<16xf32>,
      %add3A_351 = arith.constant 10 : i32
      %add3A_352 = vector.broadcast %add3A_351 : i32 to vector<16xi32>
      %add3A_353 = arith.addi %mul3A_180, %add3A_352 : vector<16xi32>
      %gather3A_354 = tpu.vector_load_idx %arg17[%add3A_158, %add3A_353] : memref<128x128xf32, #tpu.memory_space<vmem>>[vector<16xi32>, vector<16xi32>], vector<16xf32>,
      %mul3A_355 = arith.mulf %gather3A_346, %gather3A_350 : vector<16xf32>
      %add3A_356 = arith.addf %add3A_340, %mul3A_355 : vector<16xf32>
      %mul3A_357 = arith.mulf %gather3A_346, %gather3A_354 : vector<16xf32>
      %add3A_358 = arith.addf %add3A_342, %mul3A_357 : vector<16xf32>
      %add3A_359 = arith.constant 11 : i32
      %add3A_360 = vector.broadcast %add3A_359 : i32 to vector<16xi32>
      %add3A_361 = arith.addi %mul3A_164, %add3A_360 : vector<16xi32>
      %gather3A_362 = tpu.vector_load_idx %arg15[%add3A_158, %add3A_361] : memref<128x128xf32, #tpu.memory_space<vmem>>[vector<16xi32>, vector<16xi32>], vector<16xf32>,
      %add3A_363 = arith.constant 11 : i32
      %add3A_364 = vector.broadcast %add3A_363 : i32 to vector<16xi32>
      %add3A_365 = arith.addi %mul3A_172, %add3A_364 : vector<16xi32>
      %gather3A_366 = tpu.vector_load_idx %arg16[%add3A_158, %add3A_365] : memref<128x128xf32, #tpu.memory_space<vmem>>[vector<16xi32>, vector<16xi32>], vector<16xf32>,
      %add3A_367 = arith.constant 11 : i32
      %add3A_368 = vector.broadcast %add3A_367 : i32 to vector<16xi32>
      %add3A_369 = arith.addi %mul3A_180, %add3A_368 : vector<16xi32>
      %gather3A_370 = tpu.vector_load_idx %arg17[%add3A_158, %add3A_369] : memref<128x128xf32, #tpu.memory_space<vmem>>[vector<16xi32>, vector<16xi32>], vector<16xf32>,
      %mul3A_371 = arith.mulf %gather3A_362, %gather3A_366 : vector<16xf32>
      %add3A_372 = arith.addf %add3A_356, %mul3A_371 : vector<16xf32>
      %mul3A_373 = arith.mulf %gather3A_362, %gather3A_370 : vector<16xf32>
      %add3A_374 = arith.addf %add3A_358, %mul3A_373 : vector<16xf32>
      %add3A_375 = arith.constant 12 : i32
      %add3A_376 = vector.broadcast %add3A_375 : i32 to vector<16xi32>
      %add3A_377 = arith.addi %mul3A_164, %add3A_376 : vector<16xi32>
      %gather3A_378 = tpu.vector_load_idx %arg15[%add3A_158, %add3A_377] : memref<128x128xf32, #tpu.memory_space<vmem>>[vector<16xi32>, vector<16xi32>], vector<16xf32>,
      %add3A_379 = arith.constant 12 : i32
      %add3A_380 = vector.broadcast %add3A_379 : i32 to vector<16xi32>
      %add3A_381 = arith.addi %mul3A_172, %add3A_380 : vector<16xi32>
      %gather3A_382 = tpu.vector_load_idx %arg16[%add3A_158, %add3A_381] : memref<128x128xf32, #tpu.memory_space<vmem>>[vector<16xi32>, vector<16xi32>], vector<16xf32>,
      %add3A_383 = arith.constant 12 : i32
      %add3A_384 = vector.broadcast %add3A_383 : i32 to vector<16xi32>
      %add3A_385 = arith.addi %mul3A_180, %add3A_384 : vector<16xi32>
      %gather3A_386 = tpu.vector_load_idx %arg17[%add3A_158, %add3A_385] : memref<128x128xf32, #tpu.memory_space<vmem>>[vector<16xi32>, vector<16xi32>], vector<16xf32>,
      %mul3A_387 = arith.mulf %gather3A_378, %gather3A_382 : vector<16xf32>
      %add3A_388 = arith.addf %add3A_372, %mul3A_387 : vector<16xf32>
      %mul3A_389 = arith.mulf %gather3A_378, %gather3A_386 : vector<16xf32>
      %add3A_390 = arith.addf %add3A_374, %mul3A_389 : vector<16xf32>
      %add3A_391 = arith.constant 13 : i32
      %add3A_392 = vector.broadcast %add3A_391 : i32 to vector<16xi32>
      %add3A_393 = arith.addi %mul3A_164, %add3A_392 : vector<16xi32>
      %gather3A_394 = tpu.vector_load_idx %arg15[%add3A_158, %add3A_393] : memref<128x128xf32, #tpu.memory_space<vmem>>[vector<16xi32>, vector<16xi32>], vector<16xf32>,
      %add3A_395 = arith.constant 13 : i32
      %add3A_396 = vector.broadcast %add3A_395 : i32 to vector<16xi32>
      %add3A_397 = arith.addi %mul3A_172, %add3A_396 : vector<16xi32>
      %gather3A_398 = tpu.vector_load_idx %arg16[%add3A_158, %add3A_397] : memref<128x128xf32, #tpu.memory_space<vmem>>[vector<16xi32>, vector<16xi32>], vector<16xf32>,
      %add3A_399 = arith.constant 13 : i32
      %add3A_400 = vector.broadcast %add3A_399 : i32 to vector<16xi32>
      %add3A_401 = arith.addi %mul3A_180, %add3A_400 : vector<16xi32>
      %gather3A_402 = tpu.vector_load_idx %arg17[%add3A_158, %add3A_401] : memref<128x128xf32, #tpu.memory_space<vmem>>[vector<16xi32>, vector<16xi32>], vector<16xf32>,
      %mul3A_403 = arith.mulf %gather3A_394, %gather3A_398 : vector<16xf32>
      %add3A_404 = arith.addf %add3A_388, %mul3A_403 : vector<16xf32>
      %mul3A_405 = arith.mulf %gather3A_394, %gather3A_402 : vector<16xf32>
      %add3A_406 = arith.addf %add3A_390, %mul3A_405 : vector<16xf32>
      %add3A_407 = arith.constant 14 : i32
      %add3A_408 = vector.broadcast %add3A_407 : i32 to vector<16xi32>
      %add3A_409 = arith.addi %mul3A_164, %add3A_408 : vector<16xi32>
      %gather3A_410 = tpu.vector_load_idx %arg15[%add3A_158, %add3A_409] : memref<128x128xf32, #tpu.memory_space<vmem>>[vector<16xi32>, vector<16xi32>], vector<16xf32>,
      %add3A_411 = arith.constant 14 : i32
      %add3A_412 = vector.broadcast %add3A_411 : i32 to vector<16xi32>
      %add3A_413 = arith.addi %mul3A_172, %add3A_412 : vector<16xi32>
      %gather3A_414 = tpu.vector_load_idx %arg16[%add3A_158, %add3A_413] : memref<128x128xf32, #tpu.memory_space<vmem>>[vector<16xi32>, vector<16xi32>], vector<16xf32>,
      %add3A_415 = arith.constant 14 : i32
      %add3A_416 = vector.broadcast %add3A_415 : i32 to vector<16xi32>
      %add3A_417 = arith.addi %mul3A_180, %add3A_416 : vector<16xi32>
      %gather3A_418 = tpu.vector_load_idx %arg17[%add3A_158, %add3A_417] : memref<128x128xf32, #tpu.memory_space<vmem>>[vector<16xi32>, vector<16xi32>], vector<16xf32>,
      %mul3A_419 = arith.mulf %gather3A_410, %gather3A_414 : vector<16xf32>
      %add3A_420 = arith.addf %add3A_404, %mul3A_419 : vector<16xf32>
      %mul3A_421 = arith.mulf %gather3A_410, %gather3A_418 : vector<16xf32>
      %add3A_422 = arith.addf %add3A_406, %mul3A_421 : vector<16xf32>
      %add3A_423 = arith.constant 15 : i32
      %add3A_424 = vector.broadcast %add3A_423 : i32 to vector<16xi32>
      %add3A_425 = arith.addi %mul3A_164, %add3A_424 : vector<16xi32>
      %gather3A_426 = tpu.vector_load_idx %arg15[%add3A_158, %add3A_425] : memref<128x128xf32, #tpu.memory_space<vmem>>[vector<16xi32>, vector<16xi32>], vector<16xf32>,
      %add3A_427 = arith.constant 15 : i32
      %add3A_428 = vector.broadcast %add3A_427 : i32 to vector<16xi32>
      %add3A_429 = arith.addi %mul3A_172, %add3A_428 : vector<16xi32>
      %gather3A_430 = tpu.vector_load_idx %arg16[%add3A_158, %add3A_429] : memref<128x128xf32, #tpu.memory_space<vmem>>[vector<16xi32>, vector<16xi32>], vector<16xf32>,
      %add3A_431 = arith.constant 15 : i32
      %add3A_432 = vector.broadcast %add3A_431 : i32 to vector<16xi32>
      %add3A_433 = arith.addi %mul3A_180, %add3A_432 : vector<16xi32>
      %gather3A_434 = tpu.vector_load_idx %arg17[%add3A_158, %add3A_433] : memref<128x128xf32, #tpu.memory_space<vmem>>[vector<16xi32>, vector<16xi32>], vector<16xf32>,
      %mul3A_435 = arith.mulf %gather3A_426, %gather3A_430 : vector<16xf32>
      %add3A_436 = arith.addf %add3A_420, %mul3A_435 : vector<16xf32>
      %mul3A_437 = arith.mulf %gather3A_426, %gather3A_434 : vector<16xf32>
      %add3A_438 = arith.addf %add3A_422, %mul3A_437 : vector<16xf32>
      %swap3A = arith.index_cast %add3A_154 : i32 to index
      %swap3A_439 = tpu.vector_load %arg18[%swap3A] {strides = array<i32>} : memref<512xf32, #tpu.memory_space<vmem>>, vector<16xf32>,
      tpu.vector_store %arg18[%swap3A], %add3A_436 {strides = array<i32>} : memref<512xf32, #tpu.memory_space<vmem>>, vector<16xf32>,
      %swap3A_440 = arith.index_cast %add3A_154 : i32 to index
      %swap3A_441 = tpu.vector_load %arg19[%swap3A_440] {strides = array<i32>} : memref<512xf32, #tpu.memory_space<vmem>>, vector<16xf32>,
      tpu.vector_store %arg19[%swap3A_440], %add3A_438 {strides = array<i32>} : memref<512xf32, #tpu.memory_space<vmem>>, vector<16xf32>,
    }
    %scan3A_149 = arith.constant 8 : i32
    "tpu.region"() ({
      %run_scoped3A = tpu.sem_alloc : memref<!tpu.dma_semaphore, #tpu.memory_space<semaphore_mem>>
      %dma_start3A_150 = tpu.memref_slice %arg7[%mul3A_2] : memref<16384xf32, #tpu.memory_space<hbm>> -> memref<512xf32, #tpu.memory_space<hbm>>
      %dma_start3A_151 = tpu.memref_slice %arg7[%mul3A_2] : memref<16384xf32, #tpu.memory_space<hbm>> -> memref<512xf32, #tpu.memory_space<hbm>>
      tpu.enqueue_dma source(%arg18 : memref<512xf32, #tpu.memory_space<vmem>>) target(%dma_start3A_151 : memref<512xf32, #tpu.memory_space<hbm>>) target_semaphore(%run_scoped3A : memref<!tpu.dma_semaphore, #tpu.memory_space<semaphore_mem>>)
      %dma_wait3A_152 = tpu.memref_slice %arg7[%mul3A_2] : memref<16384xf32, #tpu.memory_space<hbm>> -> memref<512xf32, #tpu.memory_space<hbm>>
      %dma_wait3A_153 = tpu.memref_slice %arg7[%mul3A_2] : memref<16384xf32, #tpu.memory_space<hbm>> -> memref<512xf32, #tpu.memory_space<hbm>>
      tpu.wait_dma2 semaphore(%run_scoped3A : memref<!tpu.dma_semaphore, #tpu.memory_space<semaphore_mem>>) src(%arg18 : memref<512xf32, #tpu.memory_space<vmem>>) dst(%dma_wait3A_153 : memref<512xf32, #tpu.memory_space<hbm>>)
      tpu.yield
    }) : () -> ()
    "tpu.region"() ({
      %run_scoped3A = tpu.sem_alloc : memref<!tpu.dma_semaphore, #tpu.memory_space<semaphore_mem>>
      %dma_start3A_150 = tpu.memref_slice %arg8[%mul3A_2] : memref<16384xf32, #tpu.memory_space<hbm>> -> memref<512xf32, #tpu.memory_space<hbm>>
      %dma_start3A_151 = tpu.memref_slice %arg8[%mul3A_2] : memref<16384xf32, #tpu.memory_space<hbm>> -> memref<512xf32, #tpu.memory_space<hbm>>
      tpu.enqueue_dma source(%arg19 : memref<512xf32, #tpu.memory_space<vmem>>) target(%dma_start3A_151 : memref<512xf32, #tpu.memory_space<hbm>>) target_semaphore(%run_scoped3A : memref<!tpu.dma_semaphore, #tpu.memory_space<semaphore_mem>>)
      %dma_wait3A_152 = tpu.memref_slice %arg8[%mul3A_2] : memref<16384xf32, #tpu.memory_space<hbm>> -> memref<512xf32, #tpu.memory_space<hbm>>
      %dma_wait3A_153 = tpu.memref_slice %arg8[%mul3A_2] : memref<16384xf32, #tpu.memory_space<hbm>> -> memref<512xf32, #tpu.memory_space<hbm>>
      tpu.wait_dma2 semaphore(%run_scoped3A : memref<!tpu.dma_semaphore, #tpu.memory_space<semaphore_mem>>) src(%arg19 : memref<512xf32, #tpu.memory_space<vmem>>) dst(%dma_wait3A_153 : memref<512xf32, #tpu.memory_space<hbm>>)
      tpu.yield
    }) : () -> ()
    return
  }
}

</mosaic_0001>

<sc_bundles>
// kernel: kernel.3.cloned.1.call-start
scs
__scs_entry_jumppad:
0x0: {  	(pc) =	sbr.rel $0x88, $3  }
0x1: {  	(tag) =	ssettag $0x0;
	lr =	simm.s32 $0x1  }
0x2: {  	[smem:$0x3F9C] =	sst lr;
	_ =	strace $0xD0000000  }
0x3: {  	_ = 	snop  }
0x4: {  	_ = 	snop  }
0x5: {  	_ = 	snop  }
0x6: {  	_ = 	snop  }
0x7: {  	_ = 	snop  }
__scs_overlays_trampoline_lowered:
0x8: {  	[smem:$0x3FAB] =	sst s0  }
0x9: {  	[smem:$0x3FAC] =	sst s1  }
0xa: {  	[smem:$0x3FAD] =	sst s2  }
0xb: {  	[smem:$0x3FAE] =	sst s3  }
0xc: {  	[smem:$0x3FAF] =	sst s4  }
0xd: {  	[smem:$0x3FB0] =	sst s5  }
0xe: {  	[smem:$0x3FB1] =	sst s6  }
0xf: {  	[smem:$0x3FB2] =	sst s7  }
0x10: {  	[smem:$0x3FB3] =	sst s8  }
0x11: {  	[smem:$0x3FB4] =	sst s9;
	s0 =	simm.s32 @!p0 $0x0  }
0x12: {  	s1 =	sld [smem:$0x3F9A];
	s0 =	simm.s32 @p0 $0x1  }
0x13: {  	[smem:$0x3FB5] =	sst s0;
	s0 =	simm.s32 @!p1 $0x0  }
0x14: {  	s2 =	sld [smem:$0x3F99];
	s0 =	simm.s32 @p1 $0x1  }
0x15: {  	[smem:$0x3FB6] =	sst s0;
	s0 =	simm.s32 @!p2 $0x0  }
0x16: {  	s3 =	sld [smem:$0x3FDB];
	s0 =	simm.s32 @p2 $0x1  }
0x17: {  	s4 =	simm.s32 $0x1BF5;
	[smem:$0x3FB8] =	sst s0  }
0x18: {  	s0 =	sld [smem:$0x3F9B];
	_ =	swait.ge [sflag:s4], $0x0  }
0x19: {  	s7 =	sld [smem:$0x3F9C]  }
0x1a: {  	s8 =	sadd.s32 $0xFFFFE003, lr  }
0x1b: {  	s9 =	sadd.s32 $0xFFFFFEF7, lr;
	s5 =	simm.s32 $0xFFFFFFFF;
	p2 =	slt.u32 s8, $0xFFFFF086  }
0x1c: {  	p1 =	slt.u32 s9, $0xF7A;
	s5 =	simm.s32 @!p2 $0x0  }
0x1d: {  	s5 =	simm.s32 @p1 $0x1;
	p0 =	seq.s32 s7, s2  }
0x1e: {  	s7 =	smul.u32 @!p0 $0xF7A, s2;
	p2 =	seq.s32 @!p0 s5, $0x0  }
0x1f: {  	s9 =	smul.u32 $0xF7A, s1;
	s8 =	simm.s32 @!p0 $0x1BF5;
	p2 =	por !p2, p0  }
0x20: {  	[sflag:s8] =	ssyncset.s32 @!p0 $0xFFFFF086;
	s6 =	sadd.s32 @!p0 s3, s7;
	s7 =	simm.s32 @!p0 $0x108  }
0x21: {  	s3 =	sadd.s32 s3, s9;
	s6 =	sadd.s32 @!p0 $0x88, s6;
	s7 =	simm.s32 @p2 $0x1082  }
0x22: {  	[simem:s7], [sflag:s8] =	dma.local @!p0 [hbm:s6], $0xF7A  }
0x23: {  	s9 =	sor.u32 $0xD0000000, s2;
	s6 =	simm.s32 $0x108;
	_ =	swait.ge @!p0 [sflag:s8], $0x0  }
0x24: {  	s3 =	sadd.s32 $0x88, s3;
	s6 =	simm.s32 @!p1 $0x1082;
	[sflag:s4] =	ssyncset.s32 $0xFFFFF086  }
0x25: {  	[simem:s6], [sflag:s4] =	dma.local [hbm:s3], $0xF7A  }
0x26: {  	[smem:$0x3F9C] =	sst s1;
	(tag) =	ssettag s2;
	_ =	strace s9  }
0x27: {  	s1 =	sld [smem:$0x3FAC]  }
0x28: {  	s2 =	sld [smem:$0x3FAD]  }
0x29: {  	s4 =	sld [smem:$0x3FAF]  }
0x2a: {  	p0 =	seq.s32 s5, $0x0;
	s5 =	sld [smem:$0x3FB0]  }
0x2b: {  	s6 =	sld [smem:$0x3FB1]  }
0x2c: {  	s7 =	sld [smem:$0x3FB2]  }
0x2d: {  	s3 =	simm.s32 $0x108;
	s8 =	sld [smem:$0x3FB3]  }
0x2e: {  	s3 =	simm.s32 @!p0 $0x1082;
	s9 =	sld [smem:$0x3FB4]  }
0x2f: {  	lr =	sadd.s32 s0, s3;
	s0 =	sld [smem:$0x3FAB]  }
0x30: {  	s3 =	sld [smem:$0x3FAE]  }
0x31: {  	[smem:$0x3FB7] =	sst s10  }
0x32: {  	s10 =	sld [smem:$0x3FB5];
	_ =	sdelay $0x3  }
0x33: {  	p0 =	seq.s32 s10, $0x1;
	s10 =	sld [smem:$0x3FB7];
	_ =	sdelay $0x3  }
0x34: {  	[smem:$0x3FB7] =	sst s10  }
0x35: {  	s10 =	sld [smem:$0x3FB6];
	_ =	sdelay $0x3  }
0x36: {  	p1 =	seq.s32 s10, $0x1;
	s10 =	sld [smem:$0x3FB7];
	_ =	sdelay $0x3  }
0x37: {  	[smem:$0x3FB7] =	sst s10  }
0x38: {  	s10 =	sld [smem:$0x3FB8]  }
0x39: {  	_ = 	snop;
	(pc) =	sbr.ind lr, $3  }
0x3a: {  	_ = 	snop  }
0x3b: {  	_ = 	snop  }
0x3c: {  	p2 =	seq.s32 s10, $0x1;
	s10 =	sld [smem:$0x3FB7]  }
0x3d: {  	_ =	shalt  }
0x3e: {  	_ =	shalt  }
0x3f: {  	_ =	shalt  }
0x40: {  	_ =	shalt  }
0x41: {  	_ =	shalt  }
0x42: {  	_ =	shalt  }
0x43: {  	_ =	shalt  }
0x44: {  	_ =	shalt  }
0x45: {  	_ =	shalt  }
0x46: {  	_ =	shalt  }
0x47: {  	_ =	shalt  }
0x48: {  	_ =	shalt  }
0x49: {  	_ =	shalt  }
0x4a: {  	_ =	shalt  }
0x4b: {  	_ =	shalt  }
0x4c: {  	_ =	shalt  }
0x4d: {  	_ =	shalt  }
0x4e: {  	_ =	shalt  }
0x4f: {  	_ =	shalt  }
0x50: {  	_ =	shalt  }
0x51: {  	_ =	shalt  }
0x52: {  	_ =	shalt  }
0x53: {  	_ =	shalt  }
0x54: {  	_ =	shalt  }
0x55: {  	_ =	shalt  }
0x56: {  	_ =	shalt  }
0x57: {  	_ =	shalt  }
0x58: {  	_ =	shalt  }
0x59: {  	_ =	shalt  }
0x5a: {  	_ =	shalt  }
0x5b: {  	_ =	shalt  }
0x5c: {  	_ =	shalt  }
0x5d: {  	_ =	shalt  }
0x5e: {  	_ =	shalt  }
0x5f: {  	_ =	shalt  }
0x60: {  	_ =	shalt  }
0x61: {  	_ =	shalt  }
0x62: {  	_ =	shalt  }
0x63: {  	_ =	shalt  }
0x64: {  	_ =	shalt  }
0x65: {  	_ =	shalt  }
0x66: {  	_ =	shalt  }
0x67: {  	_ =	shalt  }
0x68: {  	_ =	shalt  }
0x69: {  	_ =	shalt  }
0x6a: {  	_ =	shalt  }
0x6b: {  	_ =	shalt  }
0x6c: {  	_ =	shalt  }
0x6d: {  	_ =	shalt  }
0x6e: {  	_ =	shalt  }
0x6f: {  	_ =	shalt  }
0x70: {  	_ =	shalt  }
0x71: {  	_ =	shalt  }
0x72: {  	_ =	shalt  }
0x73: {  	_ =	shalt  }
0x74: {  	_ =	shalt  }
0x75: {  	_ =	shalt  }
0x76: {  	_ =	shalt  }
0x77: {  	_ =	shalt  }
0x78: {  	_ =	shalt  }
0x79: {  	_ =	shalt  }
0x7a: {  	_ =	shalt  }
0x7b: {  	_ =	shalt  }
0x7c: {  	_ =	shalt  }
0x7d: {  	_ =	shalt  }
0x7e: {  	_ =	shalt  }
0x7f: {  	_ =	shalt  }
0x80: {  	_ =	shalt  }
0x81: {  	_ =	shalt  }
0x82: {  	_ =	shalt  }
0x83: {  	_ =	shalt  }
0x84: {  	_ =	shalt  }
0x85: {  	_ =	shalt  }
0x86: {  	_ =	shalt  }
0x87: {  	_ =	shalt  }
.Lfunc_end0:
.L_simem_size_0:
called_computation_lowered:
.L_overlay_start_0:
0x88: {  	s2 =	sld [smem:$0x3FD9]  }
0x89: {  	s3 =	sld [smem:$0x3FFE];
	_ =	sdelay $0x1  }
0x8a: {  	s1 =	srdreg.scid  }
0x8b: {  	s0 =	sand.u32 $0x1, s1  }
0x8c: {  	s14 =	sshll.u32 s0, $0xA;
	s2 =	sadd.s32 s3, s2  }
0x8d: {  	s2 =	sadd.s32 s2, s14  }
0x8e: {  	[smem:$0x3FC3] =	sst s2  }
0x8f: {  	_ = 	snop  }
0x90: {  	s2 =	sld [smem:$0x3FD0]  }
0x91: {  	s15 =	sld [smem:$0x3FC9]  }
0x92: {  	s4 =	sld [smem:$0x3FC8]  }
0x93: {  	s6 =	simm.s32 $0xA;
	s7 =	simm.s32 $0x10;
	s5 =	sld [smem:$0x3FC7]  }
0x94: {  	[smem:s7], [sflag:s6] =	dma.local [hbm:s2], $0x1  }
0x95: {  	_ =	swait.eq [sflag:s6], $0x1  }
0x96: {  	[sflag:s6] =	ssyncset.done $0x0  }
0x97: {  	s16 =	sld [smem:$0x10];
	[sflag:s6] =	ssyncadd.s32 $0xFFFFFFFF  }
0x98: {  	s17 =	sld [smem:$0x11];
	(tm) =	ssettm $0x1  }
0x99: {  	s18 =	sld [smem:$0x3FFB];
	_ =	sdelay $0x3  }
0x9a: {  	_ =	strace s18  }
0x9b: {  	s7 =	sld [smem:$0x3FFC];
	_ =	sdelay $0x3  }
0x9c: {  	_ =	strace s7  }
0x9d: {  	s7 =	sld [smem:$0x3FFD];
	_ =	sdelay $0x3  }
0x9e: {  	_ =	strace s7  }
0x9f: {  	_ =	strace $0x8FFFFFFF  }
0xa0: {  	s19 =	sld [smem:$0x3FDB];
	_ =	sdelay $0x1  }
0xa1: {  	s8 =	simm.s32 $_scs_section_size  }
0xa2: {  	s9 =	simm.s32 $_size__tile_overlayer_lowered;
	s10 =	simm.s32 $_tile_overlayer_lowered  }
0xa3: {  	s22 =	simm.s32 $0x1BFF;
	s21 =	sshll.u32 s10, $0x1;
	s7 =	sadd.s32 s8, s19  }
0xa4: {  	s11 =	simm.s32 $0x0;
	s20 =	sshll.u32 s9, $0x1;
	s9 =	sadd.s32 s21, s7  }
0xa5: {  	[timem:s11], [sflag:s22] =	dma.local [hbm:s9], s20  }
0xa6: {  	_ =	swait.ge [sflag:s22], s20  }
0xa7: {  	s8 =	ssub.s32 $0x0, s20;
	[sflag:s22] =	ssyncset.done $0x0  }
0xa8: {  	[sflag:s22] =	ssyncadd.s32 s8;
	_ =	sdelay $0x1  }
0xa9: {  	s23 =	simm.s32 $0x1B8B  }
0xaa: {  	_ =	swait.ge [sflag:s23], $0x1  }
0xab: {  	[sflag:s23] =	ssyncset.done $0x0  }
0xac: {  	s25 =	simm.s32 $0x1B8E;
	s24 =	sld [smem:$0x3FFE];
	[sflag:s23] =	ssyncadd.s32 $0xFFFFFFFF  }
0xad: {  	s26 =	simm.s32 $execute0_lowered;
	[smem:$0x3FD2] =	sst s25  }
0xae: {  	s9 =	sshll.u32 s26, $0x1;
	_ =	strace $0x80000046;
	[dreg:$0x1] =	wrdreg $0xFFFFFFFF  }
0xaf: {  	s28 =	simm.s32 $_size_execute0_lowered;
	s7 =	sadd.s32 s7, s9;
	[dreg:$0x0] =	wrdreg $0x0  }
0xb0: {  	s9 =	sshll.u32 s28, $0x1;
	[dreg:$0x2] =	wrdreg s7  }
0xb1: {  	[dreg:$0x3] =	wrdreg s9  }
0xb2: {  	[dreg:$0x4] =	wrdreg $0xC0  }
0xb3: {  	_ =	task [dreg:s11], $0x5FFFF  }
0xb4: {  	[dreg:$0x1] =	wrdreg $0xFFFFFFFF  }
0xb5: {  	[dreg:$0x0] =	wrdreg $0x60  }
0xb6: {  	[dreg:$0x2] =	wrdreg s15  }
0xb7: {  	[dreg:$0x3] =	wrdreg s4  }
0xb8: {  	[dreg:$0x4] =	wrdreg s5  }
0xb9: {  	[dreg:$0x5] =	wrdreg s24  }
0xba: {  	[dreg:$0x6] =	wrdreg s16  }
0xbb: {  	[dreg:$0x7] =	wrdreg s17  }
0xbc: {  	[dreg:$0x8] =	wrdreg $0x9  }
0xbd: {  	_ =	task.clear_ibuf [dreg:s11], $0x9FFFF;
	_ =	strace $0x90000046  }
0xbe: {  	s29 =	simm.s32 $0x9;
	_ =	strace $0x80000048  }
0xbf: {  	_ =	swait.ge [sflag:s29], $0x1  }
0xc0: {  	[sflag:s29] =	ssyncadd.s32 $0xFFFFFFFF  }
0xc1: {  	_ =	strace $0x90000048  }
0xc2: {  	_ =	sfence  }
0xc3: {  	s30 =	sld [smem:$0x0];
	_ =	sdelay $0x2  }
0xc4: {  	s31 =	sshll.u32 s1, $0xD;
	s1 =	sshrl.u32 s1, $0x2  }
0xc5: {  	s3 =	sand.u32 $0x4000, s31;
	s1 =	sadd.s32 s1, s30  }
0xc6: {  	s0 =	sor.u32 s3, s0;
	s1 =	sshll.u32 s1, $0x11  }
0xc7: {  	s0 =	sor.u32 s1, s0  }
0xc8: {  	s0 =	sadd.s32 $0x8F2B, s0  }
0xc9: {  	[sflag:s0] =	ssyncadd.remote.s32 $0x1  }
0xca: {  	_ =	sfence.sel $0xFFFF  }
0xcb: {  	[dreg:$0x0] =	wrdreg $0xFFFFFFFF;
	(pc) =	sbr.abs _section_cstart, $3  }
0xcc: {  	[dreg:$0x1] =	wrdreg $0xFFFFFFFF  }
0xcd: {  	_ =	task.clear_ibuf [dreg:s11], $0x2FFFF;
	_ =	strace $0x9FFFFFFF  }
0xce: {  	(tm) =	ssettm $0x7FFFFFFF  }
0xcf: {  	_ =	shalt  }
tec
execute0_lowered:
.L_overlay_start_1:
0x0: {  	(tag) =	ssettag $0x1  }
0x1: {  	s0 =	rddreg [dreg:$0x0]  }
0x2: {  	s2 =	rddreg [dreg:$0x1]  }
0x3: {  	s7 =	rddreg [dreg:$0x2]  }
0x4: {  	s4 =	rddreg [dreg:$0x3]  }
0x5: {  	s8 =	rddreg [dreg:$0x4]  }
0x6: {  	s9 =	rddreg [dreg:$0x5]  }
0x7: {  	s1 =	simm.s32 $0x0;
	s5 =	srdreg.scid;
	s10 =	stileid.u32  }
0x8: {  	s14 =	simm.s32 $0x80;
	s16 =	simm.s32 $0xC00;
	s18 =	simm.s32 $0x4C00  }
0x9: {  	s20 =	simm.s32 $0x8C00;
	s21 =	simm.s32 $0x1;
	s28 =	simm.s32 $0xB00  }
0xa: {  	s29 =	simm.s32 $0x780;
	s30 =	simm.s32 $0x980;
	s31 =	simm.s32 $0xB80  }
0xb: {  	s12 =	simm.s32 $0x0;
	[smem:$0x7FF] =	sst s1;
	s5 =	sand.u32 $0x1, s5  }
0xc: {  	s3 =	sadd.s32 $0xF42C00, s4;
	s10 =	sshll.u32 s10, $0x7;
	s6 =	ssub.s32 $0x2, s5  }
0xd: {  	s4 =	sadd.s32 $0x112B200, s4;
	s5 =	sshll.u32 s5, $0x6;
	s11 =	sshrl.u32 s6, $0x1  }
0xe: {  	_ =	strace $0x80000047;
	s10 =	sor.u32 s5, s10;
	s11 =	ssub.s32 s6, s11  }
0xf: {  	s5 =	sadd.s32 s0, s10;
	s6 =	sadd.s32 s2, s10;
	s7 =	sadd.s32 s7, s10  }
0x10: {  	v0 =	vlaneseq.u32;
	s8 =	sadd.s32 s8, s10;
	s9 =	sadd.s32 s9, s10;
	s0 =	simm.s32 $0xCC00  }
0x11: {  	v0 =	vmul.u32 $0x80, v0;
	s2 =	simm.s32 $0xCE00;
	s10 =	smax.u32 s11, $0x1;
	s11 =	simm.s32 $0x2  }
.LBB2_1:
0x12: {  	[tilespmem:s1], [sflag:$0x2] =	stream.linear.gather [hbm4b:s5+s1], $0x200, $0x38;
	[tilespmem:$0xD000] =	vst v63  }
0x13: {  	_ =	swait.ge [sflag:s11], $0x200  }
0x14: {  	[sflag:s11] =	ssyncset.done $0x0  }
0x15: {  	s13 =	simm.s32 $0x200;
	[sflag:s11] =	ssyncadd.s32 $0xFFFFFE00  }
0x16: {  	[tilespmem:s13], [sflag:$0x2] =	stream.linear.gather [hbm4b:s6+s1], $0x200, $0x38;
	[tilespmem:$0xD000] =	vst v63  }
0x17: {  	_ =	swait.ge [sflag:s11], $0x200  }
0x18: {  	[sflag:s11] =	ssyncset.done $0x0  }
0x19: {  	s26 =	simm.s32 $0x400;
	[sflag:s11] =	ssyncadd.s32 $0xFFFFFE00  }
0x1a: {  	[tilespmem:s26], [sflag:$0x2] =	stream.linear.gather [hbm4b:s7+s1], $0x200, $0x38;
	[tilespmem:$0xD000] =	vst v63  }
0x1b: {  	_ =	swait.ge [sflag:s11], $0x200  }
0x1c: {  	[sflag:s11] =	ssyncset.done $0x0  }
0x1d: {  	s13 =	simm.s32 $0x0;
	[sflag:s11] =	ssyncadd.s32 $0xFFFFFE00  }
0x1e: {  	v2 =	vld [tilespmem:s13+$0x400]  }
0x1f: {  	v3 =	vld [tilespmem:s13+$0x0]  }
0x20: {  	s15 =	simm.s32 $0x40;
	v1 =	vld [tilespmem:s13+$0x200]  }
.LBB2_2:
0x21: {  	p0 =	sne.s32 s15, $0x7C0  }
.Ltmp0:
0x22: {  	_ = 	snop;
	(pc) =	sbr.rel @p0 .LBB2_2-.Ltmp0, $4  }
0x23: {  	s17 =	sshra.s32 s15, $0x2;
	v4 =	vshrl.u32 v2, $0x3  }
0x24: {  	v2 =	vld [tilespmem:s17+$0x400];
	v5 =	vshrl.u32 v3, $0x3;
	[tilespmem:s13+$0xA00] =	vst v4  }
0x25: {  	v3 =	vld [tilespmem:s17+$0x0];
	[tilespmem:s13+$0x600] =	vst v5;
	v4 =	vshrl.u32 v1, $0x3  }
0x26: {  	s15 =	sadd.s32 $0x40, s15;
	v1 =	vld [tilespmem:s17+$0x200];
	[tilespmem:s13+$0x800] =	vst v4;
	s13 =	smov.u32 s17  }
0x27: {  	_ =	sdelay $0x1  }
0x28: {  	v2 =	vshrl.u32 v2, $0x3  }
0x29: {  	v3 =	vshrl.u32 v3, $0x3;
	[tilespmem:s13+$0xA00] =	vst v2  }
0x2a: {  	[tilespmem:s13+$0x600] =	vst v3;
	v1 =	vshrl.u32 v1, $0x3  }
0x2b: {  	s24 =	simm.s32 $0x600;
	[tilespmem:s13+$0x800] =	vst v1  }
0x2c: {  	[tilespmem:s16], [sflag:$0x1] =	stream.indirect.gather [hbm4b:s3+s14], $0x80, s24, s14, $0xb8;
	[tilespmem:$0xD000] =	vst v63  }
0x2d: {  	s25 =	simm.s32 $0x800  }
0x2e: {  	[tilespmem:s18], [sflag:$0x1] =	stream.indirect.gather [hbm4b:s4+s14], $0x80, s25, s14, $0xb8;
	[tilespmem:$0xD000] =	vst v63  }
0x2f: {  	s26 =	simm.s32 $0xA00  }
0x30: {  	[tilespmem:s20], [sflag:$0x1] =	stream.indirect.gather [hbm4b:s4+s14], $0x80, s26, s14, $0xb8;
	[tilespmem:$0xD000] =	vst v63  }
0x31: {  	_ =	swait.ge [sflag:s21], $0x4000  }
0x32: {  	[sflag:s21] =	ssyncset.done $0x0  }
0x33: {  	[sflag:s21] =	ssyncadd.s32 $0xFFFFC000  }
0x34: {  	_ =	swait.ge [sflag:s21], $0x4000  }
0x35: {  	[sflag:s21] =	ssyncset.done $0x0  }
0x36: {  	[sflag:s21] =	ssyncadd.s32 $0xFFFFC000  }
0x37: {  	_ =	swait.ge [sflag:s21], $0x4000  }
0x38: {  	[sflag:s21] =	ssyncset.done $0x0  }
0x39: {  	s13 =	simm.s32 $0x200;
	[sflag:s21] =	ssyncadd.s32 $0xFFFFC000  }
0x3a: {  	s15 =	simm.s32 $0x400;
	v1 =	vld [tilespmem:s13+$0x0]  }
0x3b: {  	s17 =	simm.s32 $0x0;
	v2 =	vld [tilespmem:s15+$0x0]  }
0x3c: {  	v3 =	vld [tilespmem:s17+$0x0];
	_ =	sdelay $0x1  }
0x3d: {  	v4 =	vmov s17  }
0x3e: {  	v4 =	vshll.u32 v4, $0x7;
	v1 =	vshll.u32 v1, $0x4  }
0x3f: {  	v4 =	vor.u32 v0, v4;
	v2 =	vshll.u32 v2, $0x4;
	v1 =	vand.u32 $0x70, v1  }
0x40: {  	v3 =	vshll.u32 v3, $0x4;
	v2 =	vand.u32 $0x70, v2;
	v5 =	vor.u32 v4, v1  }
0x41: {  	v3 =	vand.u32 $0x70, v3;
	v6 =	vor.u32 v4, v2  }
0x42: {  	v7 =	vor.u32 v4, v3  }
0x43: {  	v8 =	vor.u32 $0x1, v7  }
0x44: {  	v9 =	vor.u32 $0x1, v5  }
0x45: {  	v10 =	vor.u32 $0x3, v5;
	v11 =	vld.idx.msk [tilespmem:v5+s18+$0x0], $0xffff  }
0x46: {  	v12 =	vor.u32 $0x6, v5;
	v13 =	vld.idx.msk [tilespmem:v6+s20+$0x0], $0xffff  }
0x47: {  	v14 =	vor.u32 $0x5, v7;
	v15 =	vld.idx.msk [tilespmem:v7+s16+$0x0], $0xffff  }
0x48: {  	v4 =	vor.u32 $0x8, v4;
	v17 =	vor.u32 $0x5, v5;
	v16 =	vld.idx.msk [tilespmem:v8+s16+$0x0], $0xffff  }
0x49: {  	v23 =	vor.u32 v3, v4;
	v3 =	vor.u32 $0x4, v5;
	v18 =	vld.idx.msk [tilespmem:v9+s18+$0x0], $0xffff  }
0x4a: {  	v19 =	vor.u32 $0x4, v7;
	v20 =	vld.idx.msk [tilespmem:v10+s18+$0x0], $0xffff  }
0x4b: {  	v27 =	vor.u32 $0x2, v7;
	v22 =	vld.idx.msk [tilespmem:v12+s18+$0x0], $0xffff  }
0x4c: {  	v31 =	vor.u32 v1, v4;
	v1 =	vor.u32 $0x6, v6;
	v24 =	vld.idx.msk [tilespmem:v14+s16+$0x0], $0xffff  }
0x4d: {  	v34 =	vor.u32 $0x6, v7;
	v25 =	vld.idx.msk [tilespmem:v17+s18+$0x0], $0xffff  }
0x4e: {  	v37 =	vor.u32 $0x7, v7;
	v29 =	vld.idx.msk [tilespmem:v3+s18+$0x0], $0xffff  }
0x4f: {  	v40 =	vld.idx.msk [tilespmem:v19+s16+$0x0], $0xffff  }
0x50: {  	v8 =	vor.u32 $0x7, v6;
	v27 =	vld.idx.msk [tilespmem:v27+s16+$0x0], $0xffff  }
0x51: {  	v9 =	vor.u32 $0x5, v6;
	v44 =	vld.idx.msk [tilespmem:v1+s20+$0x0], $0xffff  }
0x52: {  	v10 =	vor.u32 $0x4, v6;
	v34 =	vld.idx.msk [tilespmem:v34+s16+$0x0], $0xffff  }
0x53: {  	v12 =	vor.u32 $0x1, v6;
	v60 =	vld.idx.msk [tilespmem:v37+s16+$0x0], $0xffff  }
0x54: {  	v14 =	vor.u32 $0x2, v6;
	v19 =	vld.idx.msk [tilespmem:v31+s18+$0x0], $0xffff  }
0x55: {  	v17 =	vor.u32 $0x2, v5;
	v28 =	vld.idx.msk [tilespmem:v8+s20+$0x0], $0xffff  }
0x56: {  	v5 =	vor.u32 $0x7, v5;
	v26 =	vld.idx.msk [tilespmem:v9+s20+$0x0], $0xffff  }
0x57: {  	v43 =	vor.u32 v2, v4;
	v33 =	vor.u32 $0x1, v31;
	v21 =	vld.idx.msk [tilespmem:v10+s20+$0x0], $0xffff;
	v9 =	vor.u32 $0x3, v7  }
0x58: {  	v35 =	vor.u32 $0x2, v31;
	v38 =	vor.u32 $0x3, v31;
	v8 =	vor.u32 $0x3, v6;
	v12 =	vld.idx.msk [tilespmem:v12+s20+$0x0], $0xffff  }
0x59: {  	v39 =	vor.u32 $0x4, v31;
	v41 =	vor.u32 $0x1, v23;
	v2 =	vor.u32 $0x5, v23;
	v14 =	vld.idx.msk [tilespmem:v14+s20+$0x0], $0xffff  }
0x5a: {  	v45 =	vor.u32 $0x2, v43;
	v61 =	vor.u32 $0x7, v23;
	v3 =	vor.u32 $0x4, v23;
	v36 =	vld.idx.msk [tilespmem:v17+s18+$0x0], $0xffff  }
0x5b: {  	v1 =	vor.u32 $0x7, v31;
	v4 =	vmul.f32 v11, v15;
	v11 =	vor.u32 $0x1, v43;
	v42 =	vld.idx.msk [tilespmem:v5+s18+$0x0], $0xffff  }
0x5c: {  	v7 =	vor.u32 $0x2, v23;
	v6 =	vor.u32 $0x6, v31;
	v5 =	vmul.f32 v13, v15;
	v32 =	vld.idx.msk [tilespmem:v9+s16+$0x0], $0xffff  }
0x5d: {  	v15 =	vmul.f32 v18, v16;
	v29 =	vmul.f32 v29, v40;
	v13 =	vadd.f32 $0.0e+00, v4;
	v30 =	vld.idx.msk [tilespmem:v8+s20+$0x0], $0xffff  }
0x5e: {  	v10 =	vld.idx.msk [tilespmem:v23+s16+$0x0], $0xffff;
	v4 =	vor.u32 $0x5, v43;
	v18 =	vadd.f32 $0.0e+00, v5;
	v12 =	vmul.f32 v12, v16  }
0x5f: {  	v17 =	vld.idx.msk [tilespmem:v33+s18+$0x0], $0xffff;
	v5 =	vor.u32 $0x6, v43;
	v15 =	vadd.f32 v15, v13;
	v36 =	vmul.f32 v36, v27  }
0x60: {  	v9 =	vor.u32 $0x5, v31;
	v16 =	vld.idx.msk [tilespmem:v39+s18+$0x0], $0xffff;
	v27 =	vmul.f32 v14, v27;
	v12 =	vadd.f32 v12, v18  }
0x61: {  	v62 =	vmul.f32 v21, v40;
	v21 =	vld.idx.msk [tilespmem:v35+s18+$0x0], $0xffff;
	v15 =	vadd.f32 v36, v15;
	v31 =	vmul.f32 v20, v32  }
0x62: {  	v8 =	vor.u32 $0x3, v23;
	v30 =	vmul.f32 v30, v32;
	v20 =	vld.idx.msk [tilespmem:v11+s20+$0x0], $0xffff;
	v11 =	vadd.f32 v27, v12  }
0x63: {  	v18 =	vld.idx.msk [tilespmem:v38+s18+$0x0], $0xffff;
	v12 =	vor.u32 $0x6, v23;
	v23 =	vmul.f32 v26, v24;
	v27 =	vadd.f32 v31, v15  }
0x64: {  	v24 =	vmul.f32 v25, v24;
	v25 =	vmul.f32 v22, v34;
	v22 =	vld.idx.msk [tilespmem:v45+s20+$0x0], $0xffff;
	v30 =	vadd.f32 v30, v11  }
0x65: {  	v13 =	vor.u32 $0x3, v43;
	v14 =	vor.u32 $0x4, v43;
	v15 =	vld.idx.msk [tilespmem:v61+s16+$0x0], $0xffff;
	v63 =	vadd.f32 v29, v27  }
0x66: {  	s19 =	simm.s32 $0xCC00;
	s22 =	simm.s32 $0xCE00;
	v28 =	vmul.f32 v28, v60;
	v26 =	vmul.f32 v44, v34;
	v29 =	vld.idx.msk [tilespmem:v43+s20+$0x0], $0xffff;
	v31 =	vadd.f32 v62, v30  }
0x67: {  	s23 =	simm.s32 $0x10;
	s24 =	simm.s32 $0xCC10;
	s25 =	simm.s32 $0xCE10;
	v11 =	vor.u32 $0x7, v43;
	v27 =	vmul.f32 v42, v60;
	v30 =	vadd.f32 v24, v63;
	v24 =	vld.idx.msk [tilespmem:v41+s16+$0x0], $0xffff  }
.LBB2_4:
0x68: {  	v23 =	vadd.f32 v23, v31;
	v9 =	vld.idx.msk [tilespmem:v9+s18+$0x0], $0xffff;
	s17 =	sadd.s32 $0x10, s17;
	s13 =	sadd.s32 $0x10, s13;
	s15 =	sadd.s32 $0x10, s15  }
0x69: {  	p0 =	sne.s32 s23, $0x70;
	s26 =	smov.u32 s23;
	s23 =	sadd.s32 $0x10, s23;
	v25 =	vadd.f32 v25, v30;
	v7 =	vld.idx.msk [tilespmem:v7+s16+$0x0], $0xffff  }
0x6a: {  	v23 =	vadd.f32 v26, v23;
	v8 =	vld.idx.msk [tilespmem:v8+s16+$0x0], $0xffff  }
0x6b: {  	v19 =	vmul.f32 v19, v10;
	v25 =	vadd.f32 v27, v25;
	v6 =	vld.idx.msk [tilespmem:v6+s18+$0x0], $0xffff  }
0x6c: {  	v10 =	vmul.f32 v29, v10;
	v23 =	vadd.f32 v28, v23;
	v13 =	vld.idx.msk [tilespmem:v13+s20+$0x0], $0xffff  }
0x6d: {  	v17 =	vmul.f32 v17, v24;
	v19 =	vadd.f32 v19, v25;
	v3 =	vld.idx.msk [tilespmem:v3+s16+$0x0], $0xffff  }
0x6e: {  	v20 =	vmul.f32 v20, v24;
	v10 =	vadd.f32 v10, v23;
	v14 =	vld.idx.msk [tilespmem:v14+s20+$0x0], $0xffff  }
0x6f: {  	v17 =	vadd.f32 v17, v19;
	v19 =	vmul.f32 v21, v7;
	v2 =	vld.idx.msk [tilespmem:v2+s16+$0x0], $0xffff  }
0x70: {  	v7 =	vmul.f32 v22, v7;
	v10 =	vadd.f32 v20, v10;
	v4 =	vld.idx.msk [tilespmem:v4+s20+$0x0], $0xffff  }
0x71: {  	v18 =	vmul.f32 v18, v8;
	v17 =	vadd.f32 v19, v17;
	v12 =	vld.idx.msk [tilespmem:v12+s16+$0x0], $0xffff  }
0x72: {  	v8 =	vmul.f32 v13, v8;
	v7 =	vadd.f32 v7, v10;
	v5 =	vld.idx.msk [tilespmem:v5+s20+$0x0], $0xffff  }
0x73: {  	v13 =	vmul.f32 v16, v3;
	v10 =	vadd.f32 v18, v17;
	v1 =	vld.idx.msk [tilespmem:v1+s18+$0x0], $0xffff  }
0x74: {  	v3 =	vmul.f32 v14, v3;
	v7 =	vadd.f32 v8, v7;
	v8 =	vld.idx.msk [tilespmem:v11+s20+$0x0], $0xffff  }
0x75: {  	v9 =	vmul.f32 v9, v2;
	v10 =	vadd.f32 v13, v10  }
0x76: {  	v2 =	vmul.f32 v4, v2;
	v3 =	vadd.f32 v3, v7  }
0x77: {  	v6 =	vmul.f32 v6, v12;
	v4 =	vadd.f32 v9, v10  }
0x78: {  	v2 =	vadd.f32 v2, v3;
	v3 =	vmul.f32 v5, v12  }
0x79: {  	v1 =	vmul.f32 v1, v15;
	v4 =	vadd.f32 v6, v4  }
0x7a: {  	v2 =	vadd.f32 v3, v2;
	v3 =	vmul.f32 v8, v15  }
0x7b: {  	v1 =	vadd.f32 v1, v4  }
0x7c: {  	v4 =	vmov s26;
	v2 =	vadd.f32 v3, v2  }
0x7d: {  	v3 =	vshll.u32 v4, $0x7;
	[tilespmem:s19+$0x0] =	vst v1;
	s19 =	smov.u32 s24  }
0x7e: {  	[tilespmem:s22+$0x0] =	vst v2;
	s22 =	smov.u32 s25  }
0x7f: {  	v2 =	vor.u32 v0, v3;
	v1 =	vld [tilespmem:s13+$0x0]  }
0x80: {  	v3 =	vld [tilespmem:s15+$0x0]  }
0x81: {  	v4 =	vld [tilespmem:s17+$0x0]  }
0x82: {  	v5 =	vor.u32 $0x8, v2;
	_ =	sdelay $0x1  }
0x83: {  	v1 =	vshll.u32 v1, $0x4  }
0x84: {  	v1 =	vand.u32 $0x70, v1;
	v3 =	vshll.u32 v3, $0x4  }
0x85: {  	v4 =	vshll.u32 v4, $0x4;
	v10 =	vand.u32 $0x70, v3;
	v15 =	vor.u32 v2, v1  }
0x86: {  	v3 =	vand.u32 $0x70, v4;
	v4 =	vor.u32 v2, v10;
	v6 =	vor.u32 $0x1, v15  }
0x87: {  	v16 =	vor.u32 v2, v3;
	v11 =	vor.u32 $0x1, v4;
	v17 =	vor.u32 $0x2, v4  }
0x88: {  	v18 =	vor.u32 $0x3, v4;
	v12 =	vor.u32 $0x4, v4;
	v2 =	vor.u32 $0x1, v16  }
0x89: {  	v19 =	vor.u32 v1, v5;
	v14 =	vor.u32 $0x5, v15;
	v13 =	vor.u32 $0x5, v16  }
0x8a: {  	v1 =	vor.u32 $0x3, v15;
	v21 =	vor.u32 $0x6, v15;
	v22 =	vor.u32 $0x1, v19;
	v20 =	vld.idx.msk [tilespmem:v15+s18+$0x0], $0xffff  }
0x8b: {  	v27 =	vor.u32 $0x2, v19;
	v24 =	vor.u32 $0x5, v4;
	v25 =	vor.u32 $0x6, v16;
	v23 =	vld.idx.msk [tilespmem:v4+s20+$0x0], $0xffff  }
0x8c: {  	v30 =	vor.u32 $0x3, v19;
	v28 =	vor.u32 $0x6, v4;
	v29 =	vor.u32 $0x7, v16;
	v26 =	vld.idx.msk [tilespmem:v16+s16+$0x0], $0xffff  }
0x8d: {  	v34 =	vor.u32 $0x4, v19;
	v32 =	vor.u32 $0x7, v4;
	v33 =	vor.u32 v3, v5;
	v31 =	vld.idx.msk [tilespmem:v2+s16+$0x0], $0xffff  }
0x8e: {  	v9 =	vor.u32 $0x5, v19;
	v36 =	vor.u32 $0x1, v33;
	v7 =	vor.u32 $0x2, v33;
	v35 =	vld.idx.msk [tilespmem:v6+s18+$0x0], $0xffff  }
0x8f: {  	v8 =	vor.u32 $0x3, v33;
	v3 =	vor.u32 $0x4, v33;
	v6 =	vor.u32 $0x6, v19;
	v37 =	vld.idx.msk [tilespmem:v1+s18+$0x0], $0xffff  }
0x90: {  	v38 =	vor.u32 v10, v5;
	v2 =	vor.u32 $0x5, v33;
	v1 =	vor.u32 $0x7, v19;
	v21 =	vld.idx.msk [tilespmem:v21+s18+$0x0], $0xffff  }
0x91: {  	v40 =	vor.u32 $0x1, v38;
	v41 =	vor.u32 $0x2, v38;
	v4 =	vor.u32 $0x5, v38;
	v39 =	vld.idx.msk [tilespmem:v13+s16+$0x0], $0xffff  }
0x92: {  	v10 =	vmul.f32 v20, v26;
	v20 =	vmul.f32 v23, v26;
	v13 =	vor.u32 $0x3, v38;
	v32 =	vld.idx.msk [tilespmem:v32+s20+$0x0], $0xffff  }
0x93: {  	v5 =	vor.u32 $0x6, v38;
	v23 =	vor.u32 $0x2, v16;
	v26 =	vor.u32 $0x4, v15;
	v42 =	vld.idx.msk [tilespmem:v14+s18+$0x0], $0xffff  }
0x94: {  	v43 =	vor.u32 $0x2, v15;
	v10 =	vadd.f32 $0.0e+00, v10;
	v35 =	vmul.f32 v35, v31;
	v24 =	vld.idx.msk [tilespmem:v24+s20+$0x0], $0xffff  }
0x95: {  	v20 =	vadd.f32 $0.0e+00, v20;
	v14 =	vor.u32 $0x4, v38;
	v44 =	vld.idx.msk [tilespmem:v12+s20+$0x0], $0xffff;
	v12 =	vor.u32 $0x6, v33  }
0x96: {  	v46 =	vor.u32 $0x3, v16;
	v35 =	vadd.f32 v35, v10;
	v45 =	vld.idx.msk [tilespmem:v11+s20+$0x0], $0xffff;
	v11 =	vor.u32 $0x7, v38  }
0x97: {  	v48 =	vor.u32 $0x7, v33;
	v16 =	vor.u32 $0x4, v16;
	v47 =	vld.idx.msk [tilespmem:v17+s20+$0x0], $0xffff  }
0x98: {  	v10 =	vld.idx.msk [tilespmem:v33+s16+$0x0], $0xffff  }
0x99: {  	v26 =	vld.idx.msk [tilespmem:v26+s18+$0x0], $0xffff  }
0x9a: {  	v15 =	vor.u32 $0x7, v15;
	v17 =	vld.idx.msk [tilespmem:v18+s20+$0x0], $0xffff  }
0x9b: {  	v18 =	vld.idx.msk [tilespmem:v46+s16+$0x0], $0xffff  }
0x9c: {  	v31 =	vmul.f32 v45, v31;
	v33 =	vld.idx.msk [tilespmem:v43+s18+$0x0], $0xffff  }
0x9d: {  	v16 =	vld.idx.msk [tilespmem:v16+s16+$0x0], $0xffff  }
0x9e: {  	v20 =	vadd.f32 v31, v20;
	v31 =	vld.idx.msk [tilespmem:v23+s16+$0x0], $0xffff  }
0x9f: {  	v15 =	vld.idx.msk [tilespmem:v15+s18+$0x0], $0xffff  }
0xa0: {  	v28 =	vld.idx.msk [tilespmem:v28+s20+$0x0], $0xffff  }
0xa1: {  	v37 =	vmul.f32 v37, v18;
	v43 =	vmul.f32 v17, v18;
	v45 =	vld.idx.msk [tilespmem:v25+s16+$0x0], $0xffff  }
0xa2: {  	v17 =	vld.idx.msk [tilespmem:v22+s18+$0x0], $0xffff  }
0xa3: {  	v22 =	vmul.f32 v26, v16;
	v44 =	vmul.f32 v44, v16;
	v29 =	vld.idx.msk [tilespmem:v29+s16+$0x0], $0xffff  }
0xa4: {  	v23 =	vmul.f32 v24, v39;
	v18 =	vmul.f32 v33, v31;
	v19 =	vld.idx.msk [tilespmem:v19+s18+$0x0], $0xffff  }
0xa5: {  	v24 =	vmul.f32 v47, v31;
	v33 =	vmul.f32 v42, v39;
	v16 =	vld.idx.msk [tilespmem:v34+s18+$0x0], $0xffff  }
0xa6: {  	v26 =	vadd.f32 v18, v35;
	v18 =	vld.idx.msk [tilespmem:v30+s18+$0x0], $0xffff  }
0xa7: {  	v24 =	vadd.f32 v24, v20;
	v25 =	vmul.f32 v21, v45;
	v20 =	vld.idx.msk [tilespmem:v40+s20+$0x0], $0xffff  }
.Ltmp1:
0xa8: {  	v30 =	vadd.f32 v37, v26;
	v26 =	vmul.f32 v28, v45;
	v21 =	vld.idx.msk [tilespmem:v27+s18+$0x0], $0xffff;
	(pc) =	sbr.rel @p0 .LBB2_4-.Ltmp1, $4  }
0xa9: {  	v24 =	vadd.f32 v43, v24;
	v27 =	vmul.f32 v15, v29;
	v15 =	vld.idx.msk [tilespmem:v48+s16+$0x0], $0xffff  }
0xaa: {  	v28 =	vmul.f32 v32, v29;
	v30 =	vadd.f32 v22, v30;
	v22 =	vld.idx.msk [tilespmem:v41+s20+$0x0], $0xffff  }
0xab: {  	v31 =	vadd.f32 v44, v24;
	v29 =	vld.idx.msk [tilespmem:v38+s20+$0x0], $0xffff  }
0xac: {  	s24 =	sadd.s32 $0x10, s24;
	s25 =	sadd.s32 $0x10, s25;
	v30 =	vadd.f32 v33, v30;
	v24 =	vld.idx.msk [tilespmem:v36+s16+$0x0], $0xffff  }
0xad: {  	_ =	sdelay $0x2  }
0xae: {  	v23 =	vadd.f32 v23, v31  }
0xaf: {  	v9 =	vld.idx.msk [tilespmem:v9+s18+$0x0], $0xffff;
	v25 =	vadd.f32 v25, v30  }
0xb0: {  	v7 =	vld.idx.msk [tilespmem:v7+s16+$0x0], $0xffff;
	v23 =	vadd.f32 v26, v23  }
0xb1: {  	v8 =	vld.idx.msk [tilespmem:v8+s16+$0x0], $0xffff;
	v19 =	vmul.f32 v19, v10;
	v25 =	vadd.f32 v27, v25  }
0xb2: {  	v6 =	vld.idx.msk [tilespmem:v6+s18+$0x0], $0xffff;
	v10 =	vmul.f32 v29, v10;
	v23 =	vadd.f32 v28, v23  }
0xb3: {  	v13 =	vld.idx.msk [tilespmem:v13+s20+$0x0], $0xffff;
	v17 =	vmul.f32 v17, v24;
	v19 =	vadd.f32 v19, v25  }
0xb4: {  	v3 =	vld.idx.msk [tilespmem:v3+s16+$0x0], $0xffff;
	v20 =	vmul.f32 v20, v24;
	v10 =	vadd.f32 v10, v23  }
0xb5: {  	v14 =	vld.idx.msk [tilespmem:v14+s20+$0x0], $0xffff;
	v17 =	vadd.f32 v17, v19;
	v19 =	vmul.f32 v21, v7  }
0xb6: {  	v2 =	vld.idx.msk [tilespmem:v2+s16+$0x0], $0xffff;
	v7 =	vmul.f32 v22, v7;
	v10 =	vadd.f32 v20, v10  }
0xb7: {  	v4 =	vld.idx.msk [tilespmem:v4+s20+$0x0], $0xffff;
	v18 =	vmul.f32 v18, v8;
	v17 =	vadd.f32 v19, v17  }
0xb8: {  	v12 =	vld.idx.msk [tilespmem:v12+s16+$0x0], $0xffff;
	v8 =	vmul.f32 v13, v8;
	v7 =	vadd.f32 v7, v10  }
0xb9: {  	v5 =	vld.idx.msk [tilespmem:v5+s20+$0x0], $0xffff;
	v13 =	vmul.f32 v16, v3;
	v10 =	vadd.f32 v18, v17  }
0xba: {  	v1 =	vld.idx.msk [tilespmem:v1+s18+$0x0], $0xffff;
	v3 =	vmul.f32 v14, v3;
	v7 =	vadd.f32 v8, v7  }
0xbb: {  	v9 =	vmul.f32 v9, v2;
	v8 =	vld.idx.msk [tilespmem:v11+s20+$0x0], $0xffff;
	v10 =	vadd.f32 v13, v10  }
0xbc: {  	v2 =	vmul.f32 v4, v2;
	v3 =	vadd.f32 v3, v7  }
0xbd: {  	v6 =	vmul.f32 v6, v12;
	v4 =	vadd.f32 v9, v10  }
0xbe: {  	v2 =	vadd.f32 v2, v3;
	v3 =	vmul.f32 v5, v12  }
0xbf: {  	v1 =	vmul.f32 v1, v15;
	v4 =	vadd.f32 v6, v4  }
0xc0: {  	v2 =	vadd.f32 v3, v2;
	v3 =	vmul.f32 v8, v15  }
0xc1: {  	v1 =	vadd.f32 v1, v4  }
0xc2: {  	v2 =	vadd.f32 v3, v2  }
0xc3: {  	[tilespmem:s19+$0x0] =	vst v1  }
0xc4: {  	s15 =	simm.s32 $0x80;
	s13 =	simm.s32 $0x680;
	[tilespmem:s22+$0x0] =	vst v2  }
0xc5: {  	[tilespmem:s16], [sflag:$0x1] =	stream.indirect.gather [hbm4b:s3+s15], $0x80, s13, s15, $0xb8;
	[tilespmem:$0xD000] =	vst v63  }
0xc6: {  	s24 =	simm.s32 $0x880  }
0xc7: {  	[tilespmem:s18], [sflag:$0x1] =	stream.indirect.gather [hbm4b:s4+s15], $0x80, s24, s15, $0xb8;
	[tilespmem:$0xD000] =	vst v63  }
0xc8: {  	s25 =	simm.s32 $0xA80  }
0xc9: {  	[tilespmem:s20], [sflag:$0x1] =	stream.indirect.gather [hbm4b:s4+s15], $0x80, s25, s15, $0xb8;
	[tilespmem:$0xD000] =	vst v63  }
0xca: {  	_ =	swait.ge [sflag:s21], $0x4000  }
0xcb: {  	[sflag:s21] =	ssyncset.done $0x0  }
0xcc: {  	[sflag:s21] =	ssyncadd.s32 $0xFFFFC000  }
0xcd: {  	_ =	swait.ge [sflag:s21], $0x4000  }
0xce: {  	[sflag:s21] =	ssyncset.done $0x0  }
0xcf: {  	[sflag:s21] =	ssyncadd.s32 $0xFFFFC000  }
0xd0: {  	_ =	swait.ge [sflag:s21], $0x4000  }
0xd1: {  	[sflag:s21] =	ssyncset.done $0x0  }
0xd2: {  	s17 =	simm.s32 $0x280;
	[sflag:s21] =	ssyncadd.s32 $0xFFFFC000  }
0xd3: {  	s13 =	simm.s32 $0x480;
	v1 =	vld [tilespmem:s17+$0x0]  }
0xd4: {  	v2 =	vld [tilespmem:s13+$0x0]  }
0xd5: {  	v3 =	vld [tilespmem:s15+$0x0]  }
0xd6: {  	s26 =	simm.s32 $0x0  }
0xd7: {  	v4 =	vmov s26  }
0xd8: {  	v4 =	vshll.u32 v4, $0x7;
	v1 =	vshll.u32 v1, $0x4  }
0xd9: {  	v4 =	vor.u32 v0, v4;
	v2 =	vshll.u32 v2, $0x4;
	v1 =	vand.u32 $0x70, v1  }
0xda: {  	v3 =	vshll.u32 v3, $0x4;
	v2 =	vand.u32 $0x70, v2;
	v5 =	vor.u32 v4, v1  }
0xdb: {  	v3 =	vand.u32 $0x70, v3;
	v6 =	vor.u32 v4, v2  }
0xdc: {  	v7 =	vor.u32 v4, v3  }
0xdd: {  	v8 =	vor.u32 $0x1, v7  }
0xde: {  	v9 =	vor.u32 $0x1, v5  }
0xdf: {  	v10 =	vor.u32 $0x3, v5;
	v11 =	vld.idx.msk [tilespmem:v5+s18+$0x0], $0xffff  }
0xe0: {  	v12 =	vor.u32 $0x6, v5;
	v13 =	vld.idx.msk [tilespmem:v6+s20+$0x0], $0xffff  }
0xe1: {  	v14 =	vor.u32 $0x5, v7;
	v15 =	vld.idx.msk [tilespmem:v7+s16+$0x0], $0xffff  }
0xe2: {  	v4 =	vor.u32 $0x8, v4;
	v17 =	vor.u32 $0x5, v5;
	v16 =	vld.idx.msk [tilespmem:v8+s16+$0x0], $0xffff  }
0xe3: {  	v23 =	vor.u32 v3, v4;
	v3 =	vor.u32 $0x4, v5;
	v18 =	vld.idx.msk [tilespmem:v9+s18+$0x0], $0xffff  }
0xe4: {  	v19 =	vor.u32 $0x4, v7;
	v20 =	vld.idx.msk [tilespmem:v10+s18+$0x0], $0xffff  }
0xe5: {  	v27 =	vor.u32 $0x2, v7;
	v22 =	vld.idx.msk [tilespmem:v12+s18+$0x0], $0xffff  }
0xe6: {  	v31 =	vor.u32 v1, v4;
	v1 =	vor.u32 $0x6, v6;
	v24 =	vld.idx.msk [tilespmem:v14+s16+$0x0], $0xffff  }
0xe7: {  	v34 =	vor.u32 $0x6, v7;
	v25 =	vld.idx.msk [tilespmem:v17+s18+$0x0], $0xffff  }
0xe8: {  	v37 =	vor.u32 $0x7, v7;
	v29 =	vld.idx.msk [tilespmem:v3+s18+$0x0], $0xffff  }
0xe9: {  	v40 =	vld.idx.msk [tilespmem:v19+s16+$0x0], $0xffff  }
0xea: {  	v8 =	vor.u32 $0x7, v6;
	v27 =	vld.idx.msk [tilespmem:v27+s16+$0x0], $0xffff  }
0xeb: {  	v9 =	vor.u32 $0x5, v6;
	v44 =	vld.idx.msk [tilespmem:v1+s20+$0x0], $0xffff  }
0xec: {  	v10 =	vor.u32 $0x4, v6;
	v34 =	vld.idx.msk [tilespmem:v34+s16+$0x0], $0xffff  }
0xed: {  	v12 =	vor.u32 $0x1, v6;
	v60 =	vld.idx.msk [tilespmem:v37+s16+$0x0], $0xffff  }
0xee: {  	v14 =	vor.u32 $0x2, v6;
	v19 =	vld.idx.msk [tilespmem:v31+s18+$0x0], $0xffff  }
0xef: {  	v17 =	vor.u32 $0x2, v5;
	v28 =	vld.idx.msk [tilespmem:v8+s20+$0x0], $0xffff  }
0xf0: {  	v5 =	vor.u32 $0x7, v5;
	v26 =	vld.idx.msk [tilespmem:v9+s20+$0x0], $0xffff  }
0xf1: {  	v43 =	vor.u32 v2, v4;
	v33 =	vor.u32 $0x1, v31;
	v21 =	vld.idx.msk [tilespmem:v10+s20+$0x0], $0xffff;
	v9 =	vor.u32 $0x3, v7  }
0xf2: {  	v35 =	vor.u32 $0x2, v31;
	v38 =	vor.u32 $0x3, v31;
	v8 =	vor.u32 $0x3, v6;
	v12 =	vld.idx.msk [tilespmem:v12+s20+$0x0], $0xffff  }
0xf3: {  	v39 =	vor.u32 $0x4, v31;
	v41 =	vor.u32 $0x1, v23;
	v2 =	vor.u32 $0x5, v23;
	v14 =	vld.idx.msk [tilespmem:v14+s20+$0x0], $0xffff  }
0xf4: {  	v45 =	vor.u32 $0x2, v43;
	v61 =	vor.u32 $0x7, v23;
	v3 =	vor.u32 $0x4, v23;
	v36 =	vld.idx.msk [tilespmem:v17+s18+$0x0], $0xffff  }
0xf5: {  	v1 =	vor.u32 $0x7, v31;
	v4 =	vmul.f32 v11, v15;
	v11 =	vor.u32 $0x1, v43;
	v42 =	vld.idx.msk [tilespmem:v5+s18+$0x0], $0xffff  }
0xf6: {  	v7 =	vor.u32 $0x2, v23;
	v6 =	vor.u32 $0x6, v31;
	v5 =	vmul.f32 v13, v15;
	v32 =	vld.idx.msk [tilespmem:v9+s16+$0x0], $0xffff  }
0xf7: {  	v15 =	vmul.f32 v18, v16;
	v29 =	vmul.f32 v29, v40;
	v13 =	vadd.f32 $0.0e+00, v4;
	v30 =	vld.idx.msk [tilespmem:v8+s20+$0x0], $0xffff  }
0xf8: {  	v10 =	vld.idx.msk [tilespmem:v23+s16+$0x0], $0xffff;
	v4 =	vor.u32 $0x5, v43;
	v18 =	vadd.f32 $0.0e+00, v5;
	v12 =	vmul.f32 v12, v16  }
0xf9: {  	v17 =	vld.idx.msk [tilespmem:v33+s18+$0x0], $0xffff;
	v5 =	vor.u32 $0x6, v43;
	v15 =	vadd.f32 v15, v13;
	v36 =	vmul.f32 v36, v27  }
0xfa: {  	v9 =	vor.u32 $0x5, v31;
	v16 =	vld.idx.msk [tilespmem:v39+s18+$0x0], $0xffff;
	v27 =	vmul.f32 v14, v27;
	v12 =	vadd.f32 v12, v18  }
0xfb: {  	v62 =	vmul.f32 v21, v40;
	v21 =	vld.idx.msk [tilespmem:v35+s18+$0x0], $0xffff;
	v15 =	vadd.f32 v36, v15;
	v31 =	vmul.f32 v20, v32  }
0xfc: {  	v8 =	vor.u32 $0x3, v23;
	v30 =	vmul.f32 v30, v32;
	v20 =	vld.idx.msk [tilespmem:v11+s20+$0x0], $0xffff;
	v11 =	vadd.f32 v27, v12  }
0xfd: {  	v18 =	vld.idx.msk [tilespmem:v38+s18+$0x0], $0xffff;
	v12 =	vor.u32 $0x6, v23;
	v23 =	vmul.f32 v26, v24;
	v27 =	vadd.f32 v31, v15  }
0xfe: {  	v24 =	vmul.f32 v25, v24;
	v25 =	vmul.f32 v22, v34;
	v22 =	vld.idx.msk [tilespmem:v45+s20+$0x0], $0xffff;
	v30 =	vadd.f32 v30, v11  }
0xff: {  	s23 =	simm.s32 $0x10;
	v13 =	vor.u32 $0x3, v43;
	v14 =	vor.u32 $0x4, v43;
	v15 =	vld.idx.msk [tilespmem:v61+s16+$0x0], $0xffff;
	v63 =	vadd.f32 v29, v27  }
0x100: {  	s19 =	simm.s32 $0xCE80;
	s22 =	simm.s32 $0xCC80;
	s24 =	simm.s32 $0x290;
	v28 =	vmul.f32 v28, v60;
	v26 =	vmul.f32 v44, v34;
	v29 =	vld.idx.msk [tilespmem:v43+s20+$0x0], $0xffff;
	v31 =	vadd.f32 v62, v30  }
0x101: {  	s25 =	simm.s32 $0x90;
	s15 =	simm.s32 $0xCC80;
	s17 =	simm.s32 $0xCE80;
	v11 =	vor.u32 $0x7, v43;
	v27 =	vmul.f32 v42, v60;
	v30 =	vadd.f32 v24, v63;
	v24 =	vld.idx.msk [tilespmem:v41+s16+$0x0], $0xffff  }
.LBB2_6:
0x102: {  	v23 =	vadd.f32 v23, v31;
	v9 =	vld.idx.msk [tilespmem:v9+s18+$0x0], $0xffff;
	s19 =	sadd.s32 $0x10, s19;
	s22 =	sadd.s32 $0x10, s22;
	s13 =	sadd.s32 $0x10, s13  }
0x103: {  	p0 =	sne.s32 s23, $0x70;
	s26 =	smov.u32 s23;
	s23 =	sadd.s32 $0x10, s23;
	v25 =	vadd.f32 v25, v30;
	v7 =	vld.idx.msk [tilespmem:v7+s16+$0x0], $0xffff  }
0x104: {  	v23 =	vadd.f32 v26, v23;
	v8 =	vld.idx.msk [tilespmem:v8+s16+$0x0], $0xffff  }
0x105: {  	v19 =	vmul.f32 v19, v10;
	v25 =	vadd.f32 v27, v25;
	v6 =	vld.idx.msk [tilespmem:v6+s18+$0x0], $0xffff  }
0x106: {  	v10 =	vmul.f32 v29, v10;
	v23 =	vadd.f32 v28, v23;
	v13 =	vld.idx.msk [tilespmem:v13+s20+$0x0], $0xffff  }
0x107: {  	v17 =	vmul.f32 v17, v24;
	v19 =	vadd.f32 v19, v25;
	v3 =	vld.idx.msk [tilespmem:v3+s16+$0x0], $0xffff  }
0x108: {  	v20 =	vmul.f32 v20, v24;
	v10 =	vadd.f32 v10, v23;
	v14 =	vld.idx.msk [tilespmem:v14+s20+$0x0], $0xffff  }
0x109: {  	v17 =	vadd.f32 v17, v19;
	v19 =	vmul.f32 v21, v7;
	v2 =	vld.idx.msk [tilespmem:v2+s16+$0x0], $0xffff  }
0x10a: {  	v7 =	vmul.f32 v22, v7;
	v10 =	vadd.f32 v20, v10;
	v4 =	vld.idx.msk [tilespmem:v4+s20+$0x0], $0xffff  }
0x10b: {  	v18 =	vmul.f32 v18, v8;
	v17 =	vadd.f32 v19, v17;
	v12 =	vld.idx.msk [tilespmem:v12+s16+$0x0], $0xffff  }
0x10c: {  	v8 =	vmul.f32 v13, v8;
	v7 =	vadd.f32 v7, v10;
	v5 =	vld.idx.msk [tilespmem:v5+s20+$0x0], $0xffff  }
0x10d: {  	v13 =	vmul.f32 v16, v3;
	v10 =	vadd.f32 v18, v17;
	v1 =	vld.idx.msk [tilespmem:v1+s18+$0x0], $0xffff  }
0x10e: {  	v3 =	vmul.f32 v14, v3;
	v7 =	vadd.f32 v8, v7;
	v8 =	vld.idx.msk [tilespmem:v11+s20+$0x0], $0xffff  }
0x10f: {  	v9 =	vmul.f32 v9, v2;
	v10 =	vadd.f32 v13, v10  }
0x110: {  	v2 =	vmul.f32 v4, v2;
	v3 =	vadd.f32 v3, v7  }
0x111: {  	v6 =	vmul.f32 v6, v12;
	v4 =	vadd.f32 v9, v10  }
0x112: {  	v2 =	vadd.f32 v2, v3;
	v3 =	vmul.f32 v5, v12  }
0x113: {  	v1 =	vmul.f32 v1, v15;
	v4 =	vadd.f32 v6, v4  }
0x114: {  	v2 =	vadd.f32 v3, v2;
	v3 =	vmul.f32 v8, v15  }
0x115: {  	v1 =	vadd.f32 v1, v4  }
0x116: {  	v4 =	vmov s26;
	v2 =	vadd.f32 v3, v2  }
0x117: {  	v3 =	vshll.u32 v4, $0x7;
	[tilespmem:s15+$0x0] =	vst v1;
	s15 =	smov.u32 s22  }
0x118: {  	[tilespmem:s17+$0x0] =	vst v2;
	s17 =	smov.u32 s19  }
0x119: {  	v2 =	vor.u32 v0, v3;
	v1 =	vld [tilespmem:s24+$0x0]  }
0x11a: {  	v3 =	vld [tilespmem:s13+$0x0]  }
0x11b: {  	v4 =	vld [tilespmem:s25+$0x0]  }
0x11c: {  	v5 =	vor.u32 $0x8, v2;
	_ =	sdelay $0x1  }
0x11d: {  	v1 =	vshll.u32 v1, $0x4  }
0x11e: {  	v1 =	vand.u32 $0x70, v1;
	v3 =	vshll.u32 v3, $0x4  }
0x11f: {  	v4 =	vshll.u32 v4, $0x4;
	v10 =	vand.u32 $0x70, v3;
	v15 =	vor.u32 v2, v1  }
0x120: {  	v3 =	vand.u32 $0x70, v4;
	v4 =	vor.u32 v2, v10;
	v6 =	vor.u32 $0x1, v15  }
0x121: {  	v16 =	vor.u32 v2, v3;
	v11 =	vor.u32 $0x1, v4;
	v17 =	vor.u32 $0x2, v4  }
0x122: {  	v18 =	vor.u32 $0x3, v4;
	v12 =	vor.u32 $0x4, v4;
	v2 =	vor.u32 $0x1, v16  }
0x123: {  	v19 =	vor.u32 v1, v5;
	v14 =	vor.u32 $0x5, v15;
	v13 =	vor.u32 $0x5, v16  }
0x124: {  	v1 =	vor.u32 $0x3, v15;
	v21 =	vor.u32 $0x6, v15;
	v22 =	vor.u32 $0x1, v19;
	v20 =	vld.idx.msk [tilespmem:v15+s18+$0x0], $0xffff  }
0x125: {  	v27 =	vor.u32 $0x2, v19;
	v24 =	vor.u32 $0x5, v4;
	v25 =	vor.u32 $0x6, v16;
	v23 =	vld.idx.msk [tilespmem:v4+s20+$0x0], $0xffff  }
0x126: {  	v30 =	vor.u32 $0x3, v19;
	v28 =	vor.u32 $0x6, v4;
	v29 =	vor.u32 $0x7, v16;
	v26 =	vld.idx.msk [tilespmem:v16+s16+$0x0], $0xffff  }
0x127: {  	v34 =	vor.u32 $0x4, v19;
	v32 =	vor.u32 $0x7, v4;
	v33 =	vor.u32 v3, v5;
	v31 =	vld.idx.msk [tilespmem:v2+s16+$0x0], $0xffff  }
0x128: {  	v9 =	vor.u32 $0x5, v19;
	v36 =	vor.u32 $0x1, v33;
	v7 =	vor.u32 $0x2, v33;
	v35 =	vld.idx.msk [tilespmem:v6+s18+$0x0], $0xffff  }
0x129: {  	v8 =	vor.u32 $0x3, v33;
	v3 =	vor.u32 $0x4, v33;
	v6 =	vor.u32 $0x6, v19;
	v37 =	vld.idx.msk [tilespmem:v1+s18+$0x0], $0xffff  }
0x12a: {  	v38 =	vor.u32 v10, v5;
	v2 =	vor.u32 $0x5, v33;
	v1 =	vor.u32 $0x7, v19;
	v21 =	vld.idx.msk [tilespmem:v21+s18+$0x0], $0xffff  }
0x12b: {  	v40 =	vor.u32 $0x1, v38;
	v41 =	vor.u32 $0x2, v38;
	v4 =	vor.u32 $0x5, v38;
	v39 =	vld.idx.msk [tilespmem:v13+s16+$0x0], $0xffff  }
0x12c: {  	v10 =	vmul.f32 v20, v26;
	v20 =	vmul.f32 v23, v26;
	v13 =	vor.u32 $0x3, v38;
	v32 =	vld.idx.msk [tilespmem:v32+s20+$0x0], $0xffff  }
0x12d: {  	v5 =	vor.u32 $0x6, v38;
	v23 =	vor.u32 $0x2, v16;
	v26 =	vor.u32 $0x4, v15;
	v42 =	vld.idx.msk [tilespmem:v14+s18+$0x0], $0xffff  }
0x12e: {  	v43 =	vor.u32 $0x2, v15;
	v10 =	vadd.f32 $0.0e+00, v10;
	v35 =	vmul.f32 v35, v31;
	v24 =	vld.idx.msk [tilespmem:v24+s20+$0x0], $0xffff  }
0x12f: {  	v20 =	vadd.f32 $0.0e+00, v20;
	v14 =	vor.u32 $0x4, v38;
	v44 =	vld.idx.msk [tilespmem:v12+s20+$0x0], $0xffff;
	v12 =	vor.u32 $0x6, v33  }
0x130: {  	v46 =	vor.u32 $0x3, v16;
	v35 =	vadd.f32 v35, v10;
	v45 =	vld.idx.msk [tilespmem:v11+s20+$0x0], $0xffff;
	v11 =	vor.u32 $0x7, v38  }
0x131: {  	v48 =	vor.u32 $0x7, v33;
	v16 =	vor.u32 $0x4, v16;
	v47 =	vld.idx.msk [tilespmem:v17+s20+$0x0], $0xffff  }
0x132: {  	v10 =	vld.idx.msk [tilespmem:v33+s16+$0x0], $0xffff  }
0x133: {  	v26 =	vld.idx.msk [tilespmem:v26+s18+$0x0], $0xffff  }
0x134: {  	v15 =	vor.u32 $0x7, v15;
	v17 =	vld.idx.msk [tilespmem:v18+s20+$0x0], $0xffff  }
0x135: {  	v18 =	vld.idx.msk [tilespmem:v46+s16+$0x0], $0xffff  }
0x136: {  	v31 =	vmul.f32 v45, v31;
	v33 =	vld.idx.msk [tilespmem:v43+s18+$0x0], $0xffff  }
0x137: {  	v16 =	vld.idx.msk [tilespmem:v16+s16+$0x0], $0xffff  }
0x138: {  	v20 =	vadd.f32 v31, v20;
	v31 =	vld.idx.msk [tilespmem:v23+s16+$0x0], $0xffff  }
0x139: {  	v15 =	vld.idx.msk [tilespmem:v15+s18+$0x0], $0xffff  }
0x13a: {  	v28 =	vld.idx.msk [tilespmem:v28+s20+$0x0], $0xffff  }
0x13b: {  	v37 =	vmul.f32 v37, v18;
	v43 =	vmul.f32 v17, v18;
	v45 =	vld.idx.msk [tilespmem:v25+s16+$0x0], $0xffff  }
0x13c: {  	v17 =	vld.idx.msk [tilespmem:v22+s18+$0x0], $0xffff  }
0x13d: {  	v22 =	vmul.f32 v26, v16;
	v44 =	vmul.f32 v44, v16;
	v29 =	vld.idx.msk [tilespmem:v29+s16+$0x0], $0xffff  }
0x13e: {  	v23 =	vmul.f32 v24, v39;
	v18 =	vmul.f32 v33, v31;
	v19 =	vld.idx.msk [tilespmem:v19+s18+$0x0], $0xffff  }
0x13f: {  	v24 =	vmul.f32 v47, v31;
	v33 =	vmul.f32 v42, v39;
	v16 =	vld.idx.msk [tilespmem:v34+s18+$0x0], $0xffff  }
0x140: {  	v26 =	vadd.f32 v18, v35;
	v18 =	vld.idx.msk [tilespmem:v30+s18+$0x0], $0xffff  }
0x141: {  	v24 =	vadd.f32 v24, v20;
	v25 =	vmul.f32 v21, v45;
	v20 =	vld.idx.msk [tilespmem:v40+s20+$0x0], $0xffff  }
.Ltmp2:
0x142: {  	v30 =	vadd.f32 v37, v26;
	v26 =	vmul.f32 v28, v45;
	v21 =	vld.idx.msk [tilespmem:v27+s18+$0x0], $0xffff;
	(pc) =	sbr.rel @p0 .LBB2_6-.Ltmp2, $4  }
0x143: {  	v24 =	vadd.f32 v43, v24;
	v27 =	vmul.f32 v15, v29;
	v15 =	vld.idx.msk [tilespmem:v48+s16+$0x0], $0xffff  }
0x144: {  	v28 =	vmul.f32 v32, v29;
	v30 =	vadd.f32 v22, v30;
	v22 =	vld.idx.msk [tilespmem:v41+s20+$0x0], $0xffff  }
0x145: {  	v31 =	vadd.f32 v44, v24;
	v29 =	vld.idx.msk [tilespmem:v38+s20+$0x0], $0xffff  }
0x146: {  	s24 =	sadd.s32 $0x10, s24;
	s25 =	sadd.s32 $0x10, s25;
	v30 =	vadd.f32 v33, v30;
	v24 =	vld.idx.msk [tilespmem:v36+s16+$0x0], $0xffff  }
0x147: {  	_ =	sdelay $0x2  }
0x148: {  	v23 =	vadd.f32 v23, v31  }
0x149: {  	v9 =	vld.idx.msk [tilespmem:v9+s18+$0x0], $0xffff;
	v25 =	vadd.f32 v25, v30  }
0x14a: {  	v7 =	vld.idx.msk [tilespmem:v7+s16+$0x0], $0xffff;
	v23 =	vadd.f32 v26, v23  }
0x14b: {  	v8 =	vld.idx.msk [tilespmem:v8+s16+$0x0], $0xffff;
	v19 =	vmul.f32 v19, v10;
	v25 =	vadd.f32 v27, v25  }
0x14c: {  	v6 =	vld.idx.msk [tilespmem:v6+s18+$0x0], $0xffff;
	v10 =	vmul.f32 v29, v10;
	v23 =	vadd.f32 v28, v23  }
0x14d: {  	v13 =	vld.idx.msk [tilespmem:v13+s20+$0x0], $0xffff;
	v17 =	vmul.f32 v17, v24;
	v19 =	vadd.f32 v19, v25  }
0x14e: {  	v3 =	vld.idx.msk [tilespmem:v3+s16+$0x0], $0xffff;
	v20 =	vmul.f32 v20, v24;
	v10 =	vadd.f32 v10, v23  }
0x14f: {  	v14 =	vld.idx.msk [tilespmem:v14+s20+$0x0], $0xffff;
	v17 =	vadd.f32 v17, v19;
	v19 =	vmul.f32 v21, v7  }
0x150: {  	v2 =	vld.idx.msk [tilespmem:v2+s16+$0x0], $0xffff;
	v7 =	vmul.f32 v22, v7;
	v10 =	vadd.f32 v20, v10  }
0x151: {  	v4 =	vld.idx.msk [tilespmem:v4+s20+$0x0], $0xffff;
	v18 =	vmul.f32 v18, v8;
	v17 =	vadd.f32 v19, v17  }
0x152: {  	v12 =	vld.idx.msk [tilespmem:v12+s16+$0x0], $0xffff;
	v8 =	vmul.f32 v13, v8;
	v7 =	vadd.f32 v7, v10  }
0x153: {  	v5 =	vld.idx.msk [tilespmem:v5+s20+$0x0], $0xffff;
	v13 =	vmul.f32 v16, v3;
	v10 =	vadd.f32 v18, v17  }
0x154: {  	v1 =	vld.idx.msk [tilespmem:v1+s18+$0x0], $0xffff;
	v3 =	vmul.f32 v14, v3;
	v7 =	vadd.f32 v8, v7  }
0x155: {  	v9 =	vmul.f32 v9, v2;
	v8 =	vld.idx.msk [tilespmem:v11+s20+$0x0], $0xffff;
	v10 =	vadd.f32 v13, v10  }
0x156: {  	v2 =	vmul.f32 v4, v2;
	v3 =	vadd.f32 v3, v7  }
0x157: {  	v6 =	vmul.f32 v6, v12;
	v4 =	vadd.f32 v9, v10  }
0x158: {  	v2 =	vadd.f32 v2, v3;
	v3 =	vmul.f32 v5, v12  }
0x159: {  	v1 =	vmul.f32 v1, v15;
	v4 =	vadd.f32 v6, v4  }
0x15a: {  	v2 =	vadd.f32 v3, v2;
	v3 =	vmul.f32 v8, v15  }
0x15b: {  	v1 =	vadd.f32 v1, v4  }
0x15c: {  	v2 =	vadd.f32 v3, v2  }
0x15d: {  	[tilespmem:s15+$0x0] =	vst v1  }
0x15e: {  	s13 =	simm.s32 $0x700;
	[tilespmem:s17+$0x0] =	vst v2  }
0x15f: {  	[tilespmem:s16], [sflag:$0x1] =	stream.indirect.gather [hbm4b:s3+s14], $0x80, s13, s14, $0xb8;
	[tilespmem:$0xD000] =	vst v63  }
0x160: {  	s23 =	simm.s32 $0x900  }
0x161: {  	[tilespmem:s18], [sflag:$0x1] =	stream.indirect.gather [hbm4b:s4+s14], $0x80, s23, s14, $0xb8;
	[tilespmem:$0xD000] =	vst v63  }
0x162: {  	_ = 	snop  }
0x163: {  	[tilespmem:s20], [sflag:$0x1] =	stream.indirect.gather [hbm4b:s4+s14], $0x80, s28, s14, $0xb8;
	[tilespmem:$0xD000] =	vst v63  }
0x164: {  	_ =	swait.ge [sflag:s21], $0x4000  }
0x165: {  	[sflag:s21] =	ssyncset.done $0x0  }
0x166: {  	[sflag:s21] =	ssyncadd.s32 $0xFFFFC000  }
0x167: {  	_ =	swait.ge [sflag:s21], $0x4000  }
0x168: {  	[sflag:s21] =	ssyncset.done $0x0  }
0x169: {  	[sflag:s21] =	ssyncadd.s32 $0xFFFFC000  }
0x16a: {  	_ =	swait.ge [sflag:s21], $0x4000  }
0x16b: {  	[sflag:s21] =	ssyncset.done $0x0  }
0x16c: {  	s24 =	simm.s32 $0x300;
	[sflag:s21] =	ssyncadd.s32 $0xFFFFC000  }
0x16d: {  	s13 =	simm.s32 $0x500;
	v1 =	vld [tilespmem:s24+$0x0]  }
0x16e: {  	s25 =	simm.s32 $0x100;
	v2 =	vld [tilespmem:s13+$0x0]  }
0x16f: {  	v3 =	vld [tilespmem:s25+$0x0]  }
0x170: {  	s26 =	simm.s32 $0x0  }
0x171: {  	v4 =	vmov s26  }
0x172: {  	v4 =	vshll.u32 v4, $0x7;
	v1 =	vshll.u32 v1, $0x4  }
0x173: {  	v4 =	vor.u32 v0, v4;
	v2 =	vshll.u32 v2, $0x4;
	v1 =	vand.u32 $0x70, v1  }
0x174: {  	v3 =	vshll.u32 v3, $0x4;
	v2 =	vand.u32 $0x70, v2;
	v5 =	vor.u32 v4, v1  }
0x175: {  	v3 =	vand.u32 $0x70, v3;
	v6 =	vor.u32 v4, v2  }
0x176: {  	v7 =	vor.u32 v4, v3  }
0x177: {  	v8 =	vor.u32 $0x1, v7  }
0x178: {  	v9 =	vor.u32 $0x1, v5  }
0x179: {  	v10 =	vor.u32 $0x3, v5;
	v11 =	vld.idx.msk [tilespmem:v5+s18+$0x0], $0xffff  }
0x17a: {  	v12 =	vor.u32 $0x6, v5;
	v13 =	vld.idx.msk [tilespmem:v6+s20+$0x0], $0xffff  }
0x17b: {  	v14 =	vor.u32 $0x5, v7;
	v15 =	vld.idx.msk [tilespmem:v7+s16+$0x0], $0xffff  }
0x17c: {  	v4 =	vor.u32 $0x8, v4;
	v17 =	vor.u32 $0x5, v5;
	v16 =	vld.idx.msk [tilespmem:v8+s16+$0x0], $0xffff  }
0x17d: {  	v23 =	vor.u32 v3, v4;
	v3 =	vor.u32 $0x4, v5;
	v18 =	vld.idx.msk [tilespmem:v9+s18+$0x0], $0xffff  }
0x17e: {  	v19 =	vor.u32 $0x4, v7;
	v20 =	vld.idx.msk [tilespmem:v10+s18+$0x0], $0xffff  }
0x17f: {  	v27 =	vor.u32 $0x2, v7;
	v22 =	vld.idx.msk [tilespmem:v12+s18+$0x0], $0xffff  }
0x180: {  	v31 =	vor.u32 v1, v4;
	v1 =	vor.u32 $0x6, v6;
	v24 =	vld.idx.msk [tilespmem:v14+s16+$0x0], $0xffff  }
0x181: {  	v34 =	vor.u32 $0x6, v7;
	v25 =	vld.idx.msk [tilespmem:v17+s18+$0x0], $0xffff  }
0x182: {  	v37 =	vor.u32 $0x7, v7;
	v29 =	vld.idx.msk [tilespmem:v3+s18+$0x0], $0xffff  }
0x183: {  	v40 =	vld.idx.msk [tilespmem:v19+s16+$0x0], $0xffff  }
0x184: {  	v8 =	vor.u32 $0x7, v6;
	v27 =	vld.idx.msk [tilespmem:v27+s16+$0x0], $0xffff  }
0x185: {  	v9 =	vor.u32 $0x5, v6;
	v44 =	vld.idx.msk [tilespmem:v1+s20+$0x0], $0xffff  }
0x186: {  	v10 =	vor.u32 $0x4, v6;
	v34 =	vld.idx.msk [tilespmem:v34+s16+$0x0], $0xffff  }
0x187: {  	v12 =	vor.u32 $0x1, v6;
	v60 =	vld.idx.msk [tilespmem:v37+s16+$0x0], $0xffff  }
0x188: {  	v14 =	vor.u32 $0x2, v6;
	v19 =	vld.idx.msk [tilespmem:v31+s18+$0x0], $0xffff  }
0x189: {  	v17 =	vor.u32 $0x2, v5;
	v28 =	vld.idx.msk [tilespmem:v8+s20+$0x0], $0xffff  }
0x18a: {  	v5 =	vor.u32 $0x7, v5;
	v26 =	vld.idx.msk [tilespmem:v9+s20+$0x0], $0xffff  }
0x18b: {  	v43 =	vor.u32 v2, v4;
	v33 =	vor.u32 $0x1, v31;
	v21 =	vld.idx.msk [tilespmem:v10+s20+$0x0], $0xffff;
	v9 =	vor.u32 $0x3, v7  }
0x18c: {  	v35 =	vor.u32 $0x2, v31;
	v38 =	vor.u32 $0x3, v31;
	v8 =	vor.u32 $0x3, v6;
	v12 =	vld.idx.msk [tilespmem:v12+s20+$0x0], $0xffff  }
0x18d: {  	v39 =	vor.u32 $0x4, v31;
	v41 =	vor.u32 $0x1, v23;
	v2 =	vor.u32 $0x5, v23;
	v14 =	vld.idx.msk [tilespmem:v14+s20+$0x0], $0xffff  }
0x18e: {  	v45 =	vor.u32 $0x2, v43;
	v61 =	vor.u32 $0x7, v23;
	v3 =	vor.u32 $0x4, v23;
	v36 =	vld.idx.msk [tilespmem:v17+s18+$0x0], $0xffff  }
0x18f: {  	v1 =	vor.u32 $0x7, v31;
	v4 =	vmul.f32 v11, v15;
	v11 =	vor.u32 $0x1, v43;
	v42 =	vld.idx.msk [tilespmem:v5+s18+$0x0], $0xffff  }
0x190: {  	v7 =	vor.u32 $0x2, v23;
	v6 =	vor.u32 $0x6, v31;
	v5 =	vmul.f32 v13, v15;
	v32 =	vld.idx.msk [tilespmem:v9+s16+$0x0], $0xffff  }
0x191: {  	v15 =	vmul.f32 v18, v16;
	v29 =	vmul.f32 v29, v40;
	v13 =	vadd.f32 $0.0e+00, v4;
	v30 =	vld.idx.msk [tilespmem:v8+s20+$0x0], $0xffff  }
0x192: {  	v10 =	vld.idx.msk [tilespmem:v23+s16+$0x0], $0xffff;
	v4 =	vor.u32 $0x5, v43;
	v18 =	vadd.f32 $0.0e+00, v5;
	v12 =	vmul.f32 v12, v16  }
0x193: {  	v17 =	vld.idx.msk [tilespmem:v33+s18+$0x0], $0xffff;
	v5 =	vor.u32 $0x6, v43;
	v15 =	vadd.f32 v15, v13;
	v36 =	vmul.f32 v36, v27  }
0x194: {  	v9 =	vor.u32 $0x5, v31;
	v16 =	vld.idx.msk [tilespmem:v39+s18+$0x0], $0xffff;
	v27 =	vmul.f32 v14, v27;
	v12 =	vadd.f32 v12, v18  }
0x195: {  	v62 =	vmul.f32 v21, v40;
	v21 =	vld.idx.msk [tilespmem:v35+s18+$0x0], $0xffff;
	v15 =	vadd.f32 v36, v15;
	v31 =	vmul.f32 v20, v32  }
0x196: {  	v8 =	vor.u32 $0x3, v23;
	v30 =	vmul.f32 v30, v32;
	v20 =	vld.idx.msk [tilespmem:v11+s20+$0x0], $0xffff;
	v11 =	vadd.f32 v27, v12  }
0x197: {  	v18 =	vld.idx.msk [tilespmem:v38+s18+$0x0], $0xffff;
	v12 =	vor.u32 $0x6, v23;
	v23 =	vmul.f32 v26, v24;
	v27 =	vadd.f32 v31, v15  }
0x198: {  	v24 =	vmul.f32 v25, v24;
	v25 =	vmul.f32 v22, v34;
	v22 =	vld.idx.msk [tilespmem:v45+s20+$0x0], $0xffff;
	v30 =	vadd.f32 v30, v11  }
0x199: {  	s19 =	simm.s32 $0xCF00;
	v13 =	vor.u32 $0x3, v43;
	v14 =	vor.u32 $0x4, v43;
	v15 =	vld.idx.msk [tilespmem:v61+s16+$0x0], $0xffff;
	v63 =	vadd.f32 v29, v27  }
0x19a: {  	s22 =	simm.s32 $0xCD00;
	s15 =	simm.s32 $0xCD00;
	s17 =	simm.s32 $0xCF00;
	v28 =	vmul.f32 v28, v60;
	v26 =	vmul.f32 v44, v34;
	v29 =	vld.idx.msk [tilespmem:v43+s20+$0x0], $0xffff;
	v31 =	vadd.f32 v62, v30  }
0x19b: {  	s23 =	simm.s32 $0x10;
	s24 =	simm.s32 $0x310;
	s25 =	simm.s32 $0x110;
	v11 =	vor.u32 $0x7, v43;
	v27 =	vmul.f32 v42, v60;
	v30 =	vadd.f32 v24, v63;
	v24 =	vld.idx.msk [tilespmem:v41+s16+$0x0], $0xffff  }
.LBB2_8:
0x19c: {  	v23 =	vadd.f32 v23, v31;
	v9 =	vld.idx.msk [tilespmem:v9+s18+$0x0], $0xffff;
	s19 =	sadd.s32 $0x10, s19;
	s22 =	sadd.s32 $0x10, s22;
	s13 =	sadd.s32 $0x10, s13  }
0x19d: {  	p0 =	sne.s32 s23, $0x70;
	s26 =	smov.u32 s23;
	s23 =	sadd.s32 $0x10, s23;
	v25 =	vadd.f32 v25, v30;
	v7 =	vld.idx.msk [tilespmem:v7+s16+$0x0], $0xffff  }
0x19e: {  	v23 =	vadd.f32 v26, v23;
	v8 =	vld.idx.msk [tilespmem:v8+s16+$0x0], $0xffff  }
0x19f: {  	v19 =	vmul.f32 v19, v10;
	v25 =	vadd.f32 v27, v25;
	v6 =	vld.idx.msk [tilespmem:v6+s18+$0x0], $0xffff  }
0x1a0: {  	v10 =	vmul.f32 v29, v10;
	v23 =	vadd.f32 v28, v23;
	v13 =	vld.idx.msk [tilespmem:v13+s20+$0x0], $0xffff  }
0x1a1: {  	v17 =	vmul.f32 v17, v24;
	v19 =	vadd.f32 v19, v25;
	v3 =	vld.idx.msk [tilespmem:v3+s16+$0x0], $0xffff  }
0x1a2: {  	v20 =	vmul.f32 v20, v24;
	v10 =	vadd.f32 v10, v23;
	v14 =	vld.idx.msk [tilespmem:v14+s20+$0x0], $0xffff  }
0x1a3: {  	v17 =	vadd.f32 v17, v19;
	v19 =	vmul.f32 v21, v7;
	v2 =	vld.idx.msk [tilespmem:v2+s16+$0x0], $0xffff  }
0x1a4: {  	v7 =	vmul.f32 v22, v7;
	v10 =	vadd.f32 v20, v10;
	v4 =	vld.idx.msk [tilespmem:v4+s20+$0x0], $0xffff  }
0x1a5: {  	v18 =	vmul.f32 v18, v8;
	v17 =	vadd.f32 v19, v17;
	v12 =	vld.idx.msk [tilespmem:v12+s16+$0x0], $0xffff  }
0x1a6: {  	v8 =	vmul.f32 v13, v8;
	v7 =	vadd.f32 v7, v10;
	v5 =	vld.idx.msk [tilespmem:v5+s20+$0x0], $0xffff  }
0x1a7: {  	v13 =	vmul.f32 v16, v3;
	v10 =	vadd.f32 v18, v17;
	v1 =	vld.idx.msk [tilespmem:v1+s18+$0x0], $0xffff  }
0x1a8: {  	v3 =	vmul.f32 v14, v3;
	v7 =	vadd.f32 v8, v7;
	v8 =	vld.idx.msk [tilespmem:v11+s20+$0x0], $0xffff  }
0x1a9: {  	v9 =	vmul.f32 v9, v2;
	v10 =	vadd.f32 v13, v10  }
0x1aa: {  	v2 =	vmul.f32 v4, v2;
	v3 =	vadd.f32 v3, v7  }
0x1ab: {  	v6 =	vmul.f32 v6, v12;
	v4 =	vadd.f32 v9, v10  }
0x1ac: {  	v2 =	vadd.f32 v2, v3;
	v3 =	vmul.f32 v5, v12  }
0x1ad: {  	v1 =	vmul.f32 v1, v15;
	v4 =	vadd.f32 v6, v4  }
0x1ae: {  	v2 =	vadd.f32 v3, v2;
	v3 =	vmul.f32 v8, v15  }
0x1af: {  	v1 =	vadd.f32 v1, v4  }
0x1b0: {  	v4 =	vmov s26;
	v2 =	vadd.f32 v3, v2  }
0x1b1: {  	v3 =	vshll.u32 v4, $0x7;
	[tilespmem:s15+$0x0] =	vst v1;
	s15 =	smov.u32 s22  }
0x1b2: {  	[tilespmem:s17+$0x0] =	vst v2;
	s17 =	smov.u32 s19  }
0x1b3: {  	v2 =	vor.u32 v0, v3;
	v1 =	vld [tilespmem:s24+$0x0]  }
0x1b4: {  	v3 =	vld [tilespmem:s13+$0x0]  }
0x1b5: {  	v4 =	vld [tilespmem:s25+$0x0]  }
0x1b6: {  	v5 =	vor.u32 $0x8, v2;
	_ =	sdelay $0x1  }
0x1b7: {  	v1 =	vshll.u32 v1, $0x4  }
0x1b8: {  	v1 =	vand.u32 $0x70, v1;
	v3 =	vshll.u32 v3, $0x4  }
0x1b9: {  	v4 =	vshll.u32 v4, $0x4;
	v10 =	vand.u32 $0x70, v3;
	v15 =	vor.u32 v2, v1  }
0x1ba: {  	v3 =	vand.u32 $0x70, v4;
	v4 =	vor.u32 v2, v10;
	v6 =	vor.u32 $0x1, v15  }
0x1bb: {  	v16 =	vor.u32 v2, v3;
	v11 =	vor.u32 $0x1, v4;
	v17 =	vor.u32 $0x2, v4  }
0x1bc: {  	v18 =	vor.u32 $0x3, v4;
	v12 =	vor.u32 $0x4, v4;
	v2 =	vor.u32 $0x1, v16  }
0x1bd: {  	v19 =	vor.u32 v1, v5;
	v14 =	vor.u32 $0x5, v15;
	v13 =	vor.u32 $0x5, v16  }
0x1be: {  	v1 =	vor.u32 $0x3, v15;
	v21 =	vor.u32 $0x6, v15;
	v22 =	vor.u32 $0x1, v19;
	v20 =	vld.idx.msk [tilespmem:v15+s18+$0x0], $0xffff  }
0x1bf: {  	v27 =	vor.u32 $0x2, v19;
	v24 =	vor.u32 $0x5, v4;
	v25 =	vor.u32 $0x6, v16;
	v23 =	vld.idx.msk [tilespmem:v4+s20+$0x0], $0xffff  }
0x1c0: {  	v30 =	vor.u32 $0x3, v19;
	v28 =	vor.u32 $0x6, v4;
	v29 =	vor.u32 $0x7, v16;
	v26 =	vld.idx.msk [tilespmem:v16+s16+$0x0], $0xffff  }
0x1c1: {  	v34 =	vor.u32 $0x4, v19;
	v32 =	vor.u32 $0x7, v4;
	v33 =	vor.u32 v3, v5;
	v31 =	vld.idx.msk [tilespmem:v2+s16+$0x0], $0xffff  }
0x1c2: {  	v9 =	vor.u32 $0x5, v19;
	v36 =	vor.u32 $0x1, v33;
	v7 =	vor.u32 $0x2, v33;
	v35 =	vld.idx.msk [tilespmem:v6+s18+$0x0], $0xffff  }
0x1c3: {  	v8 =	vor.u32 $0x3, v33;
	v3 =	vor.u32 $0x4, v33;
	v6 =	vor.u32 $0x6, v19;
	v37 =	vld.idx.msk [tilespmem:v1+s18+$0x0], $0xffff  }
0x1c4: {  	v38 =	vor.u32 v10, v5;
	v2 =	vor.u32 $0x5, v33;
	v1 =	vor.u32 $0x7, v19;
	v21 =	vld.idx.msk [tilespmem:v21+s18+$0x0], $0xffff  }
0x1c5: {  	v40 =	vor.u32 $0x1, v38;
	v41 =	vor.u32 $0x2, v38;
	v4 =	vor.u32 $0x5, v38;
	v39 =	vld.idx.msk [tilespmem:v13+s16+$0x0], $0xffff  }
0x1c6: {  	v10 =	vmul.f32 v20, v26;
	v20 =	vmul.f32 v23, v26;
	v13 =	vor.u32 $0x3, v38;
	v32 =	vld.idx.msk [tilespmem:v32+s20+$0x0], $0xffff  }
0x1c7: {  	v5 =	vor.u32 $0x6, v38;
	v23 =	vor.u32 $0x2, v16;
	v26 =	vor.u32 $0x4, v15;
	v42 =	vld.idx.msk [tilespmem:v14+s18+$0x0], $0xffff  }
0x1c8: {  	v43 =	vor.u32 $0x2, v15;
	v10 =	vadd.f32 $0.0e+00, v10;
	v35 =	vmul.f32 v35, v31;
	v24 =	vld.idx.msk [tilespmem:v24+s20+$0x0], $0xffff  }
0x1c9: {  	v20 =	vadd.f32 $0.0e+00, v20;
	v14 =	vor.u32 $0x4, v38;
	v44 =	vld.idx.msk [tilespmem:v12+s20+$0x0], $0xffff;
	v12 =	vor.u32 $0x6, v33  }
0x1ca: {  	v46 =	vor.u32 $0x3, v16;
	v35 =	vadd.f32 v35, v10;
	v45 =	vld.idx.msk [tilespmem:v11+s20+$0x0], $0xffff;
	v11 =	vor.u32 $0x7, v38  }
0x1cb: {  	v48 =	vor.u32 $0x7, v33;
	v16 =	vor.u32 $0x4, v16;
	v47 =	vld.idx.msk [tilespmem:v17+s20+$0x0], $0xffff  }
0x1cc: {  	v10 =	vld.idx.msk [tilespmem:v33+s16+$0x0], $0xffff  }
0x1cd: {  	v26 =	vld.idx.msk [tilespmem:v26+s18+$0x0], $0xffff  }
0x1ce: {  	v15 =	vor.u32 $0x7, v15;
	v17 =	vld.idx.msk [tilespmem:v18+s20+$0x0], $0xffff  }
0x1cf: {  	v18 =	vld.idx.msk [tilespmem:v46+s16+$0x0], $0xffff  }
0x1d0: {  	v31 =	vmul.f32 v45, v31;
	v33 =	vld.idx.msk [tilespmem:v43+s18+$0x0], $0xffff  }
0x1d1: {  	v16 =	vld.idx.msk [tilespmem:v16+s16+$0x0], $0xffff  }
0x1d2: {  	v20 =	vadd.f32 v31, v20;
	v31 =	vld.idx.msk [tilespmem:v23+s16+$0x0], $0xffff  }
0x1d3: {  	v15 =	vld.idx.msk [tilespmem:v15+s18+$0x0], $0xffff  }
0x1d4: {  	v28 =	vld.idx.msk [tilespmem:v28+s20+$0x0], $0xffff  }
0x1d5: {  	v37 =	vmul.f32 v37, v18;
	v43 =	vmul.f32 v17, v18;
	v45 =	vld.idx.msk [tilespmem:v25+s16+$0x0], $0xffff  }
0x1d6: {  	v17 =	vld.idx.msk [tilespmem:v22+s18+$0x0], $0xffff  }
0x1d7: {  	v22 =	vmul.f32 v26, v16;
	v44 =	vmul.f32 v44, v16;
	v29 =	vld.idx.msk [tilespmem:v29+s16+$0x0], $0xffff  }
0x1d8: {  	v23 =	vmul.f32 v24, v39;
	v18 =	vmul.f32 v33, v31;
	v19 =	vld.idx.msk [tilespmem:v19+s18+$0x0], $0xffff  }
0x1d9: {  	v24 =	vmul.f32 v47, v31;
	v33 =	vmul.f32 v42, v39;
	v16 =	vld.idx.msk [tilespmem:v34+s18+$0x0], $0xffff  }
0x1da: {  	v26 =	vadd.f32 v18, v35;
	v18 =	vld.idx.msk [tilespmem:v30+s18+$0x0], $0xffff  }
0x1db: {  	v24 =	vadd.f32 v24, v20;
	v25 =	vmul.f32 v21, v45;
	v20 =	vld.idx.msk [tilespmem:v40+s20+$0x0], $0xffff  }
.Ltmp3:
0x1dc: {  	v30 =	vadd.f32 v37, v26;
	v26 =	vmul.f32 v28, v45;
	v21 =	vld.idx.msk [tilespmem:v27+s18+$0x0], $0xffff;
	(pc) =	sbr.rel @p0 .LBB2_8-.Ltmp3, $4  }
0x1dd: {  	v24 =	vadd.f32 v43, v24;
	v27 =	vmul.f32 v15, v29;
	v15 =	vld.idx.msk [tilespmem:v48+s16+$0x0], $0xffff  }
0x1de: {  	v28 =	vmul.f32 v32, v29;
	v30 =	vadd.f32 v22, v30;
	v22 =	vld.idx.msk [tilespmem:v41+s20+$0x0], $0xffff  }
0x1df: {  	v31 =	vadd.f32 v44, v24;
	v29 =	vld.idx.msk [tilespmem:v38+s20+$0x0], $0xffff  }
0x1e0: {  	s24 =	sadd.s32 $0x10, s24;
	s25 =	sadd.s32 $0x10, s25;
	v30 =	vadd.f32 v33, v30;
	v24 =	vld.idx.msk [tilespmem:v36+s16+$0x0], $0xffff  }
0x1e1: {  	_ =	sdelay $0x2  }
0x1e2: {  	v23 =	vadd.f32 v23, v31  }
0x1e3: {  	v9 =	vld.idx.msk [tilespmem:v9+s18+$0x0], $0xffff;
	v25 =	vadd.f32 v25, v30  }
0x1e4: {  	v7 =	vld.idx.msk [tilespmem:v7+s16+$0x0], $0xffff;
	v23 =	vadd.f32 v26, v23  }
0x1e5: {  	v8 =	vld.idx.msk [tilespmem:v8+s16+$0x0], $0xffff;
	v19 =	vmul.f32 v19, v10;
	v25 =	vadd.f32 v27, v25  }
0x1e6: {  	v6 =	vld.idx.msk [tilespmem:v6+s18+$0x0], $0xffff;
	v10 =	vmul.f32 v29, v10;
	v23 =	vadd.f32 v28, v23  }
0x1e7: {  	v13 =	vld.idx.msk [tilespmem:v13+s20+$0x0], $0xffff;
	v17 =	vmul.f32 v17, v24;
	v19 =	vadd.f32 v19, v25  }
0x1e8: {  	v3 =	vld.idx.msk [tilespmem:v3+s16+$0x0], $0xffff;
	v20 =	vmul.f32 v20, v24;
	v10 =	vadd.f32 v10, v23  }
0x1e9: {  	v14 =	vld.idx.msk [tilespmem:v14+s20+$0x0], $0xffff;
	v17 =	vadd.f32 v17, v19;
	v19 =	vmul.f32 v21, v7  }
0x1ea: {  	v2 =	vld.idx.msk [tilespmem:v2+s16+$0x0], $0xffff;
	v7 =	vmul.f32 v22, v7;
	v10 =	vadd.f32 v20, v10  }
0x1eb: {  	v4 =	vld.idx.msk [tilespmem:v4+s20+$0x0], $0xffff;
	v18 =	vmul.f32 v18, v8;
	v17 =	vadd.f32 v19, v17  }
0x1ec: {  	v12 =	vld.idx.msk [tilespmem:v12+s16+$0x0], $0xffff;
	v8 =	vmul.f32 v13, v8;
	v7 =	vadd.f32 v7, v10  }
0x1ed: {  	v5 =	vld.idx.msk [tilespmem:v5+s20+$0x0], $0xffff;
	v13 =	vmul.f32 v16, v3;
	v10 =	vadd.f32 v18, v17  }
0x1ee: {  	v1 =	vld.idx.msk [tilespmem:v1+s18+$0x0], $0xffff;
	v3 =	vmul.f32 v14, v3;
	v7 =	vadd.f32 v8, v7  }
0x1ef: {  	v9 =	vmul.f32 v9, v2;
	v8 =	vld.idx.msk [tilespmem:v11+s20+$0x0], $0xffff;
	v10 =	vadd.f32 v13, v10  }
0x1f0: {  	v2 =	vmul.f32 v4, v2;
	v3 =	vadd.f32 v3, v7  }
0x1f1: {  	v6 =	vmul.f32 v6, v12;
	v4 =	vadd.f32 v9, v10  }
0x1f2: {  	v2 =	vadd.f32 v2, v3;
	v3 =	vmul.f32 v5, v12  }
0x1f3: {  	v1 =	vmul.f32 v1, v15;
	v4 =	vadd.f32 v6, v4  }
0x1f4: {  	v2 =	vadd.f32 v3, v2;
	v3 =	vmul.f32 v8, v15  }
0x1f5: {  	v1 =	vadd.f32 v1, v4  }
0x1f6: {  	v2 =	vadd.f32 v3, v2  }
0x1f7: {  	[tilespmem:s15+$0x0] =	vst v1  }
0x1f8: {  	[tilespmem:s17+$0x0] =	vst v2  }
0x1f9: {  	[tilespmem:s16], [sflag:$0x1] =	stream.indirect.gather [hbm4b:s3+s14], $0x80, s29, s14, $0xb8;
	[tilespmem:$0xD000] =	vst v63  }
0x1fa: {  	_ = 	snop  }
0x1fb: {  	[tilespmem:s18], [sflag:$0x1] =	stream.indirect.gather [hbm4b:s4+s14], $0x80, s30, s14, $0xb8;
	[tilespmem:$0xD000] =	vst v63  }
0x1fc: {  	_ = 	snop  }
0x1fd: {  	[tilespmem:s20], [sflag:$0x1] =	stream.indirect.gather [hbm4b:s4+s14], $0x80, s31, s14, $0xb8;
	[tilespmem:$0xD000] =	vst v63  }
0x1fe: {  	_ =	swait.ge [sflag:s21], $0x4000  }
0x1ff: {  	[sflag:s21] =	ssyncset.done $0x0  }
0x200: {  	[sflag:s21] =	ssyncadd.s32 $0xFFFFC000  }
0x201: {  	_ =	swait.ge [sflag:s21], $0x4000  }
0x202: {  	[sflag:s21] =	ssyncset.done $0x0  }
0x203: {  	[sflag:s21] =	ssyncadd.s32 $0xFFFFC000  }
0x204: {  	_ =	swait.ge [sflag:s21], $0x4000  }
0x205: {  	[sflag:s21] =	ssyncset.done $0x0  }
0x206: {  	s24 =	simm.s32 $0x380;
	[sflag:s21] =	ssyncadd.s32 $0xFFFFC000  }
0x207: {  	s13 =	simm.s32 $0x580;
	v1 =	vld [tilespmem:s24+$0x0]  }
0x208: {  	s25 =	simm.s32 $0x180;
	v2 =	vld [tilespmem:s13+$0x0]  }
0x209: {  	v3 =	vld [tilespmem:s25+$0x0]  }
0x20a: {  	s26 =	simm.s32 $0x0  }
0x20b: {  	v4 =	vmov s26  }
0x20c: {  	v4 =	vshll.u32 v4, $0x7;
	v1 =	vshll.u32 v1, $0x4  }
0x20d: {  	v4 =	vor.u32 v0, v4;
	v2 =	vshll.u32 v2, $0x4;
	v1 =	vand.u32 $0x70, v1  }
0x20e: {  	v3 =	vshll.u32 v3, $0x4;
	v2 =	vand.u32 $0x70, v2;
	v5 =	vor.u32 v4, v1  }
0x20f: {  	v3 =	vand.u32 $0x70, v3;
	v6 =	vor.u32 v4, v2  }
0x210: {  	v7 =	vor.u32 v4, v3  }
0x211: {  	v8 =	vor.u32 $0x1, v7  }
0x212: {  	v9 =	vor.u32 $0x1, v5  }
0x213: {  	v10 =	vor.u32 $0x3, v5;
	v11 =	vld.idx.msk [tilespmem:v5+s18+$0x0], $0xffff  }
0x214: {  	v12 =	vor.u32 $0x6, v5;
	v13 =	vld.idx.msk [tilespmem:v6+s20+$0x0], $0xffff  }
0x215: {  	v14 =	vor.u32 $0x5, v7;
	v15 =	vld.idx.msk [tilespmem:v7+s16+$0x0], $0xffff  }
0x216: {  	v4 =	vor.u32 $0x8, v4;
	v17 =	vor.u32 $0x5, v5;
	v16 =	vld.idx.msk [tilespmem:v8+s16+$0x0], $0xffff  }
0x217: {  	v23 =	vor.u32 v3, v4;
	v3 =	vor.u32 $0x4, v5;
	v18 =	vld.idx.msk [tilespmem:v9+s18+$0x0], $0xffff  }
0x218: {  	v19 =	vor.u32 $0x4, v7;
	v20 =	vld.idx.msk [tilespmem:v10+s18+$0x0], $0xffff  }
0x219: {  	v27 =	vor.u32 $0x2, v7;
	v22 =	vld.idx.msk [tilespmem:v12+s18+$0x0], $0xffff  }
0x21a: {  	v31 =	vor.u32 v1, v4;
	v1 =	vor.u32 $0x6, v6;
	v24 =	vld.idx.msk [tilespmem:v14+s16+$0x0], $0xffff  }
0x21b: {  	v34 =	vor.u32 $0x6, v7;
	v25 =	vld.idx.msk [tilespmem:v17+s18+$0x0], $0xffff  }
0x21c: {  	v37 =	vor.u32 $0x7, v7;
	v29 =	vld.idx.msk [tilespmem:v3+s18+$0x0], $0xffff  }
0x21d: {  	v40 =	vld.idx.msk [tilespmem:v19+s16+$0x0], $0xffff  }
0x21e: {  	v8 =	vor.u32 $0x7, v6;
	v27 =	vld.idx.msk [tilespmem:v27+s16+$0x0], $0xffff  }
0x21f: {  	v9 =	vor.u32 $0x5, v6;
	v44 =	vld.idx.msk [tilespmem:v1+s20+$0x0], $0xffff  }
0x220: {  	v10 =	vor.u32 $0x4, v6;
	v34 =	vld.idx.msk [tilespmem:v34+s16+$0x0], $0xffff  }
0x221: {  	v12 =	vor.u32 $0x1, v6;
	v60 =	vld.idx.msk [tilespmem:v37+s16+$0x0], $0xffff  }
0x222: {  	v14 =	vor.u32 $0x2, v6;
	v19 =	vld.idx.msk [tilespmem:v31+s18+$0x0], $0xffff  }
0x223: {  	v17 =	vor.u32 $0x2, v5;
	v28 =	vld.idx.msk [tilespmem:v8+s20+$0x0], $0xffff  }
0x224: {  	v5 =	vor.u32 $0x7, v5;
	v26 =	vld.idx.msk [tilespmem:v9+s20+$0x0], $0xffff  }
0x225: {  	v43 =	vor.u32 v2, v4;
	v33 =	vor.u32 $0x1, v31;
	v21 =	vld.idx.msk [tilespmem:v10+s20+$0x0], $0xffff;
	v9 =	vor.u32 $0x3, v7  }
0x226: {  	v35 =	vor.u32 $0x2, v31;
	v38 =	vor.u32 $0x3, v31;
	v8 =	vor.u32 $0x3, v6;
	v12 =	vld.idx.msk [tilespmem:v12+s20+$0x0], $0xffff  }
0x227: {  	v39 =	vor.u32 $0x4, v31;
	v41 =	vor.u32 $0x1, v23;
	v2 =	vor.u32 $0x5, v23;
	v14 =	vld.idx.msk [tilespmem:v14+s20+$0x0], $0xffff  }
0x228: {  	v45 =	vor.u32 $0x2, v43;
	v61 =	vor.u32 $0x7, v23;
	v3 =	vor.u32 $0x4, v23;
	v36 =	vld.idx.msk [tilespmem:v17+s18+$0x0], $0xffff  }
0x229: {  	v1 =	vor.u32 $0x7, v31;
	v4 =	vmul.f32 v11, v15;
	v11 =	vor.u32 $0x1, v43;
	v42 =	vld.idx.msk [tilespmem:v5+s18+$0x0], $0xffff  }
0x22a: {  	v7 =	vor.u32 $0x2, v23;
	v6 =	vor.u32 $0x6, v31;
	v5 =	vmul.f32 v13, v15;
	v32 =	vld.idx.msk [tilespmem:v9+s16+$0x0], $0xffff  }
0x22b: {  	v15 =	vmul.f32 v18, v16;
	v29 =	vmul.f32 v29, v40;
	v13 =	vadd.f32 $0.0e+00, v4;
	v30 =	vld.idx.msk [tilespmem:v8+s20+$0x0], $0xffff  }
0x22c: {  	v10 =	vld.idx.msk [tilespmem:v23+s16+$0x0], $0xffff;
	v4 =	vor.u32 $0x5, v43;
	v18 =	vadd.f32 $0.0e+00, v5;
	v12 =	vmul.f32 v12, v16  }
0x22d: {  	v17 =	vld.idx.msk [tilespmem:v33+s18+$0x0], $0xffff;
	v5 =	vor.u32 $0x6, v43;
	v15 =	vadd.f32 v15, v13;
	v36 =	vmul.f32 v36, v27  }
0x22e: {  	v9 =	vor.u32 $0x5, v31;
	v16 =	vld.idx.msk [tilespmem:v39+s18+$0x0], $0xffff;
	v27 =	vmul.f32 v14, v27;
	v12 =	vadd.f32 v12, v18  }
0x22f: {  	v62 =	vmul.f32 v21, v40;
	v21 =	vld.idx.msk [tilespmem:v35+s18+$0x0], $0xffff;
	v15 =	vadd.f32 v36, v15;
	v31 =	vmul.f32 v20, v32  }
0x230: {  	v8 =	vor.u32 $0x3, v23;
	v30 =	vmul.f32 v30, v32;
	v20 =	vld.idx.msk [tilespmem:v11+s20+$0x0], $0xffff;
	v11 =	vadd.f32 v27, v12  }
0x231: {  	v18 =	vld.idx.msk [tilespmem:v38+s18+$0x0], $0xffff;
	v12 =	vor.u32 $0x6, v23;
	v23 =	vmul.f32 v26, v24;
	v27 =	vadd.f32 v31, v15  }
0x232: {  	v24 =	vmul.f32 v25, v24;
	v25 =	vmul.f32 v22, v34;
	v22 =	vld.idx.msk [tilespmem:v45+s20+$0x0], $0xffff;
	v30 =	vadd.f32 v30, v11  }
0x233: {  	s19 =	simm.s32 $0xCF80;
	v13 =	vor.u32 $0x3, v43;
	v14 =	vor.u32 $0x4, v43;
	v15 =	vld.idx.msk [tilespmem:v61+s16+$0x0], $0xffff;
	v63 =	vadd.f32 v29, v27  }
0x234: {  	s22 =	simm.s32 $0xCD80;
	s23 =	simm.s32 $0x10;
	s15 =	simm.s32 $0xCD80;
	v28 =	vmul.f32 v28, v60;
	v26 =	vmul.f32 v44, v34;
	v29 =	vld.idx.msk [tilespmem:v43+s20+$0x0], $0xffff;
	v31 =	vadd.f32 v62, v30  }
0x235: {  	s17 =	simm.s32 $0xCF80;
	s24 =	simm.s32 $0x390;
	s25 =	simm.s32 $0x190;
	v11 =	vor.u32 $0x7, v43;
	v27 =	vmul.f32 v42, v60;
	v30 =	vadd.f32 v24, v63;
	v24 =	vld.idx.msk [tilespmem:v41+s16+$0x0], $0xffff  }
.LBB2_10:
0x236: {  	v23 =	vadd.f32 v23, v31;
	v9 =	vld.idx.msk [tilespmem:v9+s18+$0x0], $0xffff;
	s19 =	sadd.s32 $0x10, s19;
	s22 =	sadd.s32 $0x10, s22;
	s13 =	sadd.s32 $0x10, s13  }
0x237: {  	p0 =	sne.s32 s23, $0x70;
	s26 =	smov.u32 s23;
	s23 =	sadd.s32 $0x10, s23;
	v25 =	vadd.f32 v25, v30;
	v7 =	vld.idx.msk [tilespmem:v7+s16+$0x0], $0xffff  }
0x238: {  	v23 =	vadd.f32 v26, v23;
	v8 =	vld.idx.msk [tilespmem:v8+s16+$0x0], $0xffff  }
0x239: {  	v19 =	vmul.f32 v19, v10;
	v25 =	vadd.f32 v27, v25;
	v6 =	vld.idx.msk [tilespmem:v6+s18+$0x0], $0xffff  }
0x23a: {  	v10 =	vmul.f32 v29, v10;
	v23 =	vadd.f32 v28, v23;
	v13 =	vld.idx.msk [tilespmem:v13+s20+$0x0], $0xffff  }
0x23b: {  	v17 =	vmul.f32 v17, v24;
	v19 =	vadd.f32 v19, v25;
	v3 =	vld.idx.msk [tilespmem:v3+s16+$0x0], $0xffff  }
0x23c: {  	v20 =	vmul.f32 v20, v24;
	v10 =	vadd.f32 v10, v23;
	v14 =	vld.idx.msk [tilespmem:v14+s20+$0x0], $0xffff  }
0x23d: {  	v17 =	vadd.f32 v17, v19;
	v19 =	vmul.f32 v21, v7;
	v2 =	vld.idx.msk [tilespmem:v2+s16+$0x0], $0xffff  }
0x23e: {  	v7 =	vmul.f32 v22, v7;
	v10 =	vadd.f32 v20, v10;
	v4 =	vld.idx.msk [tilespmem:v4+s20+$0x0], $0xffff  }
0x23f: {  	v18 =	vmul.f32 v18, v8;
	v17 =	vadd.f32 v19, v17;
	v12 =	vld.idx.msk [tilespmem:v12+s16+$0x0], $0xffff  }
0x240: {  	v8 =	vmul.f32 v13, v8;
	v7 =	vadd.f32 v7, v10;
	v5 =	vld.idx.msk [tilespmem:v5+s20+$0x0], $0xffff  }
0x241: {  	v13 =	vmul.f32 v16, v3;
	v10 =	vadd.f32 v18, v17;
	v1 =	vld.idx.msk [tilespmem:v1+s18+$0x0], $0xffff  }
0x242: {  	v3 =	vmul.f32 v14, v3;
	v7 =	vadd.f32 v8, v7;
	v8 =	vld.idx.msk [tilespmem:v11+s20+$0x0], $0xffff  }
0x243: {  	v9 =	vmul.f32 v9, v2;
	v10 =	vadd.f32 v13, v10  }
0x244: {  	v2 =	vmul.f32 v4, v2;
	v3 =	vadd.f32 v3, v7  }
0x245: {  	v6 =	vmul.f32 v6, v12;
	v4 =	vadd.f32 v9, v10  }
0x246: {  	v2 =	vadd.f32 v2, v3;
	v3 =	vmul.f32 v5, v12  }
0x247: {  	v1 =	vmul.f32 v1, v15;
	v4 =	vadd.f32 v6, v4  }
0x248: {  	v2 =	vadd.f32 v3, v2;
	v3 =	vmul.f32 v8, v15  }
0x249: {  	v1 =	vadd.f32 v1, v4  }
0x24a: {  	v4 =	vmov s26;
	v2 =	vadd.f32 v3, v2  }
0x24b: {  	v3 =	vshll.u32 v4, $0x7;
	[tilespmem:s15+$0x0] =	vst v1;
	s15 =	smov.u32 s22  }
0x24c: {  	[tilespmem:s17+$0x0] =	vst v2;
	s17 =	smov.u32 s19  }
0x24d: {  	v2 =	vor.u32 v0, v3;
	v1 =	vld [tilespmem:s24+$0x0]  }
0x24e: {  	v3 =	vld [tilespmem:s13+$0x0]  }
0x24f: {  	v4 =	vld [tilespmem:s25+$0x0]  }
0x250: {  	v5 =	vor.u32 $0x8, v2;
	_ =	sdelay $0x1  }
0x251: {  	v1 =	vshll.u32 v1, $0x4  }
0x252: {  	v1 =	vand.u32 $0x70, v1;
	v3 =	vshll.u32 v3, $0x4  }
0x253: {  	v4 =	vshll.u32 v4, $0x4;
	v10 =	vand.u32 $0x70, v3;
	v15 =	vor.u32 v2, v1  }
0x254: {  	v3 =	vand.u32 $0x70, v4;
	v4 =	vor.u32 v2, v10;
	v6 =	vor.u32 $0x1, v15  }
0x255: {  	v16 =	vor.u32 v2, v3;
	v11 =	vor.u32 $0x1, v4;
	v17 =	vor.u32 $0x2, v4  }
0x256: {  	v18 =	vor.u32 $0x3, v4;
	v12 =	vor.u32 $0x4, v4;
	v2 =	vor.u32 $0x1, v16  }
0x257: {  	v19 =	vor.u32 v1, v5;
	v14 =	vor.u32 $0x5, v15;
	v13 =	vor.u32 $0x5, v16  }
0x258: {  	v1 =	vor.u32 $0x3, v15;
	v21 =	vor.u32 $0x6, v15;
	v22 =	vor.u32 $0x1, v19;
	v20 =	vld.idx.msk [tilespmem:v15+s18+$0x0], $0xffff  }
0x259: {  	v27 =	vor.u32 $0x2, v19;
	v24 =	vor.u32 $0x5, v4;
	v25 =	vor.u32 $0x6, v16;
	v23 =	vld.idx.msk [tilespmem:v4+s20+$0x0], $0xffff  }
0x25a: {  	v30 =	vor.u32 $0x3, v19;
	v28 =	vor.u32 $0x6, v4;
	v29 =	vor.u32 $0x7, v16;
	v26 =	vld.idx.msk [tilespmem:v16+s16+$0x0], $0xffff  }
0x25b: {  	v34 =	vor.u32 $0x4, v19;
	v32 =	vor.u32 $0x7, v4;
	v33 =	vor.u32 v3, v5;
	v31 =	vld.idx.msk [tilespmem:v2+s16+$0x0], $0xffff  }
0x25c: {  	v9 =	vor.u32 $0x5, v19;
	v36 =	vor.u32 $0x1, v33;
	v7 =	vor.u32 $0x2, v33;
	v35 =	vld.idx.msk [tilespmem:v6+s18+$0x0], $0xffff  }
0x25d: {  	v8 =	vor.u32 $0x3, v33;
	v3 =	vor.u32 $0x4, v33;
	v6 =	vor.u32 $0x6, v19;
	v37 =	vld.idx.msk [tilespmem:v1+s18+$0x0], $0xffff  }
0x25e: {  	v38 =	vor.u32 v10, v5;
	v2 =	vor.u32 $0x5, v33;
	v1 =	vor.u32 $0x7, v19;
	v21 =	vld.idx.msk [tilespmem:v21+s18+$0x0], $0xffff  }
0x25f: {  	v40 =	vor.u32 $0x1, v38;
	v41 =	vor.u32 $0x2, v38;
	v4 =	vor.u32 $0x5, v38;
	v39 =	vld.idx.msk [tilespmem:v13+s16+$0x0], $0xffff  }
0x260: {  	v10 =	vmul.f32 v20, v26;
	v20 =	vmul.f32 v23, v26;
	v13 =	vor.u32 $0x3, v38;
	v32 =	vld.idx.msk [tilespmem:v32+s20+$0x0], $0xffff  }
0x261: {  	v5 =	vor.u32 $0x6, v38;
	v23 =	vor.u32 $0x2, v16;
	v26 =	vor.u32 $0x4, v15;
	v42 =	vld.idx.msk [tilespmem:v14+s18+$0x0], $0xffff  }
0x262: {  	v43 =	vor.u32 $0x2, v15;
	v10 =	vadd.f32 $0.0e+00, v10;
	v35 =	vmul.f32 v35, v31;
	v24 =	vld.idx.msk [tilespmem:v24+s20+$0x0], $0xffff  }
0x263: {  	v20 =	vadd.f32 $0.0e+00, v20;
	v14 =	vor.u32 $0x4, v38;
	v44 =	vld.idx.msk [tilespmem:v12+s20+$0x0], $0xffff;
	v12 =	vor.u32 $0x6, v33  }
0x264: {  	v46 =	vor.u32 $0x3, v16;
	v35 =	vadd.f32 v35, v10;
	v45 =	vld.idx.msk [tilespmem:v11+s20+$0x0], $0xffff;
	v11 =	vor.u32 $0x7, v38  }
0x265: {  	v48 =	vor.u32 $0x7, v33;
	v16 =	vor.u32 $0x4, v16;
	v47 =	vld.idx.msk [tilespmem:v17+s20+$0x0], $0xffff  }
0x266: {  	v10 =	vld.idx.msk [tilespmem:v33+s16+$0x0], $0xffff  }
0x267: {  	v26 =	vld.idx.msk [tilespmem:v26+s18+$0x0], $0xffff  }
0x268: {  	v15 =	vor.u32 $0x7, v15;
	v17 =	vld.idx.msk [tilespmem:v18+s20+$0x0], $0xffff  }
0x269: {  	v18 =	vld.idx.msk [tilespmem:v46+s16+$0x0], $0xffff  }
0x26a: {  	v31 =	vmul.f32 v45, v31;
	v33 =	vld.idx.msk [tilespmem:v43+s18+$0x0], $0xffff  }
0x26b: {  	v16 =	vld.idx.msk [tilespmem:v16+s16+$0x0], $0xffff  }
0x26c: {  	v20 =	vadd.f32 v31, v20;
	v31 =	vld.idx.msk [tilespmem:v23+s16+$0x0], $0xffff  }
0x26d: {  	v15 =	vld.idx.msk [tilespmem:v15+s18+$0x0], $0xffff  }
0x26e: {  	v28 =	vld.idx.msk [tilespmem:v28+s20+$0x0], $0xffff  }
0x26f: {  	v37 =	vmul.f32 v37, v18;
	v43 =	vmul.f32 v17, v18;
	v45 =	vld.idx.msk [tilespmem:v25+s16+$0x0], $0xffff  }
0x270: {  	v17 =	vld.idx.msk [tilespmem:v22+s18+$0x0], $0xffff  }
0x271: {  	v22 =	vmul.f32 v26, v16;
	v44 =	vmul.f32 v44, v16;
	v29 =	vld.idx.msk [tilespmem:v29+s16+$0x0], $0xffff  }
0x272: {  	v23 =	vmul.f32 v24, v39;
	v18 =	vmul.f32 v33, v31;
	v19 =	vld.idx.msk [tilespmem:v19+s18+$0x0], $0xffff  }
0x273: {  	v24 =	vmul.f32 v47, v31;
	v33 =	vmul.f32 v42, v39;
	v16 =	vld.idx.msk [tilespmem:v34+s18+$0x0], $0xffff  }
0x274: {  	v26 =	vadd.f32 v18, v35;
	v18 =	vld.idx.msk [tilespmem:v30+s18+$0x0], $0xffff  }
0x275: {  	v24 =	vadd.f32 v24, v20;
	v25 =	vmul.f32 v21, v45;
	v20 =	vld.idx.msk [tilespmem:v40+s20+$0x0], $0xffff  }
.Ltmp4:
0x276: {  	v30 =	vadd.f32 v37, v26;
	v26 =	vmul.f32 v28, v45;
	v21 =	vld.idx.msk [tilespmem:v27+s18+$0x0], $0xffff;
	(pc) =	sbr.rel @p0 .LBB2_10-.Ltmp4, $4  }
0x277: {  	v24 =	vadd.f32 v43, v24;
	v27 =	vmul.f32 v15, v29;
	v15 =	vld.idx.msk [tilespmem:v48+s16+$0x0], $0xffff  }
0x278: {  	v28 =	vmul.f32 v32, v29;
	v30 =	vadd.f32 v22, v30;
	v22 =	vld.idx.msk [tilespmem:v41+s20+$0x0], $0xffff  }
0x279: {  	v31 =	vadd.f32 v44, v24;
	v29 =	vld.idx.msk [tilespmem:v38+s20+$0x0], $0xffff  }
0x27a: {  	s24 =	sadd.s32 $0x10, s24;
	s25 =	sadd.s32 $0x10, s25;
	v30 =	vadd.f32 v33, v30;
	v24 =	vld.idx.msk [tilespmem:v36+s16+$0x0], $0xffff  }
0x27b: {  	_ =	sdelay $0x2  }
0x27c: {  	v23 =	vadd.f32 v23, v31  }
0x27d: {  	v9 =	vld.idx.msk [tilespmem:v9+s18+$0x0], $0xffff;
	v25 =	vadd.f32 v25, v30  }
0x27e: {  	v7 =	vld.idx.msk [tilespmem:v7+s16+$0x0], $0xffff;
	v23 =	vadd.f32 v26, v23  }
0x27f: {  	v8 =	vld.idx.msk [tilespmem:v8+s16+$0x0], $0xffff;
	v19 =	vmul.f32 v19, v10;
	v25 =	vadd.f32 v27, v25  }
0x280: {  	v6 =	vld.idx.msk [tilespmem:v6+s18+$0x0], $0xffff;
	v58 =	vmul.f32 v29, v10;
	v23 =	vadd.f32 v28, v23  }
0x281: {  	v13 =	vld.idx.msk [tilespmem:v13+s20+$0x0], $0xffff;
	v17 =	vmul.f32 v17, v24;
	v19 =	vadd.f32 v19, v25  }
0x282: {  	v3 =	vld.idx.msk [tilespmem:v3+s16+$0x0], $0xffff;
	v20 =	vmul.f32 v20, v24;
	v10 =	vadd.f32 v58, v23  }
0x283: {  	v14 =	vld.idx.msk [tilespmem:v14+s20+$0x0], $0xffff;
	v59 =	vmul.f32 v21, v7;
	v17 =	vadd.f32 v17, v19  }
0x284: {  	v2 =	vld.idx.msk [tilespmem:v2+s16+$0x0], $0xffff;
	v7 =	vmul.f32 v22, v7;
	v10 =	vadd.f32 v20, v10  }
0x285: {  	v4 =	vld.idx.msk [tilespmem:v4+s20+$0x0], $0xffff;
	v18 =	vmul.f32 v18, v8;
	v17 =	vadd.f32 v59, v17  }
0x286: {  	v12 =	vld.idx.msk [tilespmem:v12+s16+$0x0], $0xffff;
	v8 =	vmul.f32 v13, v8;
	v7 =	vadd.f32 v7, v10  }
0x287: {  	v5 =	vld.idx.msk [tilespmem:v5+s20+$0x0], $0xffff;
	v61 =	vmul.f32 v16, v3;
	v60 =	vadd.f32 v18, v17  }
0x288: {  	v1 =	vld.idx.msk [tilespmem:v1+s18+$0x0], $0xffff;
	v3 =	vmul.f32 v14, v3;
	v7 =	vadd.f32 v8, v7  }
0x289: {  	v62 =	vld.idx.msk [tilespmem:v11+s20+$0x0], $0xffff;
	v9 =	vmul.f32 v9, v2;
	v10 =	vadd.f32 v61, v60  }
0x28a: {  	v2 =	vmul.f32 v4, v2;
	v3 =	vadd.f32 v3, v7  }
0x28b: {  	v6 =	vmul.f32 v6, v12;
	v63 =	vadd.f32 v9, v10  }
0x28c: {  	v2 =	vadd.f32 v2, v3;
	v3 =	vmul.f32 v5, v12  }
0x28d: {  	v1 =	vmul.f32 v1, v15;
	v4 =	vadd.f32 v6, v63  }
0x28e: {  	v2 =	vadd.f32 v3, v2;
	v3 =	vmul.f32 v62, v15  }
0x28f: {  	v1 =	vadd.f32 v1, v4  }
0x290: {  	v2 =	vadd.f32 v3, v2  }
0x291: {  	[tilespmem:s15+$0x0] =	vst v1  }
0x292: {  	[tilespmem:s17+$0x0] =	vst v2  }
0x293: {  	[hbm4b:s8+s1] =	stream.linear.scatter [tilespmem:s0], [sflag:$0x2], $0x200, $0x38;
	[tilespmem:$0xD000] =	vst v63  }
0x294: {  	s12 =	sadd.s32 $0x1, s12;
	_ =	swait.ge [sflag:s11], $0x200  }
0x295: {  	p0 =	sne.s32 s12, s10;
	[sflag:s11] =	ssyncset.done $0x0  }
.Ltmp5:
0x296: {  	[sflag:s11] =	ssyncadd.s32 $0xFFFFFE00;
	(pc) =	sbr.rel @p0 .LBB2_1-.Ltmp5, $4  }
0x297: {  	[hbm4b:s9+s1] =	stream.linear.scatter [tilespmem:s2], [sflag:$0x2], $0x200, $0x38;
	[tilespmem:$0xD000] =	vst v63  }
0x298: {  	_ =	swait.ge [sflag:s11], $0x200  }
0x299: {  	[sflag:s11] =	ssyncset.done $0x0  }
0x29a: {  	[sflag:s11] =	ssyncadd.s32 $0xFFFFFE00  }
0x29b: {  	_ =	sfence.sel $0x180000  }
0x29c: {  	[bflag:$0x0] =	sbarrier.arrive $0xFFFF  }
0x29d: {  	_ =	strace $0x90000047  }
0x29e: {  	s0 =	stileid.u32;
	[bflag:$0x2] =	sbarrier.arrive $0xFFFF  }
0x29f: {  	p0 =	sne.s32 s0, $0x0;
	s0 =	rddreg [dreg:$0x6]  }
0x2a0: {  	s0 =	sadd.s32 @!p0 $0x100000, s0  }
0x2a1: {  	[sflag:s0] =	ssyncadd.tile.s32 @!p0 $0x1;
	_ =	shalt  }
.Lfunc_end2:
_tile_overlayer_lowered:
.L_overlay_start_2:
0x2a2: {  	(tag) =	ssettag $0x2  }
0x2a3: {  	s0 =	rddreg [dreg:$0x0];
	s2 =	stileid.u32  }
0x2a4: {  	s1 =	rddreg [dreg:$0x1];
	p0 =	sne.s32 s2, $0x0  }
0x2a5: {  	s3 =	rddreg [dreg:$0x2];
	[bflag:$0x3] =	sbarrier.arrive $0xFFFF;
	s2 =	simm.s32 @!p0 $0x1C02  }
0x2a6: {  	[timem:s3], [sflag:s2] =	dma.local @!p0 [hbm:s0], s1  }
0x2a7: {  	s0 =	simm.s32 @!p0 $0x2  }
0x2a8: {  	_ =	swait.ge @!p0 [sflag:s0], s1  }
0x2a9: {  	s1 =	ssub.s32 @!p0 $0x0, s1;
	[sflag:s0] =	ssyncset.done @!p0 $0x0  }
0x2aa: {  	[sflag:s0] =	ssyncadd.s32 @!p0 s1  }
0x2ab: {  	[bflag:$0x3] =	sbarrier.arrive $0xFFFF  }
0x2ac: {  	_ =	shalt  }

</sc_bundles>
